<compile_context>
chip_gen: v7x
topology: tpu7x:2x2x1
jax: 0.10.2.dev20260603
libtpu: 0.0.44.dev20260713+nightly
codegen_flags: <defaults>
</compile_context>

<pallas_src>
import functools

import jax
import jax.numpy as jnp
from jax import lax
from jax.experimental import pallas as pl
from jax.experimental.pallas import tpu as pltpu
from jax.experimental.pallas import tpu_sc as plsc

VOCAB = 100000
EMBED_DIM = 64
MAX_PACKED = 4
NUM_TOKENS = 16384

_INFO = plsc.get_sparse_core_info()
_NC = _INFO.num_cores
_NS = _INFO.num_subcores
_NW = _NC * _NS
_NROWS = MAX_PACKED * EMBED_DIM
_NBLK_FULL = VOCAB // 128
_TAIL = VOCAB - _NBLK_FULL * 128
_TAIL_WID = _NBLK_FULL % _NW
_VMASK = (1 << 17) - 1
_ACHUNK = 4096


def _gather_body(x_hbm, base_hbm, tt_hbm, out_hbm,
                 xc, bc, tok_l, flat_l, blockbuf2, tailbuf,
                 acc_tok, acc_flat, outstage2, scatidx, bsem, ssem):
    wid = lax.axis_index("s") * _NC + lax.axis_index("c")
    iota = lax.iota(jnp.int32, 16)

    pltpu.async_copy(
        tt_hbm.at[:, pl.ds(pl.multiple_of(wid * 128, 128), 128)],
        blockbuf2.at[0],
        bsem,
    )

    def chunk(q, cnt):
        pltpu.sync_copy(x_hbm.at[pl.ds(q * _ACHUNK, _ACHUNK)], xc)
        pltpu.sync_copy(base_hbm.at[pl.ds(q * _ACHUNK, _ACHUNK)], bc)

        def scan(i, cnt2):
            v = xc[pl.ds(i * 16, 16)]
            s = bc[pl.ds(i * 16, 16)]
            blk = lax.shift_right_logical(v, 7)
            mine = (blk % _NW) == jnp.broadcast_to(wid, (16,))
            tok = iota + jnp.broadcast_to(q * _ACHUNK + i * 16, (16,))
            flat = lax.shift_left(s, 17) | v
            pref = plsc.cumsum(mine.astype(jnp.int32))
            pos = jnp.broadcast_to(cnt2, (16,)) + pref - 1
            plsc.store_scatter(tok_l, [pos], tok, mask=mine)
            plsc.store_scatter(flat_l, [pos], flat, mask=mine)
            return cnt2 + pref[15]

        return lax.fori_loop(0, _ACHUNK // 16, scan, cnt)

    cnt = lax.fori_loop(0, NUM_TOKENS // _ACHUNK, chunk, jnp.int32(0))
    nvregs = (cnt + 15) // 16

    def emit_chunk(nvalid, bsel, ec):
        ob = ec & 1

        @pl.when(ec >= 2)
        def _():
            pltpu.make_async_copy(
                out_hbm.at[pl.ds(0, 16)], outstage2.at[0], ssem
            ).wait()

        nv = jnp.broadcast_to(nvalid, (16,))
        lanemask = iota < nv
        tokv = acc_tok[pl.ds(0, 16)]
        flatv = acc_flat[pl.ds(0, 16)]
        tok_last = acc_tok[pl.ds(nvalid - 1, 16)][0]
        flat_last = acc_flat[pl.ds(nvalid - 1, 16)][0]
        idxv = jnp.where(lanemask, tokv, jnp.broadcast_to(tok_last, (16,)))
        flatc = jnp.where(lanemask, flatv, jnp.broadcast_to(flat_last, (16,)))
        obvec = jnp.broadcast_to(ob, (16,))
        plsc.store_scatter(scatidx, [obvec, iota], idxv)
        vvec = flatc & _VMASK
        lane_vec = vvec & 127
        row0_vec = lax.shift_left(lax.shift_right_logical(flatc, 17), 6)

        bselv = jnp.broadcast_to(bsel, (16,))

        def extract(c2, carry):
            for d in range(2):
                cv = jnp.broadcast_to(c2 * 2 + d, (16,))
                vals = plsc.load_gather(
                    blockbuf2, [bselv, row0_vec + cv, lane_vec]
                )
                plsc.store_scatter(outstage2, [obvec, iota, cv], vals)
            return carry

        lax.fori_loop(0, EMBED_DIM // 2, extract, jnp.int32(0))

        @pl.when(ob == 0)
        def _():
            pltpu.async_copy(
                outstage2.at[0], out_hbm.at[scatidx.at[0]], ssem
            )

        @pl.when(ob == 1)
        def _():
            pltpu.async_copy(
                outstage2.at[1], out_hbm.at[scatidx.at[1]], ssem
            )

        return ec + 1

    def process_block(B, bsel, ec):
        def scan2(i, carry):
            acnt, ec = carry
            valid = (jnp.broadcast_to(i * 16, (16,)) + iota) \
                < jnp.broadcast_to(cnt, (16,))
            fl = flat_l[pl.ds(i * 16, 16)]
            tk = tok_l[pl.ds(i * 16, 16)]
            m = valid & (lax.shift_right_logical(fl & _VMASK, 7)
                         == jnp.broadcast_to(B, (16,)))
            pref = plsc.cumsum(m.astype(jnp.int32))
            pos = jnp.broadcast_to(acnt, (16,)) + pref - 1
            plsc.store_scatter(acc_tok, [pos], tk, mask=m)
            plsc.store_scatter(acc_flat, [pos], fl, mask=m)
            acnt = acnt + pref[15]

            def flush(carry):
                a, e = carry
                e = emit_chunk(jnp.int32(16), bsel, e)
                t = acc_tok[pl.ds(16, 16)]
                f = acc_flat[pl.ds(16, 16)]
                acc_tok[pl.ds(0, 16)] = t
                acc_flat[pl.ds(0, 16)] = f
                return (a - 16, e)

            return lax.cond(acnt >= 16, flush, lambda carry: carry, (acnt, ec))

        acnt, ec2 = lax.fori_loop(0, nvregs, scan2, (jnp.int32(0), ec))

        def final(e):
            return emit_chunk(acnt, bsel, e)

        return lax.cond(acnt > 0, final, lambda e: e, ec2)

    nfull = jnp.where(wid <= (_NBLK_FULL - 1) % _NW,
                      1 + (_NBLK_FULL - 1) // _NW,
                      (_NBLK_FULL + _NW - 1 - wid) // _NW)

    def fire_block(j, b):
        B = wid + _NW * j
        off = pl.multiple_of(B * 128, 128)
        pltpu.async_copy(
            tt_hbm.at[:, pl.ds(off, 128)], blockbuf2.at[b], bsem
        )

    def blk_loop(j, ecnt):
        pltpu.make_async_copy(
            tt_hbm.at[:, pl.ds(0, 128)], blockbuf2.at[0], bsem
        ).wait()
        b = j & 1

        @pl.when((j + 1 < nfull) & (b == 0))
        def _():
            fire_block(j + 1, 1)

        @pl.when((j + 1 < nfull) & (b == 1))
        def _():
            fire_block(j + 1, 0)

        return process_block(wid + _NW * j, b, ecnt)

    ecnt = lax.fori_loop(0, nfull, blk_loop, jnp.int32(0))

    def tail(ec):
        def stage_tail(q, c):
            r0 = q * 64
            pltpu.sync_copy(
                tt_hbm.at[pl.ds(r0, 64), pl.ds(_NBLK_FULL * 128, _TAIL)],
                tailbuf,
            )

            def cp(r, c2):
                blockbuf2[0, r0 + r, pl.ds(0, 16)] = tailbuf[r, pl.ds(0, 16)]
                blockbuf2[0, r0 + r, pl.ds(16, 16)] = tailbuf[r, pl.ds(16, 16)]
                return c2

            lax.fori_loop(0, 64, cp, jnp.int32(0))
            return c

        lax.fori_loop(0, _NROWS // 64, stage_tail, jnp.int32(0))
        return process_block(jnp.int32(_NBLK_FULL), jnp.int32(0), ec)

    ecnt = lax.cond(wid == _TAIL_WID, tail, lambda e: e, ecnt)

    @pl.when(ecnt >= 1)
    def _():
        pltpu.make_async_copy(
            out_hbm.at[pl.ds(0, 16)], outstage2.at[0], ssem
        ).wait()

    @pl.when(ecnt >= 2)
    def _():
        pltpu.make_async_copy(
            out_hbm.at[pl.ds(0, 16)], outstage2.at[0], ssem
        ).wait()


@jax.jit
def _embedding_gather(x, base_indices, tt2d):
    mesh = plsc.VectorSubcoreMesh(core_axis_name="c", subcore_axis_name="s")
    kern = functools.partial(
        pl.kernel,
        mesh=mesh,
        compiler_params=pltpu.CompilerParams(needs_layout_passes=False),
        out_type=jax.ShapeDtypeStruct((NUM_TOKENS, 128), jnp.float32),
        scratch_types=[
            pltpu.VMEM((_ACHUNK,), jnp.int32),
            pltpu.VMEM((_ACHUNK,), jnp.int32),
            pltpu.VMEM((NUM_TOKENS + 16,), jnp.int32),
            pltpu.VMEM((NUM_TOKENS + 16,), jnp.int32),
            pltpu.VMEM((2, _NROWS, 128), jnp.float32),
            pltpu.VMEM((64, _TAIL), jnp.float32),
            pltpu.VMEM((48,), jnp.int32),
            pltpu.VMEM((48,), jnp.int32),
            pltpu.VMEM((2, 16, 128), jnp.float32),
            pltpu.VMEM((2, 16), jnp.int32),
            pltpu.SemaphoreType.DMA,
            pltpu.SemaphoreType.DMA,
        ],
    )(_gather_body)
    return kern(x, base_indices, tt2d)


def kernel(x, base_indices, packed_weights):
    tt2d = jnp.transpose(packed_weights, (0, 2, 1)).reshape(_NROWS, VOCAB)
    out = _embedding_gather(
        x.astype(jnp.int32), base_indices.astype(jnp.int32), tt2d
    )
    return out[:, :EMBED_DIM]

# --- scband reference (transcript-rebuilt; emitter-appended) ---
"""Pipeline reference for scband-vocab-parallel-embedding-with-packed-28973849379116 (READ-ONLY COPY).

The authoritative reference and input builder live on the scoring server;
editing this copy changes nothing except your own understanding.
"""

import jax, jax.numpy as jnp
import numpy as np

VOCAB = 100000
EMBED_DIM = 64
MAX_PACKED = 4
NUM_TOKENS = 16384

def setup_inputs(seed: int = 0) -> dict:
    key = jax.random.key(seed)
    k1, k2, k3 = jax.random.split(key, 3)
    x = jax.random.randint(k1, (NUM_TOKENS,), 0, VOCAB, dtype=jnp.int64) if jax.config.jax_enable_x64 else jax.random.randint(k1, (NUM_TOKENS,), 0, VOCAB, dtype=jnp.int32)
    base_indices = jax.random.randint(k2, (NUM_TOKENS,), 0, MAX_PACKED, dtype=x.dtype)
    packed_weights = jax.random.normal(k3, (MAX_PACKED, VOCAB, EMBED_DIM), dtype=jnp.float32) * 0.02
    return {"x": x, "base_indices": base_indices, "packed_weights": packed_weights}

def reference(x, base_indices, packed_weights):
    # tp_size == 1 path: masked_input = x (no vocab-range masking needed)
    max_packed, vocab, d = packed_weights.shape
    # apply_swap_embed: out[i] = packed_weights[base_indices[i], x[i], :]
    flat_idx = base_indices * vocab + x
    table_flat = packed_weights.reshape(max_packed * vocab, d)
    output_parallel = jnp.take(table_flat, flat_idx, axis=0)
    # tensor_model_parallel_all_reduce is identity at tp_size == 1
    return output_parallel

if __name__ == "__main__":
    import jax
    _d = setup_inputs()
    print(jax.jit(kernel)(*tuple(_d.values())))

</pallas_src>

<mosaic_0001>
#map = affine_map<(d0, d1) -> (0)>
#map1 = affine_map<(d0, d1) -> (0, 0)>
module attributes {stable_mosaic.version = 14 : i64} {
  func.func @_gather_body(%arg0: i32, %arg1: i32, %arg2: memref<16384xi32, #tpu.memory_space<hbm>>, %arg3: memref<16384xi32, #tpu.memory_space<hbm>>, %arg4: memref<256x100000xf32, #tpu.memory_space<hbm>>, %arg5: memref<16384x128xf32, #tpu.memory_space<hbm>>, %arg6: memref<4096xi32, #tpu.memory_space<vmem>>, %arg7: memref<4096xi32, #tpu.memory_space<vmem>>, %arg8: memref<16400xi32, #tpu.memory_space<vmem>>, %arg9: memref<16400xi32, #tpu.memory_space<vmem>>, %arg10: memref<2x256x128xf32, #tpu.memory_space<vmem>>, %arg11: memref<64x32xf32, #tpu.memory_space<vmem>>, %arg12: memref<48xi32, #tpu.memory_space<vmem>>, %arg13: memref<48xi32, #tpu.memory_space<vmem>>, %arg14: memref<2x16x128xf32, #tpu.memory_space<vmem>>, %arg15: memref<2x16xi32, #tpu.memory_space<vmem>>, %arg16: memref<!tpu.dma_semaphore, #tpu.memory_space<semaphore_mem>>, %arg17: memref<!tpu.dma_semaphore, #tpu.memory_space<semaphore_mem>>) attributes {dimension_semantics = [#tpu.dimension_semantics<core_parallel>, #tpu.dimension_semantics<subcore_parallel>], iteration_bounds = array<i64: 2, 16>, scalar_prefetch = 0 : i64, scratch_operands = 12 : i64, tpu.core_type = #tpu.core_type<sc_vector_subcore>, window_params = [{transform_indices = #map}, {transform_indices = #map}, {transform_indices = #map1}, {transform_indices = #map1}]} {
    %mul3A = arith.constant 2 : i32
    %mul3A_0 = arith.muli %arg1, %mul3A : i32
    %add3A = arith.addi %mul3A_0, %arg0 : i32
    %iota3A = tpu.iota {dimensions = array<i32: 0>} : vector<16xi32>
    %mul3A_1 = arith.constant 128 : i32
    %mul3A_2 = arith.muli %add3A, %mul3A_1 : i32
    %multiple_of3A = tpu.assume_multiple %mul3A_2, 128 : i32
    %dma_start3A = arith.constant 0 : i32
    %dma_start3A_3 = arith.constant 0 : i32
    %dma_start3A_4 = arith.constant 0 : i32
    %dma_start3A_5 = tpu.memref_slice %arg10[%dma_start3A, %dma_start3A_3, %dma_start3A_4] : memref<2x256x128xf32, #tpu.memory_space<vmem>> -> memref<1x256x128xf32, #tpu.memory_space<vmem>>
    %dma_start3A_6 = tpu.memref_squeeze %dma_start3A_5 : memref<1x256x128xf32, #tpu.memory_space<vmem>> -> memref<256x128xf32, #tpu.memory_space<vmem>>
    %dma_start3A_7 = arith.constant 0 : i32
    %dma_start3A_8 = tpu.memref_slice %arg4[%dma_start3A_7, %multiple_of3A] : memref<256x100000xf32, #tpu.memory_space<hbm>> -> memref<256x128xf32, #tpu.memory_space<hbm>>
    %dma_start3A_9 = arith.constant 0 : i32
    %dma_start3A_10 = arith.constant 0 : i32
    %dma_start3A_11 = tpu.memref_slice %arg10[%dma_start3A, %dma_start3A_9, %dma_start3A_10] : memref<2x256x128xf32, #tpu.memory_space<vmem>> -> memref<1x256x128xf32, #tpu.memory_space<vmem>>
    %dma_start3A_12 = tpu.memref_squeeze %dma_start3A_11 : memref<1x256x128xf32, #tpu.memory_space<vmem>> -> memref<256x128xf32, #tpu.memory_space<vmem>>
    %dma_start3A_13 = arith.constant 0 : i32
    %dma_start3A_14 = tpu.memref_slice %arg4[%dma_start3A_13, %multiple_of3A] : memref<256x100000xf32, #tpu.memory_space<hbm>> -> memref<256x128xf32, #tpu.memory_space<hbm>>
    tpu.enqueue_dma source(%dma_start3A_14 : memref<256x128xf32, #tpu.memory_space<hbm>>) target(%dma_start3A_12 : memref<256x128xf32, #tpu.memory_space<vmem>>) target_semaphore(%arg16 : memref<!tpu.dma_semaphore, #tpu.memory_space<semaphore_mem>>)
    %scan3A = arith.constant 0 : i32
    %scan3A_15 = arith.constant 0 : i32
    %scan3A_16 = arith.constant 4 : i32
    %scan3A_17 = arith.addi %scan3A_15, %scan3A_16 : i32
    %scan3A_18 = arith.constant 1 : i32
    %scan3A_19 = scf.for %scan3A_91 = %scan3A_15 to %scan3A_17 step %scan3A_18 iter_args(%scan3A_92 = %scan3A) -> (i32)  : i32 {
      %mul3A_93 = arith.constant 4096 : i32
      %mul3A_94 = arith.muli %scan3A_91, %mul3A_93 : i32
      "tpu.region"() ({
        %run_scoped3A = tpu.sem_alloc : memref<!tpu.dma_semaphore, #tpu.memory_space<semaphore_mem>>
        %dma_start3A_103 = tpu.memref_slice %arg2[%mul3A_94] : memref<16384xi32, #tpu.memory_space<hbm>> -> memref<4096xi32, #tpu.memory_space<hbm>>
        %dma_start3A_104 = tpu.memref_slice %arg2[%mul3A_94] : memref<16384xi32, #tpu.memory_space<hbm>> -> memref<4096xi32, #tpu.memory_space<hbm>>
        tpu.enqueue_dma source(%dma_start3A_104 : memref<4096xi32, #tpu.memory_space<hbm>>) target(%arg6 : memref<4096xi32, #tpu.memory_space<vmem>>) target_semaphore(%run_scoped3A : memref<!tpu.dma_semaphore, #tpu.memory_space<semaphore_mem>>)
        %dma_wait3A = tpu.memref_slice %arg2[%mul3A_94] : memref<16384xi32, #tpu.memory_space<hbm>> -> memref<4096xi32, #tpu.memory_space<hbm>>
        %dma_wait3A_105 = tpu.memref_slice %arg2[%mul3A_94] : memref<16384xi32, #tpu.memory_space<hbm>> -> memref<4096xi32, #tpu.memory_space<hbm>>
        tpu.wait_dma2 semaphore(%run_scoped3A : memref<!tpu.dma_semaphore, #tpu.memory_space<semaphore_mem>>) src(%dma_wait3A_105 : memref<4096xi32, #tpu.memory_space<hbm>>) dst(%arg6 : memref<4096xi32, #tpu.memory_space<vmem>>)
        tpu.yield
      }) : () -> ()
      %mul3A_95 = arith.constant 4096 : i32
      %mul3A_96 = arith.muli %scan3A_91, %mul3A_95 : i32
      "tpu.region"() ({
        %run_scoped3A = tpu.sem_alloc : memref<!tpu.dma_semaphore, #tpu.memory_space<semaphore_mem>>
        %dma_start3A_103 = tpu.memref_slice %arg3[%mul3A_96] : memref<16384xi32, #tpu.memory_space<hbm>> -> memref<4096xi32, #tpu.memory_space<hbm>>
        %dma_start3A_104 = tpu.memref_slice %arg3[%mul3A_96] : memref<16384xi32, #tpu.memory_space<hbm>> -> memref<4096xi32, #tpu.memory_space<hbm>>
        tpu.enqueue_dma source(%dma_start3A_104 : memref<4096xi32, #tpu.memory_space<hbm>>) target(%arg7 : memref<4096xi32, #tpu.memory_space<vmem>>) target_semaphore(%run_scoped3A : memref<!tpu.dma_semaphore, #tpu.memory_space<semaphore_mem>>)
        %dma_wait3A = tpu.memref_slice %arg3[%mul3A_96] : memref<16384xi32, #tpu.memory_space<hbm>> -> memref<4096xi32, #tpu.memory_space<hbm>>
        %dma_wait3A_105 = tpu.memref_slice %arg3[%mul3A_96] : memref<16384xi32, #tpu.memory_space<hbm>> -> memref<4096xi32, #tpu.memory_space<hbm>>
        tpu.wait_dma2 semaphore(%run_scoped3A : memref<!tpu.dma_semaphore, #tpu.memory_space<semaphore_mem>>) src(%dma_wait3A_105 : memref<4096xi32, #tpu.memory_space<hbm>>) dst(%arg7 : memref<4096xi32, #tpu.memory_space<vmem>>)
        tpu.yield
      }) : () -> ()
      %scan3A_97 = arith.constant 0 : i32
      %scan3A_98 = arith.constant 256 : i32
      %scan3A_99 = arith.addi %scan3A_97, %scan3A_98 : i32
      %scan3A_100 = arith.constant 1 : i32
      %scan3A_101 = scf.for %scan3A_103 = %scan3A_97 to %scan3A_99 step %scan3A_100 iter_args(%scan3A_104 = %scan3A_92) -> (i32)  : i32 {
        %mul3A_105 = arith.constant 16 : i32
        %mul3A_106 = arith.muli %scan3A_103, %mul3A_105 : i32
        %get3A = arith.index_cast %mul3A_106 : i32 to index
        %get3A_107 = tpu.vector_load %arg6[%get3A] {strides = array<i32>} : memref<4096xi32, #tpu.memory_space<vmem>>, vector<16xi32>,
        %mul3A_108 = arith.constant 16 : i32
        %mul3A_109 = arith.muli %scan3A_103, %mul3A_108 : i32
        %get3A_110 = arith.index_cast %mul3A_109 : i32 to index
        %get3A_111 = tpu.vector_load %arg7[%get3A_110] {strides = array<i32>} : memref<4096xi32, #tpu.memory_space<vmem>>, vector<16xi32>,
        %shift_right_logical3A = arith.constant 7 : i32
        %shift_right_logical3A_112 = vector.broadcast %shift_right_logical3A : i32 to vector<16xi32>
        %shift_right_logical3A_113 = arith.shrui %get3A_107, %shift_right_logical3A_112 : vector<16xi32>
        %jit3A_114 = arith.constant 32 : i32
        %eq3A_115 = arith.constant 0 : i32
        %eq3A_116 = arith.cmpi eq, %jit3A_114, %eq3A_115 : i32
        %jit3A_117 = arith.constant 1 : i32
        %select_n3A_118 = arith.select %eq3A_116, %jit3A_117, %jit3A_114 : i32
        %rem3A_119 = vector.broadcast %select_n3A_118 : i32 to vector<16xi32>
        %rem3A_120 = arith.remsi %shift_right_logical3A_113, %rem3A_119 : vector<16xi32>
        %ne3A_121 = arith.constant 0 : i32
        %ne3A_122 = vector.broadcast %ne3A_121 : i32 to vector<16xi32>
        %ne3A_123 = arith.cmpi ne, %rem3A_120, %ne3A_122 : vector<16xi32>
        %lt3A = arith.constant 0 : i32
        %lt3A_124 = vector.broadcast %lt3A : i32 to vector<16xi32>
        %lt3A_125 = arith.cmpi slt, %rem3A_120, %lt3A_124 : vector<16xi32>
        %lt3A_126 = arith.constant 0 : i32
        %lt3A_127 = arith.cmpi slt, %select_n3A_118, %lt3A_126 : i32
        %ne3A_128 = vector.broadcast %lt3A_127 : i1 to vector<16xi1>
        %ne3A_129 = vector.broadcast %ne3A_128 : vector<16xi1> to vector<16xi1>
        %ne3A_130 = arith.xori %lt3A_125, %ne3A_129 : vector<16xi1>
        %and3A_131 = arith.andi %ne3A_130, %ne3A_123 : vector<16xi1>
        %add3A_132 = vector.broadcast %select_n3A_118 : i32 to vector<16xi32>
        %add3A_133 = arith.addi %rem3A_120, %add3A_132 : vector<16xi32>
        %select_n3A_134 = arith.select %and3A_131, %add3A_133, %rem3A_120 : vector<16xi1>, vector<16xi32>
        %broadcast_in_dim3A = vector.broadcast %add3A : i32 to vector<16xi32>
        %eq3A_135 = arith.cmpi eq, %select_n3A_134, %broadcast_in_dim3A : vector<16xi32>
        %mul3A_136 = arith.constant 4096 : i32
        %mul3A_137 = arith.muli %scan3A_91, %mul3A_136 : i32
        %mul3A_138 = arith.constant 16 : i32
        %mul3A_139 = arith.muli %scan3A_103, %mul3A_138 : i32
        %add3A_140 = arith.addi %mul3A_137, %mul3A_139 : i32
        %broadcast_in_dim3A_141 = vector.broadcast %add3A_140 : i32 to vector<16xi32>
        %add3A_142 = arith.addi %iota3A, %broadcast_in_dim3A_141 : vector<16xi32>
        %shift_left3A = arith.constant 17 : i32
        %shift_left3A_143 = vector.broadcast %shift_left3A : i32 to vector<16xi32>
        %shift_left3A_144 = arith.shli %get3A_111, %shift_left3A_143 : vector<16xi32>
        %or3A = arith.ori %shift_left3A_144, %get3A_107 : vector<16xi32>
        %convert_element_type3A_145 = arith.extui %eq3A_135 : vector<16xi1> to vector<16xi32>
        %broadcast_in_dim3A_146 = arith.constant true
        %broadcast_in_dim3A_147 = vector.broadcast %broadcast_in_dim3A_146 : i1 to vector<16xi1>
        %masked_cumsum3A = tpu.scan <sum>, %convert_element_type3A_145 masked %broadcast_in_dim3A_147 : vector<16xi32>, vector<16xi1> -> vector<16xi32>
        %broadcast_in_dim3A_148 = vector.broadcast %scan3A_104 : i32 to vector<16xi32>
        %add3A_149 = arith.addi %broadcast_in_dim3A_148, %masked_cumsum3A : vector<16xi32>
        %sub3A_150 = arith.constant 1 : i32
        %sub3A_151 = vector.broadcast %sub3A_150 : i32 to vector<16xi32>
        %sub3A_152 = arith.subi %add3A_149, %sub3A_151 : vector<16xi32>
        tpu.vector_store_idx %arg8[%sub3A_152], %add3A_142 masked %eq3A_135 : memref<16400xi32, #tpu.memory_space<vmem>>[vector<16xi32>], vector<16xi32>, vector<16xi1>
        tpu.vector_store_idx %arg9[%sub3A_152], %or3A masked %eq3A_135 : memref<16400xi32, #tpu.memory_space<vmem>>[vector<16xi32>], vector<16xi32>, vector<16xi1>
        %slice3A = vector.extract_strided_slice %masked_cumsum3A {offsets = [15], sizes = [1], strides = [1]} : vector<16xi32> to vector<1xi32>
        %squeeze3A = vector.extract %slice3A[0] : i32 from vector<1xi32>
        %add3A_153 = arith.addi %scan3A_104, %squeeze3A : i32
        scf.yield %add3A_153 : i32
      }
      %scan3A_102 = arith.constant 256 : i32
      scf.yield %scan3A_101 : i32
    }
    %scan3A_20 = arith.constant 4 : i32
    %add3A_21 = arith.constant 15 : i32
    %add3A_22 = arith.addi %scan3A_19, %add3A_21 : i32
    %jit3A = arith.constant 16 : i32
    %div3A = arith.divsi %add3A_22, %jit3A : i32
    %sign3A = arith.constant 0 : i32
    %sign3A_23 = arith.cmpi sgt, %add3A_22, %sign3A : i32
    %sign3A_24 = arith.extui %sign3A_23 : i1 to i32
    %sign3A_25 = arith.constant 0 : i32
    %sign3A_26 = arith.cmpi slt, %add3A_22, %sign3A_25 : i32
    %sign3A_27 = arith.extui %sign3A_26 : i1 to i32
    %sign3A_28 = arith.subi %sign3A_24, %sign3A_27 : i32
    %sign3A_29 = arith.constant 0 : i32
    %sign3A_30 = arith.cmpi sgt, %jit3A, %sign3A_29 : i32
    %sign3A_31 = arith.extui %sign3A_30 : i1 to i32
    %sign3A_32 = arith.constant 0 : i32
    %sign3A_33 = arith.cmpi slt, %jit3A, %sign3A_32 : i32
    %sign3A_34 = arith.extui %sign3A_33 : i1 to i32
    %sign3A_35 = arith.subi %sign3A_31, %sign3A_34 : i32
    %ne3A = arith.cmpi ne, %sign3A_28, %sign3A_35 : i32
    %rem3A = arith.remsi %add3A_22, %jit3A : i32
    %ne3A_36 = arith.constant 0 : i32
    %ne3A_37 = arith.cmpi ne, %rem3A, %ne3A_36 : i32
    %and3A = arith.andi %ne3A, %ne3A_37 : i1
    %sub3A = arith.constant 1 : i32
    %sub3A_38 = arith.subi %div3A, %sub3A : i32
    %select_n3A = arith.select %and3A, %sub3A_38, %div3A : i32
    %le3A = arith.constant 12 : i32
    %le3A_39 = arith.cmpi sle, %add3A, %le3A : i32
    %sub3A_40 = arith.constant 812 : i32
    %sub3A_41 = arith.subi %sub3A_40, %add3A : i32
    %jit3A_42 = arith.constant 32 : i32
    %div3A_43 = arith.divsi %sub3A_41, %jit3A_42 : i32
    %sign3A_44 = arith.constant 0 : i32
    %sign3A_45 = arith.cmpi sgt, %sub3A_41, %sign3A_44 : i32
    %sign3A_46 = arith.extui %sign3A_45 : i1 to i32
    %sign3A_47 = arith.constant 0 : i32
    %sign3A_48 = arith.cmpi slt, %sub3A_41, %sign3A_47 : i32
    %sign3A_49 = arith.extui %sign3A_48 : i1 to i32
    %sign3A_50 = arith.subi %sign3A_46, %sign3A_49 : i32
    %sign3A_51 = arith.constant 0 : i32
    %sign3A_52 = arith.cmpi sgt, %jit3A_42, %sign3A_51 : i32
    %sign3A_53 = arith.extui %sign3A_52 : i1 to i32
    %sign3A_54 = arith.constant 0 : i32
    %sign3A_55 = arith.cmpi slt, %jit3A_42, %sign3A_54 : i32
    %sign3A_56 = arith.extui %sign3A_55 : i1 to i32
    %sign3A_57 = arith.subi %sign3A_53, %sign3A_56 : i32
    %ne3A_58 = arith.cmpi ne, %sign3A_50, %sign3A_57 : i32
    %rem3A_59 = arith.remsi %sub3A_41, %jit3A_42 : i32
    %ne3A_60 = arith.constant 0 : i32
    %ne3A_61 = arith.cmpi ne, %rem3A_59, %ne3A_60 : i32
    %and3A_62 = arith.andi %ne3A_58, %ne3A_61 : i1
    %sub3A_63 = arith.constant 1 : i32
    %sub3A_64 = arith.subi %div3A_43, %sub3A_63 : i32
    %select_n3A_65 = arith.select %and3A_62, %sub3A_64, %div3A_43 : i32
    %jit3A_66 = arith.constant 25 : i32
    %select_n3A_67 = arith.select %le3A_39, %jit3A_66, %select_n3A_65 : i32
    %while3A = arith.constant 0 : i32
    %while3A_68 = arith.constant 0 : i32
    %while3A_69 = arith.subi %select_n3A_67, %while3A : i32
    %while3A_70 = arith.addi %while3A, %while3A_69 : i32
    %while3A_71 = arith.constant 1 : i32
    %while3A_72 = arith.divsi %while3A_69, %while3A_71 : i32
    %while3A_73 = arith.muli %while3A_72, %while3A_71 : i32
    %while3A_74 = arith.addi %while3A, %while3A_73 : i32
    %while3A_75 = arith.constant 1 : i32
    %while3A_76 = scf.for %while3A_91 = %while3A to %while3A_74 step %while3A_75 iter_args(%while3A_92 = %while3A_68) -> (i32)  : i32 {
      %dma_wait3A = arith.constant 0 : i32
      %dma_wait3A_93 = arith.constant 0 : i32
      %dma_wait3A_94 = arith.constant 0 : i32
      %dma_wait3A_95 = tpu.memref_slice %arg10[%dma_wait3A, %dma_wait3A_93, %dma_wait3A_94] : memref<2x256x128xf32, #tpu.memory_space<vmem>> -> memref<1x256x128xf32, #tpu.memory_space<vmem>>
      %dma_wait3A_96 = tpu.memref_squeeze %dma_wait3A_95 : memref<1x256x128xf32, #tpu.memory_space<vmem>> -> memref<256x128xf32, #tpu.memory_space<vmem>>
      %dma_wait3A_97 = arith.constant 0 : i32
      %dma_wait3A_98 = arith.constant 0 : i32
      %dma_wait3A_99 = tpu.memref_slice %arg4[%dma_wait3A_97, %dma_wait3A_98] : memref<256x100000xf32, #tpu.memory_space<hbm>> -> memref<256x128xf32, #tpu.memory_space<hbm>>
      %dma_wait3A_100 = arith.constant 0 : i32
      %dma_wait3A_101 = arith.constant 0 : i32
      %dma_wait3A_102 = tpu.memref_slice %arg10[%dma_wait3A, %dma_wait3A_100, %dma_wait3A_101] : memref<2x256x128xf32, #tpu.memory_space<vmem>> -> memref<1x256x128xf32, #tpu.memory_space<vmem>>
      %dma_wait3A_103 = tpu.memref_squeeze %dma_wait3A_102 : memref<1x256x128xf32, #tpu.memory_space<vmem>> -> memref<256x128xf32, #tpu.memory_space<vmem>>
      %dma_wait3A_104 = arith.constant 0 : i32
      %dma_wait3A_105 = arith.constant 0 : i32
      %dma_wait3A_106 = tpu.memref_slice %arg4[%dma_wait3A_104, %dma_wait3A_105] : memref<256x100000xf32, #tpu.memory_space<hbm>> -> memref<256x128xf32, #tpu.memory_space<hbm>>
      tpu.wait_dma2 semaphore(%arg16 : memref<!tpu.dma_semaphore, #tpu.memory_space<semaphore_mem>>) src(%dma_wait3A_106 : memref<256x128xf32, #tpu.memory_space<hbm>>) dst(%dma_wait3A_103 : memref<256x128xf32, #tpu.memory_space<vmem>>)
      %and3A_107 = arith.constant 1 : i32
      %and3A_108 = arith.andi %while3A_91, %and3A_107 : i32
      %add3A_109 = arith.constant 1 : i32
      %add3A_110 = arith.addi %while3A_91, %add3A_109 : i32
      %lt3A = arith.cmpi slt, %add3A_110, %select_n3A_67 : i32
      %eq3A_111 = arith.constant 0 : i32
      %eq3A_112 = arith.cmpi eq, %and3A_108, %eq3A_111 : i32
      %and3A_113 = arith.andi %lt3A, %eq3A_112 : i1
      %convert_element_type3A_114 = arith.extui %and3A_113 : i1 to i32
      %cond3A_115 = arith.constant 0 : i32
      %cond3A_116 = arith.cmpi ne, %convert_element_type3A_114, %cond3A_115 : i32
      scf.if %cond3A_116 {
        %add3A_146 = arith.constant 1 : i32
        %add3A_147 = arith.addi %while3A_91, %add3A_146 : i32
        %mul3A_148 = arith.constant 32 : i32
        %mul3A_149 = arith.muli %mul3A_148, %add3A_147 : i32
        %add3A_150 = arith.addi %add3A, %mul3A_149 : i32
        %mul3A_151 = arith.constant 128 : i32
        %mul3A_152 = arith.muli %add3A_150, %mul3A_151 : i32
        %multiple_of3A_153 = tpu.assume_multiple %mul3A_152, 128 : i32
        %dma_start3A_154 = arith.constant 1 : i32
        %dma_start3A_155 = arith.constant 0 : i32
        %dma_start3A_156 = arith.constant 0 : i32
        %dma_start3A_157 = tpu.memref_slice %arg10[%dma_start3A_154, %dma_start3A_155, %dma_start3A_156] : memref<2x256x128xf32, #tpu.memory_space<vmem>> -> memref<1x256x128xf32, #tpu.memory_space<vmem>>
        %dma_start3A_158 = tpu.memref_squeeze %dma_start3A_157 : memref<1x256x128xf32, #tpu.memory_space<vmem>> -> memref<256x128xf32, #tpu.memory_space<vmem>>
        %dma_start3A_159 = arith.constant 0 : i32
        %dma_start3A_160 = tpu.memref_slice %arg4[%dma_start3A_159, %multiple_of3A_153] : memref<256x100000xf32, #tpu.memory_space<hbm>> -> memref<256x128xf32, #tpu.memory_space<hbm>>
        %dma_start3A_161 = arith.constant 0 : i32
        %dma_start3A_162 = arith.constant 0 : i32
        %dma_start3A_163 = tpu.memref_slice %arg10[%dma_start3A_154, %dma_start3A_161, %dma_start3A_162] : memref<2x256x128xf32, #tpu.memory_space<vmem>> -> memref<1x256x128xf32, #tpu.memory_space<vmem>>
        %dma_start3A_164 = tpu.memref_squeeze %dma_start3A_163 : memref<1x256x128xf32, #tpu.memory_space<vmem>> -> memref<256x128xf32, #tpu.memory_space<vmem>>
        %dma_start3A_165 = arith.constant 0 : i32
        %dma_start3A_166 = tpu.memref_slice %arg4[%dma_start3A_165, %multiple_of3A_153] : memref<256x100000xf32, #tpu.memory_space<hbm>> -> memref<256x128xf32, #tpu.memory_space<hbm>>
        tpu.enqueue_dma source(%dma_start3A_166 : memref<256x128xf32, #tpu.memory_space<hbm>>) target(%dma_start3A_164 : memref<256x128xf32, #tpu.memory_space<vmem>>) target_semaphore(%arg16 : memref<!tpu.dma_semaphore, #tpu.memory_space<semaphore_mem>>)
      } else {
      }
      %add3A_117 = arith.constant 1 : i32
      %add3A_118 = arith.addi %while3A_91, %add3A_117 : i32
      %lt3A_119 = arith.cmpi slt, %add3A_118, %select_n3A_67 : i32
      %eq3A_120 = arith.constant 1 : i32
      %eq3A_121 = arith.cmpi eq, %and3A_108, %eq3A_120 : i32
      %and3A_122 = arith.andi %lt3A_119, %eq3A_121 : i1
      %convert_element_type3A_123 = arith.extui %and3A_122 : i1 to i32
      %cond3A_124 = arith.constant 0 : i32
      %cond3A_125 = arith.cmpi ne, %convert_element_type3A_123, %cond3A_124 : i32
      scf.if %cond3A_125 {
        %add3A_146 = arith.constant 1 : i32
        %add3A_147 = arith.addi %while3A_91, %add3A_146 : i32
        %mul3A_148 = arith.constant 32 : i32
        %mul3A_149 = arith.muli %mul3A_148, %add3A_147 : i32
        %add3A_150 = arith.addi %add3A, %mul3A_149 : i32
        %mul3A_151 = arith.constant 128 : i32
        %mul3A_152 = arith.muli %add3A_150, %mul3A_151 : i32
        %multiple_of3A_153 = tpu.assume_multiple %mul3A_152, 128 : i32
        %dma_start3A_154 = arith.constant 0 : i32
        %dma_start3A_155 = arith.constant 0 : i32
        %dma_start3A_156 = arith.constant 0 : i32
        %dma_start3A_157 = tpu.memref_slice %arg10[%dma_start3A_154, %dma_start3A_155, %dma_start3A_156] : memref<2x256x128xf32, #tpu.memory_space<vmem>> -> memref<1x256x128xf32, #tpu.memory_space<vmem>>
        %dma_start3A_158 = tpu.memref_squeeze %dma_start3A_157 : memref<1x256x128xf32, #tpu.memory_space<vmem>> -> memref<256x128xf32, #tpu.memory_space<vmem>>
        %dma_start3A_159 = arith.constant 0 : i32
        %dma_start3A_160 = tpu.memref_slice %arg4[%dma_start3A_159, %multiple_of3A_153] : memref<256x100000xf32, #tpu.memory_space<hbm>> -> memref<256x128xf32, #tpu.memory_space<hbm>>
        %dma_start3A_161 = arith.constant 0 : i32
        %dma_start3A_162 = arith.constant 0 : i32
        %dma_start3A_163 = tpu.memref_slice %arg10[%dma_start3A_154, %dma_start3A_161, %dma_start3A_162] : memref<2x256x128xf32, #tpu.memory_space<vmem>> -> memref<1x256x128xf32, #tpu.memory_space<vmem>>
        %dma_start3A_164 = tpu.memref_squeeze %dma_start3A_163 : memref<1x256x128xf32, #tpu.memory_space<vmem>> -> memref<256x128xf32, #tpu.memory_space<vmem>>
        %dma_start3A_165 = arith.constant 0 : i32
        %dma_start3A_166 = tpu.memref_slice %arg4[%dma_start3A_165, %multiple_of3A_153] : memref<256x100000xf32, #tpu.memory_space<hbm>> -> memref<256x128xf32, #tpu.memory_space<hbm>>
        tpu.enqueue_dma source(%dma_start3A_166 : memref<256x128xf32, #tpu.memory_space<hbm>>) target(%dma_start3A_164 : memref<256x128xf32, #tpu.memory_space<vmem>>) target_semaphore(%arg16 : memref<!tpu.dma_semaphore, #tpu.memory_space<semaphore_mem>>)
      } else {
      }
      %mul3A_126 = arith.constant 32 : i32
      %mul3A_127 = arith.muli %mul3A_126, %while3A_91 : i32
      %add3A_128 = arith.addi %add3A, %mul3A_127 : i32
      %while3A_129 = arith.constant 0 : i32
      %while3A_130 = arith.constant 0 : i32
      %while3A_131 = arith.subi %select_n3A, %while3A_129 : i32
      %while3A_132 = arith.addi %while3A_129, %while3A_131 : i32
      %while3A_133 = arith.constant 1 : i32
      %while3A_134 = arith.divsi %while3A_131, %while3A_133 : i32
      %while3A_135 = arith.muli %while3A_134, %while3A_133 : i32
      %while3A_136 = arith.addi %while3A_129, %while3A_135 : i32
      %while3A_137 = arith.constant 1 : i32
      %while3A_138:2 = scf.for %while3A_146 = %while3A_129 to %while3A_136 step %while3A_137 iter_args(%while3A_147 = %while3A_130, %while3A_148 = %while3A_92) -> (i32, i32)  : i32 {
        %mul3A_149 = arith.constant 16 : i32
        %mul3A_150 = arith.muli %while3A_146, %mul3A_149 : i32
        %broadcast_in_dim3A = vector.broadcast %mul3A_150 : i32 to vector<16xi32>
        %add3A_151 = arith.addi %broadcast_in_dim3A, %iota3A : vector<16xi32>
        %broadcast_in_dim3A_152 = vector.broadcast %scan3A_19 : i32 to vector<16xi32>
        %lt3A_153 = arith.cmpi slt, %add3A_151, %broadcast_in_dim3A_152 : vector<16xi32>
        %mul3A_154 = arith.constant 16 : i32
        %mul3A_155 = arith.muli %while3A_146, %mul3A_154 : i32
        %get3A = arith.index_cast %mul3A_155 : i32 to index
        %get3A_156 = tpu.vector_load %arg9[%get3A] {strides = array<i32>} : memref<16400xi32, #tpu.memory_space<vmem>>, vector<16xi32>,
        %mul3A_157 = arith.constant 16 : i32
        %mul3A_158 = arith.muli %while3A_146, %mul3A_157 : i32
        %get3A_159 = arith.index_cast %mul3A_158 : i32 to index
        %get3A_160 = tpu.vector_load %arg8[%get3A_159] {strides = array<i32>} : memref<16400xi32, #tpu.memory_space<vmem>>, vector<16xi32>,
        %and3A_161 = arith.constant 131071 : i32
        %and3A_162 = vector.broadcast %and3A_161 : i32 to vector<16xi32>
        %and3A_163 = arith.andi %get3A_156, %and3A_162 : vector<16xi32>
        %shift_right_logical3A = arith.constant 7 : i32
        %shift_right_logical3A_164 = vector.broadcast %shift_right_logical3A : i32 to vector<16xi32>
        %shift_right_logical3A_165 = arith.shrui %and3A_163, %shift_right_logical3A_164 : vector<16xi32>
        %broadcast_in_dim3A_166 = vector.broadcast %add3A_128 : i32 to vector<16xi32>
        %eq3A_167 = arith.cmpi eq, %shift_right_logical3A_165, %broadcast_in_dim3A_166 : vector<16xi32>
        %and3A_168 = arith.andi %lt3A_153, %eq3A_167 : vector<16xi1>
        %convert_element_type3A_169 = arith.extui %and3A_168 : vector<16xi1> to vector<16xi32>
        %broadcast_in_dim3A_170 = arith.constant true
        %broadcast_in_dim3A_171 = vector.broadcast %broadcast_in_dim3A_170 : i1 to vector<16xi1>
        %masked_cumsum3A = tpu.scan <sum>, %convert_element_type3A_169 masked %broadcast_in_dim3A_171 : vector<16xi32>, vector<16xi1> -> vector<16xi32>
        %broadcast_in_dim3A_172 = vector.broadcast %while3A_147 : i32 to vector<16xi32>
        %add3A_173 = arith.addi %broadcast_in_dim3A_172, %masked_cumsum3A : vector<16xi32>
        %sub3A_174 = arith.constant 1 : i32
        %sub3A_175 = vector.broadcast %sub3A_174 : i32 to vector<16xi32>
        %sub3A_176 = arith.subi %add3A_173, %sub3A_175 : vector<16xi32>
        tpu.vector_store_idx %arg12[%sub3A_176], %get3A_160 masked %and3A_168 : memref<48xi32, #tpu.memory_space<vmem>>[vector<16xi32>], vector<16xi32>, vector<16xi1>
        tpu.vector_store_idx %arg13[%sub3A_176], %get3A_156 masked %and3A_168 : memref<48xi32, #tpu.memory_space<vmem>>[vector<16xi32>], vector<16xi32>, vector<16xi1>
        %slice3A = vector.extract_strided_slice %masked_cumsum3A {offsets = [15], sizes = [1], strides = [1]} : vector<16xi32> to vector<1xi32>
        %squeeze3A = vector.extract %slice3A[0] : i32 from vector<1xi32>
        %add3A_177 = arith.addi %while3A_147, %squeeze3A : i32
        %ge3A_178 = arith.constant 16 : i32
        %ge3A_179 = arith.cmpi sge, %add3A_177, %ge3A_178 : i32
        %convert_element_type3A_180 = arith.extui %ge3A_179 : i1 to i32
        %cond3A_181 = arith.constant 0 : i32
        %cond3A_182 = arith.cmpi ne, %convert_element_type3A_180, %cond3A_181 : i32
        %cond3A_183:2 = scf.if %cond3A_182 -> (i32, i32) {
          %and3A_184 = arith.constant 1 : i32
          %and3A_185 = arith.andi %while3A_148, %and3A_184 : i32
          %ge3A_186 = arith.constant 2 : i32
          %ge3A_187 = arith.cmpi sge, %while3A_148, %ge3A_186 : i32
          %convert_element_type3A_188 = arith.extui %ge3A_187 : i1 to i32
          %cond3A_189 = arith.constant 0 : i32
          %cond3A_190 = arith.cmpi ne, %convert_element_type3A_188, %cond3A_189 : i32
          scf.if %cond3A_190 {
            %dma_wait3A_256 = arith.constant 0 : i32
            %dma_wait3A_257 = arith.constant 0 : i32
            %dma_wait3A_258 = arith.constant 0 : i32
            %dma_wait3A_259 = tpu.memref_slice %arg14[%dma_wait3A_256, %dma_wait3A_257, %dma_wait3A_258] : memref<2x16x128xf32, #tpu.memory_space<vmem>> -> memref<1x16x128xf32, #tpu.memory_space<vmem>>
            %dma_wait3A_260 = tpu.memref_squeeze %dma_wait3A_259 : memref<1x16x128xf32, #tpu.memory_space<vmem>> -> memref<16x128xf32, #tpu.memory_space<vmem>>
            %dma_wait3A_261 = arith.constant 0 : i32
            %dma_wait3A_262 = arith.constant 0 : i32
            %dma_wait3A_263 = tpu.memref_slice %arg5[%dma_wait3A_261, %dma_wait3A_262] : memref<16384x128xf32, #tpu.memory_space<hbm>> -> memref<16x128xf32, #tpu.memory_space<hbm>>
            %dma_wait3A_264 = arith.constant 0 : i32
            %dma_wait3A_265 = arith.constant 0 : i32
            %dma_wait3A_266 = tpu.memref_slice %arg14[%dma_wait3A_256, %dma_wait3A_264, %dma_wait3A_265] : memref<2x16x128xf32, #tpu.memory_space<vmem>> -> memref<1x16x128xf32, #tpu.memory_space<vmem>>
            %dma_wait3A_267 = tpu.memref_squeeze %dma_wait3A_266 : memref<1x16x128xf32, #tpu.memory_space<vmem>> -> memref<16x128xf32, #tpu.memory_space<vmem>>
            %dma_wait3A_268 = arith.constant 0 : i32
            %dma_wait3A_269 = arith.constant 0 : i32
            %dma_wait3A_270 = tpu.memref_slice %arg5[%dma_wait3A_268, %dma_wait3A_269] : memref<16384x128xf32, #tpu.memory_space<hbm>> -> memref<16x128xf32, #tpu.memory_space<hbm>>
            tpu.wait_dma2 semaphore(%arg17 : memref<!tpu.dma_semaphore, #tpu.memory_space<semaphore_mem>>) src(%dma_wait3A_270 : memref<16x128xf32, #tpu.memory_space<hbm>>) dst(%dma_wait3A_267 : memref<16x128xf32, #tpu.memory_space<vmem>>)
          } else {
          }
          %broadcast_in_dim3A_191 = arith.constant 16 : i32
          %broadcast_in_dim3A_192 = vector.broadcast %broadcast_in_dim3A_191 : i32 to vector<16xi32>
          %lt3A_193 = arith.cmpi slt, %iota3A, %broadcast_in_dim3A_192 : vector<16xi32>
          %get3A_194 = arith.constant 0 : index
          %get3A_195 = tpu.vector_load %arg12[%get3A_194] {strides = array<i32>} : memref<48xi32, #tpu.memory_space<vmem>>, vector<16xi32>,
          %get3A_196 = arith.constant 0 : index
          %get3A_197 = tpu.vector_load %arg13[%get3A_196] {strides = array<i32>} : memref<48xi32, #tpu.memory_space<vmem>>, vector<16xi32>,
          %sub3A_198 = arith.constant 16 : i32
          %sub3A_199 = arith.constant 1 : i32
          %sub3A_200 = arith.subi %sub3A_198, %sub3A_199 : i32
          %get3A_201 = arith.index_cast %sub3A_200 : i32 to index
          %get3A_202 = tpu.vector_load %arg12[%get3A_201] {strides = array<i32>} : memref<48xi32, #tpu.memory_space<vmem>>, vector<16xi32>,
          %slice3A_203 = vector.extract_strided_slice %get3A_202 {offsets = [0], sizes = [1], strides = [1]} : vector<16xi32> to vector<1xi32>
          %squeeze3A_204 = vector.extract %slice3A_203[0] : i32 from vector<1xi32>
          %sub3A_205 = arith.constant 16 : i32
          %sub3A_206 = arith.constant 1 : i32
          %sub3A_207 = arith.subi %sub3A_205, %sub3A_206 : i32
          %get3A_208 = arith.index_cast %sub3A_207 : i32 to index
          %get3A_209 = tpu.vector_load %arg13[%get3A_208] {strides = array<i32>} : memref<48xi32, #tpu.memory_space<vmem>>, vector<16xi32>,
          %slice3A_210 = vector.extract_strided_slice %get3A_209 {offsets = [0], sizes = [1], strides = [1]} : vector<16xi32> to vector<1xi32>
          %squeeze3A_211 = vector.extract %slice3A_210[0] : i32 from vector<1xi32>
          %broadcast_in_dim3A_212 = vector.broadcast %squeeze3A_204 : i32 to vector<16xi32>
          %select_n3A_213 = arith.select %lt3A_193, %get3A_195, %broadcast_in_dim3A_212 : vector<16xi1>, vector<16xi32>
          %broadcast_in_dim3A_214 = vector.broadcast %squeeze3A_211 : i32 to vector<16xi32>
          %select_n3A_215 = arith.select %lt3A_193, %get3A_197, %broadcast_in_dim3A_214 : vector<16xi1>, vector<16xi32>
          %broadcast_in_dim3A_216 = vector.broadcast %and3A_185 : i32 to vector<16xi32>
          tpu.vector_store_idx %arg15[%broadcast_in_dim3A_216, %iota3A], %select_n3A_213 : memref<2x16xi32, #tpu.memory_space<vmem>>[vector<16xi32>, vector<16xi32>], vector<16xi32>,
          %and3A_217 = arith.constant 131071 : i32
          %and3A_218 = vector.broadcast %and3A_217 : i32 to vector<16xi32>
          %and3A_219 = arith.andi %select_n3A_215, %and3A_218 : vector<16xi32>
          %and3A_220 = arith.constant 127 : i32
          %and3A_221 = vector.broadcast %and3A_220 : i32 to vector<16xi32>
          %and3A_222 = arith.andi %and3A_219, %and3A_221 : vector<16xi32>
          %shift_right_logical3A_223 = arith.constant 17 : i32
          %shift_right_logical3A_224 = vector.broadcast %shift_right_logical3A_223 : i32 to vector<16xi32>
          %shift_right_logical3A_225 = arith.shrui %select_n3A_215, %shift_right_logical3A_224 : vector<16xi32>
          %shift_left3A = arith.constant 6 : i32
          %shift_left3A_226 = vector.broadcast %shift_left3A : i32 to vector<16xi32>
          %shift_left3A_227 = arith.shli %shift_right_logical3A_225, %shift_left3A_226 : vector<16xi32>
          %broadcast_in_dim3A_228 = vector.broadcast %and3A_108 : i32 to vector<16xi32>
          %scan3A_229 = arith.constant 0 : i32
          %scan3A_230 = arith.constant 0 : i32
          %scan3A_231 = arith.constant 32 : i32
          %scan3A_232 = arith.addi %scan3A_230, %scan3A_231 : i32
          %scan3A_233 = arith.constant 1 : i32
          scf.for %scan3A_256 = %scan3A_230 to %scan3A_232 step %scan3A_233  : i32 {
            %mul3A_257 = arith.constant 2 : i32
            %mul3A_258 = arith.muli %scan3A_256, %mul3A_257 : i32
            %add3A_259 = arith.constant 0 : i32
            %add3A_260 = arith.addi %mul3A_258, %add3A_259 : i32
            %broadcast_in_dim3A_261 = vector.broadcast %add3A_260 : i32 to vector<16xi32>
            %add3A_262 = arith.addi %shift_left3A_227, %broadcast_in_dim3A_261 : vector<16xi32>
            %gather3A = tpu.vector_load_idx %arg10[%broadcast_in_dim3A_228, %add3A_262, %and3A_222] : memref<2x256x128xf32, #tpu.memory_space<vmem>>[vector<16xi32>, vector<16xi32>, vector<16xi32>], vector<16xf32>,
            tpu.vector_store_idx %arg14[%broadcast_in_dim3A_216, %iota3A, %broadcast_in_dim3A_261], %gather3A : memref<2x16x128xf32, #tpu.memory_space<vmem>>[vector<16xi32>, vector<16xi32>, vector<16xi32>], vector<16xf32>,
            %mul3A_263 = arith.constant 2 : i32
            %mul3A_264 = arith.muli %scan3A_256, %mul3A_263 : i32
            %add3A_265 = arith.constant 1 : i32
            %add3A_266 = arith.addi %mul3A_264, %add3A_265 : i32
            %broadcast_in_dim3A_267 = vector.broadcast %add3A_266 : i32 to vector<16xi32>
            %add3A_268 = arith.addi %shift_left3A_227, %broadcast_in_dim3A_267 : vector<16xi32>
            %gather3A_269 = tpu.vector_load_idx %arg10[%broadcast_in_dim3A_228, %add3A_268, %and3A_222] : memref<2x256x128xf32, #tpu.memory_space<vmem>>[vector<16xi32>, vector<16xi32>, vector<16xi32>], vector<16xf32>,
            tpu.vector_store_idx %arg14[%broadcast_in_dim3A_216, %iota3A, %broadcast_in_dim3A_267], %gather3A_269 : memref<2x16x128xf32, #tpu.memory_space<vmem>>[vector<16xi32>, vector<16xi32>, vector<16xi32>], vector<16xf32>,
          }
          %scan3A_234 = arith.constant 32 : i32
          %eq3A_235 = arith.constant 0 : i32
          %eq3A_236 = arith.cmpi eq, %and3A_185, %eq3A_235 : i32
          %convert_element_type3A_237 = arith.extui %eq3A_236 : i1 to i32
          %cond3A_238 = arith.constant 0 : i32
          %cond3A_239 = arith.cmpi ne, %convert_element_type3A_237, %cond3A_238 : i32
          scf.if %cond3A_239 {
            %dma_start3A_256 = arith.constant 0 : i32
            %dma_start3A_257 = arith.constant 0 : i32
            %dma_start3A_258 = arith.constant 0 : i32
            %dma_start3A_259 = arith.constant 0 : i32
            %dma_start3A_260 = tpu.memref_slice %arg14[%dma_start3A_256, %dma_start3A_258, %dma_start3A_259] : memref<2x16x128xf32, #tpu.memory_space<vmem>> -> memref<1x16x128xf32, #tpu.memory_space<vmem>>
            %dma_start3A_261 = tpu.memref_squeeze %dma_start3A_260 : memref<1x16x128xf32, #tpu.memory_space<vmem>> -> memref<16x128xf32, #tpu.memory_space<vmem>>
            %dma_start3A_262 = arith.constant 0 : i32
            %dma_start3A_263 = tpu.memref_slice %arg15[%dma_start3A_257, %dma_start3A_262] : memref<2x16xi32, #tpu.memory_space<vmem>> -> memref<1x16xi32, #tpu.memory_space<vmem>>
            %dma_start3A_264 = tpu.memref_squeeze %dma_start3A_263 : memref<1x16xi32, #tpu.memory_space<vmem>> -> memref<16xi32, #tpu.memory_space<vmem>>
            %dma_start3A_265 = arith.constant 0 : i32
            %dma_start3A_266 = arith.constant 0 : i32
            %dma_start3A_267 = tpu.memref_slice %arg5[%dma_start3A_265, %dma_start3A_266] : memref<16384x128xf32, #tpu.memory_space<hbm>> -> memref<16384x128xf32, #tpu.memory_space<hbm>>
            tpu.enqueue_indirect_dma source(%dma_start3A_261 : memref<16x128xf32, #tpu.memory_space<vmem>>) target(%dma_start3A_267 : memref<16384x128xf32, #tpu.memory_space<hbm>>) offsets(%dma_start3A_264 : memref<16xi32, #tpu.memory_space<vmem>>) semaphore(%arg17 : memref<!tpu.dma_semaphore, #tpu.memory_space<semaphore_mem>>)
          } else {
          }
          %eq3A_240 = arith.constant 1 : i32
          %eq3A_241 = arith.cmpi eq, %and3A_185, %eq3A_240 : i32
          %convert_element_type3A_242 = arith.extui %eq3A_241 : i1 to i32
          %cond3A_243 = arith.constant 0 : i32
          %cond3A_244 = arith.cmpi ne, %convert_element_type3A_242, %cond3A_243 : i32
          scf.if %cond3A_244 {
            %dma_start3A_256 = arith.constant 1 : i32
            %dma_start3A_257 = arith.constant 1 : i32
            %dma_start3A_258 = arith.constant 0 : i32
            %dma_start3A_259 = arith.constant 0 : i32
            %dma_start3A_260 = tpu.memref_slice %arg14[%dma_start3A_256, %dma_start3A_258, %dma_start3A_259] : memref<2x16x128xf32, #tpu.memory_space<vmem>> -> memref<1x16x128xf32, #tpu.memory_space<vmem>>
            %dma_start3A_261 = tpu.memref_squeeze %dma_start3A_260 : memref<1x16x128xf32, #tpu.memory_space<vmem>> -> memref<16x128xf32, #tpu.memory_space<vmem>>
            %dma_start3A_262 = arith.constant 0 : i32
            %dma_start3A_263 = tpu.memref_slice %arg15[%dma_start3A_257, %dma_start3A_262] : memref<2x16xi32, #tpu.memory_space<vmem>> -> memref<1x16xi32, #tpu.memory_space<vmem>>
            %dma_start3A_264 = tpu.memref_squeeze %dma_start3A_263 : memref<1x16xi32, #tpu.memory_space<vmem>> -> memref<16xi32, #tpu.memory_space<vmem>>
            %dma_start3A_265 = arith.constant 0 : i32
            %dma_start3A_266 = arith.constant 0 : i32
            %dma_start3A_267 = tpu.memref_slice %arg5[%dma_start3A_265, %dma_start3A_266] : memref<16384x128xf32, #tpu.memory_space<hbm>> -> memref<16384x128xf32, #tpu.memory_space<hbm>>
            tpu.enqueue_indirect_dma source(%dma_start3A_261 : memref<16x128xf32, #tpu.memory_space<vmem>>) target(%dma_start3A_267 : memref<16384x128xf32, #tpu.memory_space<hbm>>) offsets(%dma_start3A_264 : memref<16xi32, #tpu.memory_space<vmem>>) semaphore(%arg17 : memref<!tpu.dma_semaphore, #tpu.memory_space<semaphore_mem>>)
          } else {
          }
          %add3A_245 = arith.constant 1 : i32
          %add3A_246 = arith.addi %while3A_148, %add3A_245 : i32
          %get3A_247 = arith.constant 16 : index
          %get3A_248 = tpu.vector_load %arg12[%get3A_247] {strides = array<i32>} : memref<48xi32, #tpu.memory_space<vmem>>, vector<16xi32>,
          %get3A_249 = arith.constant 16 : index
          %get3A_250 = tpu.vector_load %arg13[%get3A_249] {strides = array<i32>} : memref<48xi32, #tpu.memory_space<vmem>>, vector<16xi32>,
          %swap3A = arith.constant 0 : index
          %swap3A_251 = tpu.vector_load %arg12[%swap3A] {strides = array<i32>} : memref<48xi32, #tpu.memory_space<vmem>>, vector<16xi32>,
          tpu.vector_store %arg12[%swap3A], %get3A_248 {strides = array<i32>} : memref<48xi32, #tpu.memory_space<vmem>>, vector<16xi32>,
          %swap3A_252 = arith.constant 0 : index
          %swap3A_253 = tpu.vector_load %arg13[%swap3A_252] {strides = array<i32>} : memref<48xi32, #tpu.memory_space<vmem>>, vector<16xi32>,
          tpu.vector_store %arg13[%swap3A_252], %get3A_250 {strides = array<i32>} : memref<48xi32, #tpu.memory_space<vmem>>, vector<16xi32>,
          %sub3A_254 = arith.constant 16 : i32
          %sub3A_255 = arith.subi %add3A_177, %sub3A_254 : i32
          scf.yield %sub3A_255, %add3A_246 : i32, i32
        } else {
          scf.yield %add3A_177, %while3A_148 : i32, i32
        }
        scf.yield %cond3A_183#0, %cond3A_183#1 : i32, i32
      }
      %while3A_139 = arith.constant 1 : i32
      %while3A_140:2 = scf.for %while3A_146 = %while3A_136 to %while3A_132 step %while3A_139 iter_args(%while3A_147 = %while3A_138#0, %while3A_148 = %while3A_138#1) -> (i32, i32)  : i32 {
        %mul3A_149 = arith.constant 16 : i32
        %mul3A_150 = arith.muli %while3A_146, %mul3A_149 : i32
        %broadcast_in_dim3A = vector.broadcast %mul3A_150 : i32 to vector<16xi32>
        %add3A_151 = arith.addi %broadcast_in_dim3A, %iota3A : vector<16xi32>
        %broadcast_in_dim3A_152 = vector.broadcast %scan3A_19 : i32 to vector<16xi32>
        %lt3A_153 = arith.cmpi slt, %add3A_151, %broadcast_in_dim3A_152 : vector<16xi32>
        %mul3A_154 = arith.constant 16 : i32
        %mul3A_155 = arith.muli %while3A_146, %mul3A_154 : i32
        %get3A = arith.index_cast %mul3A_155 : i32 to index
        %get3A_156 = tpu.vector_load %arg9[%get3A] {strides = array<i32>} : memref<16400xi32, #tpu.memory_space<vmem>>, vector<16xi32>,
        %mul3A_157 = arith.constant 16 : i32
        %mul3A_158 = arith.muli %while3A_146, %mul3A_157 : i32
        %get3A_159 = arith.index_cast %mul3A_158 : i32 to index
        %get3A_160 = tpu.vector_load %arg8[%get3A_159] {strides = array<i32>} : memref<16400xi32, #tpu.memory_space<vmem>>, vector<16xi32>,
        %and3A_161 = arith.constant 131071 : i32
        %and3A_162 = vector.broadcast %and3A_161 : i32 to vector<16xi32>
        %and3A_163 = arith.andi %get3A_156, %and3A_162 : vector<16xi32>
        %shift_right_logical3A = arith.constant 7 : i32
        %shift_right_logical3A_164 = vector.broadcast %shift_right_logical3A : i32 to vector<16xi32>
        %shift_right_logical3A_165 = arith.shrui %and3A_163, %shift_right_logical3A_164 : vector<16xi32>
        %broadcast_in_dim3A_166 = vector.broadcast %add3A_128 : i32 to vector<16xi32>
        %eq3A_167 = arith.cmpi eq, %shift_right_logical3A_165, %broadcast_in_dim3A_166 : vector<16xi32>
        %and3A_168 = arith.andi %lt3A_153, %eq3A_167 : vector<16xi1>
        %convert_element_type3A_169 = arith.extui %and3A_168 : vector<16xi1> to vector<16xi32>
        %broadcast_in_dim3A_170 = arith.constant true
        %broadcast_in_dim3A_171 = vector.broadcast %broadcast_in_dim3A_170 : i1 to vector<16xi1>
        %masked_cumsum3A = tpu.scan <sum>, %convert_element_type3A_169 masked %broadcast_in_dim3A_171 : vector<16xi32>, vector<16xi1> -> vector<16xi32>
        %broadcast_in_dim3A_172 = vector.broadcast %while3A_147 : i32 to vector<16xi32>
        %add3A_173 = arith.addi %broadcast_in_dim3A_172, %masked_cumsum3A : vector<16xi32>
        %sub3A_174 = arith.constant 1 : i32
        %sub3A_175 = vector.broadcast %sub3A_174 : i32 to vector<16xi32>
        %sub3A_176 = arith.subi %add3A_173, %sub3A_175 : vector<16xi32>
        tpu.vector_store_idx %arg12[%sub3A_176], %get3A_160 masked %and3A_168 : memref<48xi32, #tpu.memory_space<vmem>>[vector<16xi32>], vector<16xi32>, vector<16xi1>
        tpu.vector_store_idx %arg13[%sub3A_176], %get3A_156 masked %and3A_168 : memref<48xi32, #tpu.memory_space<vmem>>[vector<16xi32>], vector<16xi32>, vector<16xi1>
        %slice3A = vector.extract_strided_slice %masked_cumsum3A {offsets = [15], sizes = [1], strides = [1]} : vector<16xi32> to vector<1xi32>
        %squeeze3A = vector.extract %slice3A[0] : i32 from vector<1xi32>
        %add3A_177 = arith.addi %while3A_147, %squeeze3A : i32
        %ge3A_178 = arith.constant 16 : i32
        %ge3A_179 = arith.cmpi sge, %add3A_177, %ge3A_178 : i32
        %convert_element_type3A_180 = arith.extui %ge3A_179 : i1 to i32
        %cond3A_181 = arith.constant 0 : i32
        %cond3A_182 = arith.cmpi ne, %convert_element_type3A_180, %cond3A_181 : i32
        %cond3A_183:2 = scf.if %cond3A_182 -> (i32, i32) {
          %and3A_184 = arith.constant 1 : i32
          %and3A_185 = arith.andi %while3A_148, %and3A_184 : i32
          %ge3A_186 = arith.constant 2 : i32
          %ge3A_187 = arith.cmpi sge, %while3A_148, %ge3A_186 : i32
          %convert_element_type3A_188 = arith.extui %ge3A_187 : i1 to i32
          %cond3A_189 = arith.constant 0 : i32
          %cond3A_190 = arith.cmpi ne, %convert_element_type3A_188, %cond3A_189 : i32
          scf.if %cond3A_190 {
            %dma_wait3A_256 = arith.constant 0 : i32
            %dma_wait3A_257 = arith.constant 0 : i32
            %dma_wait3A_258 = arith.constant 0 : i32
            %dma_wait3A_259 = tpu.memref_slice %arg14[%dma_wait3A_256, %dma_wait3A_257, %dma_wait3A_258] : memref<2x16x128xf32, #tpu.memory_space<vmem>> -> memref<1x16x128xf32, #tpu.memory_space<vmem>>
            %dma_wait3A_260 = tpu.memref_squeeze %dma_wait3A_259 : memref<1x16x128xf32, #tpu.memory_space<vmem>> -> memref<16x128xf32, #tpu.memory_space<vmem>>
            %dma_wait3A_261 = arith.constant 0 : i32
            %dma_wait3A_262 = arith.constant 0 : i32
            %dma_wait3A_263 = tpu.memref_slice %arg5[%dma_wait3A_261, %dma_wait3A_262] : memref<16384x128xf32, #tpu.memory_space<hbm>> -> memref<16x128xf32, #tpu.memory_space<hbm>>
            %dma_wait3A_264 = arith.constant 0 : i32
            %dma_wait3A_265 = arith.constant 0 : i32
            %dma_wait3A_266 = tpu.memref_slice %arg14[%dma_wait3A_256, %dma_wait3A_264, %dma_wait3A_265] : memref<2x16x128xf32, #tpu.memory_space<vmem>> -> memref<1x16x128xf32, #tpu.memory_space<vmem>>
            %dma_wait3A_267 = tpu.memref_squeeze %dma_wait3A_266 : memref<1x16x128xf32, #tpu.memory_space<vmem>> -> memref<16x128xf32, #tpu.memory_space<vmem>>
            %dma_wait3A_268 = arith.constant 0 : i32
            %dma_wait3A_269 = arith.constant 0 : i32
            %dma_wait3A_270 = tpu.memref_slice %arg5[%dma_wait3A_268, %dma_wait3A_269] : memref<16384x128xf32, #tpu.memory_space<hbm>> -> memref<16x128xf32, #tpu.memory_space<hbm>>
            tpu.wait_dma2 semaphore(%arg17 : memref<!tpu.dma_semaphore, #tpu.memory_space<semaphore_mem>>) src(%dma_wait3A_270 : memref<16x128xf32, #tpu.memory_space<hbm>>) dst(%dma_wait3A_267 : memref<16x128xf32, #tpu.memory_space<vmem>>)
          } else {
          }
          %broadcast_in_dim3A_191 = arith.constant 16 : i32
          %broadcast_in_dim3A_192 = vector.broadcast %broadcast_in_dim3A_191 : i32 to vector<16xi32>
          %lt3A_193 = arith.cmpi slt, %iota3A, %broadcast_in_dim3A_192 : vector<16xi32>
          %get3A_194 = arith.constant 0 : index
          %get3A_195 = tpu.vector_load %arg12[%get3A_194] {strides = array<i32>} : memref<48xi32, #tpu.memory_space<vmem>>, vector<16xi32>,
          %get3A_196 = arith.constant 0 : index
          %get3A_197 = tpu.vector_load %arg13[%get3A_196] {strides = array<i32>} : memref<48xi32, #tpu.memory_space<vmem>>, vector<16xi32>,
          %sub3A_198 = arith.constant 16 : i32
          %sub3A_199 = arith.constant 1 : i32
          %sub3A_200 = arith.subi %sub3A_198, %sub3A_199 : i32
          %get3A_201 = arith.index_cast %sub3A_200 : i32 to index
          %get3A_202 = tpu.vector_load %arg12[%get3A_201] {strides = array<i32>} : memref<48xi32, #tpu.memory_space<vmem>>, vector<16xi32>,
          %slice3A_203 = vector.extract_strided_slice %get3A_202 {offsets = [0], sizes = [1], strides = [1]} : vector<16xi32> to vector<1xi32>
          %squeeze3A_204 = vector.extract %slice3A_203[0] : i32 from vector<1xi32>
          %sub3A_205 = arith.constant 16 : i32
          %sub3A_206 = arith.constant 1 : i32
          %sub3A_207 = arith.subi %sub3A_205, %sub3A_206 : i32
          %get3A_208 = arith.index_cast %sub3A_207 : i32 to index
          %get3A_209 = tpu.vector_load %arg13[%get3A_208] {strides = array<i32>} : memref<48xi32, #tpu.memory_space<vmem>>, vector<16xi32>,
          %slice3A_210 = vector.extract_strided_slice %get3A_209 {offsets = [0], sizes = [1], strides = [1]} : vector<16xi32> to vector<1xi32>
          %squeeze3A_211 = vector.extract %slice3A_210[0] : i32 from vector<1xi32>
          %broadcast_in_dim3A_212 = vector.broadcast %squeeze3A_204 : i32 to vector<16xi32>
          %select_n3A_213 = arith.select %lt3A_193, %get3A_195, %broadcast_in_dim3A_212 : vector<16xi1>, vector<16xi32>
          %broadcast_in_dim3A_214 = vector.broadcast %squeeze3A_211 : i32 to vector<16xi32>
          %select_n3A_215 = arith.select %lt3A_193, %get3A_197, %broadcast_in_dim3A_214 : vector<16xi1>, vector<16xi32>
          %broadcast_in_dim3A_216 = vector.broadcast %and3A_185 : i32 to vector<16xi32>
          tpu.vector_store_idx %arg15[%broadcast_in_dim3A_216, %iota3A], %select_n3A_213 : memref<2x16xi32, #tpu.memory_space<vmem>>[vector<16xi32>, vector<16xi32>], vector<16xi32>,
          %and3A_217 = arith.constant 131071 : i32
          %and3A_218 = vector.broadcast %and3A_217 : i32 to vector<16xi32>
          %and3A_219 = arith.andi %select_n3A_215, %and3A_218 : vector<16xi32>
          %and3A_220 = arith.constant 127 : i32
          %and3A_221 = vector.broadcast %and3A_220 : i32 to vector<16xi32>
          %and3A_222 = arith.andi %and3A_219, %and3A_221 : vector<16xi32>
          %shift_right_logical3A_223 = arith.constant 17 : i32
          %shift_right_logical3A_224 = vector.broadcast %shift_right_logical3A_223 : i32 to vector<16xi32>
          %shift_right_logical3A_225 = arith.shrui %select_n3A_215, %shift_right_logical3A_224 : vector<16xi32>
          %shift_left3A = arith.constant 6 : i32
          %shift_left3A_226 = vector.broadcast %shift_left3A : i32 to vector<16xi32>
          %shift_left3A_227 = arith.shli %shift_right_logical3A_225, %shift_left3A_226 : vector<16xi32>
          %broadcast_in_dim3A_228 = vector.broadcast %and3A_108 : i32 to vector<16xi32>
          %scan3A_229 = arith.constant 0 : i32
          %scan3A_230 = arith.constant 0 : i32
          %scan3A_231 = arith.constant 32 : i32
          %scan3A_232 = arith.addi %scan3A_230, %scan3A_231 : i32
          %scan3A_233 = arith.constant 1 : i32
          scf.for %scan3A_256 = %scan3A_230 to %scan3A_232 step %scan3A_233  : i32 {
            %mul3A_257 = arith.constant 2 : i32
            %mul3A_258 = arith.muli %scan3A_256, %mul3A_257 : i32
            %add3A_259 = arith.constant 0 : i32
            %add3A_260 = arith.addi %mul3A_258, %add3A_259 : i32
            %broadcast_in_dim3A_261 = vector.broadcast %add3A_260 : i32 to vector<16xi32>
            %add3A_262 = arith.addi %shift_left3A_227, %broadcast_in_dim3A_261 : vector<16xi32>
            %gather3A = tpu.vector_load_idx %arg10[%broadcast_in_dim3A_228, %add3A_262, %and3A_222] : memref<2x256x128xf32, #tpu.memory_space<vmem>>[vector<16xi32>, vector<16xi32>, vector<16xi32>], vector<16xf32>,
            tpu.vector_store_idx %arg14[%broadcast_in_dim3A_216, %iota3A, %broadcast_in_dim3A_261], %gather3A : memref<2x16x128xf32, #tpu.memory_space<vmem>>[vector<16xi32>, vector<16xi32>, vector<16xi32>], vector<16xf32>,
            %mul3A_263 = arith.constant 2 : i32
            %mul3A_264 = arith.muli %scan3A_256, %mul3A_263 : i32
            %add3A_265 = arith.constant 1 : i32
            %add3A_266 = arith.addi %mul3A_264, %add3A_265 : i32
            %broadcast_in_dim3A_267 = vector.broadcast %add3A_266 : i32 to vector<16xi32>
            %add3A_268 = arith.addi %shift_left3A_227, %broadcast_in_dim3A_267 : vector<16xi32>
            %gather3A_269 = tpu.vector_load_idx %arg10[%broadcast_in_dim3A_228, %add3A_268, %and3A_222] : memref<2x256x128xf32, #tpu.memory_space<vmem>>[vector<16xi32>, vector<16xi32>, vector<16xi32>], vector<16xf32>,
            tpu.vector_store_idx %arg14[%broadcast_in_dim3A_216, %iota3A, %broadcast_in_dim3A_267], %gather3A_269 : memref<2x16x128xf32, #tpu.memory_space<vmem>>[vector<16xi32>, vector<16xi32>, vector<16xi32>], vector<16xf32>,
          }
          %scan3A_234 = arith.constant 32 : i32
          %eq3A_235 = arith.constant 0 : i32
          %eq3A_236 = arith.cmpi eq, %and3A_185, %eq3A_235 : i32
          %convert_element_type3A_237 = arith.extui %eq3A_236 : i1 to i32
          %cond3A_238 = arith.constant 0 : i32
          %cond3A_239 = arith.cmpi ne, %convert_element_type3A_237, %cond3A_238 : i32
          scf.if %cond3A_239 {
            %dma_start3A_256 = arith.constant 0 : i32
            %dma_start3A_257 = arith.constant 0 : i32
            %dma_start3A_258 = arith.constant 0 : i32
            %dma_start3A_259 = arith.constant 0 : i32
            %dma_start3A_260 = tpu.memref_slice %arg14[%dma_start3A_256, %dma_start3A_258, %dma_start3A_259] : memref<2x16x128xf32, #tpu.memory_space<vmem>> -> memref<1x16x128xf32, #tpu.memory_space<vmem>>
            %dma_start3A_261 = tpu.memref_squeeze %dma_start3A_260 : memref<1x16x128xf32, #tpu.memory_space<vmem>> -> memref<16x128xf32, #tpu.memory_space<vmem>>
            %dma_start3A_262 = arith.constant 0 : i32
            %dma_start3A_263 = tpu.memref_slice %arg15[%dma_start3A_257, %dma_start3A_262] : memref<2x16xi32, #tpu.memory_space<vmem>> -> memref<1x16xi32, #tpu.memory_space<vmem>>
            %dma_start3A_264 = tpu.memref_squeeze %dma_start3A_263 : memref<1x16xi32, #tpu.memory_space<vmem>> -> memref<16xi32, #tpu.memory_space<vmem>>
            %dma_start3A_265 = arith.constant 0 : i32
            %dma_start3A_266 = arith.constant 0 : i32
            %dma_start3A_267 = tpu.memref_slice %arg5[%dma_start3A_265, %dma_start3A_266] : memref<16384x128xf32, #tpu.memory_space<hbm>> -> memref<16384x128xf32, #tpu.memory_space<hbm>>
            tpu.enqueue_indirect_dma source(%dma_start3A_261 : memref<16x128xf32, #tpu.memory_space<vmem>>) target(%dma_start3A_267 : memref<16384x128xf32, #tpu.memory_space<hbm>>) offsets(%dma_start3A_264 : memref<16xi32, #tpu.memory_space<vmem>>) semaphore(%arg17 : memref<!tpu.dma_semaphore, #tpu.memory_space<semaphore_mem>>)
          } else {
          }
          %eq3A_240 = arith.constant 1 : i32
          %eq3A_241 = arith.cmpi eq, %and3A_185, %eq3A_240 : i32
          %convert_element_type3A_242 = arith.extui %eq3A_241 : i1 to i32
          %cond3A_243 = arith.constant 0 : i32
          %cond3A_244 = arith.cmpi ne, %convert_element_type3A_242, %cond3A_243 : i32
          scf.if %cond3A_244 {
            %dma_start3A_256 = arith.constant 1 : i32
            %dma_start3A_257 = arith.constant 1 : i32
            %dma_start3A_258 = arith.constant 0 : i32
            %dma_start3A_259 = arith.constant 0 : i32
            %dma_start3A_260 = tpu.memref_slice %arg14[%dma_start3A_256, %dma_start3A_258, %dma_start3A_259] : memref<2x16x128xf32, #tpu.memory_space<vmem>> -> memref<1x16x128xf32, #tpu.memory_space<vmem>>
            %dma_start3A_261 = tpu.memref_squeeze %dma_start3A_260 : memref<1x16x128xf32, #tpu.memory_space<vmem>> -> memref<16x128xf32, #tpu.memory_space<vmem>>
            %dma_start3A_262 = arith.constant 0 : i32
            %dma_start3A_263 = tpu.memref_slice %arg15[%dma_start3A_257, %dma_start3A_262] : memref<2x16xi32, #tpu.memory_space<vmem>> -> memref<1x16xi32, #tpu.memory_space<vmem>>
            %dma_start3A_264 = tpu.memref_squeeze %dma_start3A_263 : memref<1x16xi32, #tpu.memory_space<vmem>> -> memref<16xi32, #tpu.memory_space<vmem>>
            %dma_start3A_265 = arith.constant 0 : i32
            %dma_start3A_266 = arith.constant 0 : i32
            %dma_start3A_267 = tpu.memref_slice %arg5[%dma_start3A_265, %dma_start3A_266] : memref<16384x128xf32, #tpu.memory_space<hbm>> -> memref<16384x128xf32, #tpu.memory_space<hbm>>
            tpu.enqueue_indirect_dma source(%dma_start3A_261 : memref<16x128xf32, #tpu.memory_space<vmem>>) target(%dma_start3A_267 : memref<16384x128xf32, #tpu.memory_space<hbm>>) offsets(%dma_start3A_264 : memref<16xi32, #tpu.memory_space<vmem>>) semaphore(%arg17 : memref<!tpu.dma_semaphore, #tpu.memory_space<semaphore_mem>>)
          } else {
          }
          %add3A_245 = arith.constant 1 : i32
          %add3A_246 = arith.addi %while3A_148, %add3A_245 : i32
          %get3A_247 = arith.constant 16 : index
          %get3A_248 = tpu.vector_load %arg12[%get3A_247] {strides = array<i32>} : memref<48xi32, #tpu.memory_space<vmem>>, vector<16xi32>,
          %get3A_249 = arith.constant 16 : index
          %get3A_250 = tpu.vector_load %arg13[%get3A_249] {strides = array<i32>} : memref<48xi32, #tpu.memory_space<vmem>>, vector<16xi32>,
          %swap3A = arith.constant 0 : index
          %swap3A_251 = tpu.vector_load %arg12[%swap3A] {strides = array<i32>} : memref<48xi32, #tpu.memory_space<vmem>>, vector<16xi32>,
          tpu.vector_store %arg12[%swap3A], %get3A_248 {strides = array<i32>} : memref<48xi32, #tpu.memory_space<vmem>>, vector<16xi32>,
          %swap3A_252 = arith.constant 0 : index
          %swap3A_253 = tpu.vector_load %arg13[%swap3A_252] {strides = array<i32>} : memref<48xi32, #tpu.memory_space<vmem>>, vector<16xi32>,
          tpu.vector_store %arg13[%swap3A_252], %get3A_250 {strides = array<i32>} : memref<48xi32, #tpu.memory_space<vmem>>, vector<16xi32>,
          %sub3A_254 = arith.constant 16 : i32
          %sub3A_255 = arith.subi %add3A_177, %sub3A_254 : i32
          scf.yield %sub3A_255, %add3A_246 : i32, i32
        } else {
          scf.yield %add3A_177, %while3A_148 : i32, i32
        }
        scf.yield %cond3A_183#0, %cond3A_183#1 : i32, i32
      }
      %gt3A = arith.constant 0 : i32
      %gt3A_141 = arith.cmpi sgt, %while3A_140#0, %gt3A : i32
      %convert_element_type3A_142 = arith.extui %gt3A_141 : i1 to i32
      %cond3A_143 = arith.constant 0 : i32
      %cond3A_144 = arith.cmpi ne, %convert_element_type3A_142, %cond3A_143 : i32
      %cond3A_145 = scf.if %cond3A_144 -> (i32) {
        %and3A_146 = arith.constant 1 : i32
        %and3A_147 = arith.andi %while3A_140#1, %and3A_146 : i32
        %ge3A_148 = arith.constant 2 : i32
        %ge3A_149 = arith.cmpi sge, %while3A_140#1, %ge3A_148 : i32
        %convert_element_type3A_150 = arith.extui %ge3A_149 : i1 to i32
        %cond3A_151 = arith.constant 0 : i32
        %cond3A_152 = arith.cmpi ne, %convert_element_type3A_150, %cond3A_151 : i32
        scf.if %cond3A_152 {
          %dma_wait3A_201 = arith.constant 0 : i32
          %dma_wait3A_202 = arith.constant 0 : i32
          %dma_wait3A_203 = arith.constant 0 : i32
          %dma_wait3A_204 = tpu.memref_slice %arg14[%dma_wait3A_201, %dma_wait3A_202, %dma_wait3A_203] : memref<2x16x128xf32, #tpu.memory_space<vmem>> -> memref<1x16x128xf32, #tpu.memory_space<vmem>>
          %dma_wait3A_205 = tpu.memref_squeeze %dma_wait3A_204 : memref<1x16x128xf32, #tpu.memory_space<vmem>> -> memref<16x128xf32, #tpu.memory_space<vmem>>
          %dma_wait3A_206 = arith.constant 0 : i32
          %dma_wait3A_207 = arith.constant 0 : i32
          %dma_wait3A_208 = tpu.memref_slice %arg5[%dma_wait3A_206, %dma_wait3A_207] : memref<16384x128xf32, #tpu.memory_space<hbm>> -> memref<16x128xf32, #tpu.memory_space<hbm>>
          %dma_wait3A_209 = arith.constant 0 : i32
          %dma_wait3A_210 = arith.constant 0 : i32
          %dma_wait3A_211 = tpu.memref_slice %arg14[%dma_wait3A_201, %dma_wait3A_209, %dma_wait3A_210] : memref<2x16x128xf32, #tpu.memory_space<vmem>> -> memref<1x16x128xf32, #tpu.memory_space<vmem>>
          %dma_wait3A_212 = tpu.memref_squeeze %dma_wait3A_211 : memref<1x16x128xf32, #tpu.memory_space<vmem>> -> memref<16x128xf32, #tpu.memory_space<vmem>>
          %dma_wait3A_213 = arith.constant 0 : i32
          %dma_wait3A_214 = arith.constant 0 : i32
          %dma_wait3A_215 = tpu.memref_slice %arg5[%dma_wait3A_213, %dma_wait3A_214] : memref<16384x128xf32, #tpu.memory_space<hbm>> -> memref<16x128xf32, #tpu.memory_space<hbm>>
          tpu.wait_dma2 semaphore(%arg17 : memref<!tpu.dma_semaphore, #tpu.memory_space<semaphore_mem>>) src(%dma_wait3A_215 : memref<16x128xf32, #tpu.memory_space<hbm>>) dst(%dma_wait3A_212 : memref<16x128xf32, #tpu.memory_space<vmem>>)
        } else {
        }
        %broadcast_in_dim3A = vector.broadcast %while3A_140#0 : i32 to vector<16xi32>
        %lt3A_153 = arith.cmpi slt, %iota3A, %broadcast_in_dim3A : vector<16xi32>
        %get3A = arith.constant 0 : index
        %get3A_154 = tpu.vector_load %arg12[%get3A] {strides = array<i32>} : memref<48xi32, #tpu.memory_space<vmem>>, vector<16xi32>,
        %get3A_155 = arith.constant 0 : index
        %get3A_156 = tpu.vector_load %arg13[%get3A_155] {strides = array<i32>} : memref<48xi32, #tpu.memory_space<vmem>>, vector<16xi32>,
        %sub3A_157 = arith.constant 1 : i32
        %sub3A_158 = arith.subi %while3A_140#0, %sub3A_157 : i32
        %get3A_159 = arith.index_cast %sub3A_158 : i32 to index
        %get3A_160 = tpu.vector_load %arg12[%get3A_159] {strides = array<i32>} : memref<48xi32, #tpu.memory_space<vmem>>, vector<16xi32>,
        %slice3A = vector.extract_strided_slice %get3A_160 {offsets = [0], sizes = [1], strides = [1]} : vector<16xi32> to vector<1xi32>
        %squeeze3A = vector.extract %slice3A[0] : i32 from vector<1xi32>
        %sub3A_161 = arith.constant 1 : i32
        %sub3A_162 = arith.subi %while3A_140#0, %sub3A_161 : i32
        %get3A_163 = arith.index_cast %sub3A_162 : i32 to index
        %get3A_164 = tpu.vector_load %arg13[%get3A_163] {strides = array<i32>} : memref<48xi32, #tpu.memory_space<vmem>>, vector<16xi32>,
        %slice3A_165 = vector.extract_strided_slice %get3A_164 {offsets = [0], sizes = [1], strides = [1]} : vector<16xi32> to vector<1xi32>
        %squeeze3A_166 = vector.extract %slice3A_165[0] : i32 from vector<1xi32>
        %broadcast_in_dim3A_167 = vector.broadcast %squeeze3A : i32 to vector<16xi32>
        %select_n3A_168 = arith.select %lt3A_153, %get3A_154, %broadcast_in_dim3A_167 : vector<16xi1>, vector<16xi32>
        %broadcast_in_dim3A_169 = vector.broadcast %squeeze3A_166 : i32 to vector<16xi32>
        %select_n3A_170 = arith.select %lt3A_153, %get3A_156, %broadcast_in_dim3A_169 : vector<16xi1>, vector<16xi32>
        %broadcast_in_dim3A_171 = vector.broadcast %and3A_147 : i32 to vector<16xi32>
        tpu.vector_store_idx %arg15[%broadcast_in_dim3A_171, %iota3A], %select_n3A_168 : memref<2x16xi32, #tpu.memory_space<vmem>>[vector<16xi32>, vector<16xi32>], vector<16xi32>,
        %and3A_172 = arith.constant 131071 : i32
        %and3A_173 = vector.broadcast %and3A_172 : i32 to vector<16xi32>
        %and3A_174 = arith.andi %select_n3A_170, %and3A_173 : vector<16xi32>
        %and3A_175 = arith.constant 127 : i32
        %and3A_176 = vector.broadcast %and3A_175 : i32 to vector<16xi32>
        %and3A_177 = arith.andi %and3A_174, %and3A_176 : vector<16xi32>
        %shift_right_logical3A = arith.constant 17 : i32
        %shift_right_logical3A_178 = vector.broadcast %shift_right_logical3A : i32 to vector<16xi32>
        %shift_right_logical3A_179 = arith.shrui %select_n3A_170, %shift_right_logical3A_178 : vector<16xi32>
        %shift_left3A = arith.constant 6 : i32
        %shift_left3A_180 = vector.broadcast %shift_left3A : i32 to vector<16xi32>
        %shift_left3A_181 = arith.shli %shift_right_logical3A_179, %shift_left3A_180 : vector<16xi32>
        %broadcast_in_dim3A_182 = vector.broadcast %and3A_108 : i32 to vector<16xi32>
        %scan3A_183 = arith.constant 0 : i32
        %scan3A_184 = arith.constant 0 : i32
        %scan3A_185 = arith.constant 32 : i32
        %scan3A_186 = arith.addi %scan3A_184, %scan3A_185 : i32
        %scan3A_187 = arith.constant 1 : i32
        scf.for %scan3A_201 = %scan3A_184 to %scan3A_186 step %scan3A_187  : i32 {
          %mul3A_202 = arith.constant 2 : i32
          %mul3A_203 = arith.muli %scan3A_201, %mul3A_202 : i32
          %add3A_204 = arith.constant 0 : i32
          %add3A_205 = arith.addi %mul3A_203, %add3A_204 : i32
          %broadcast_in_dim3A_206 = vector.broadcast %add3A_205 : i32 to vector<16xi32>
          %add3A_207 = arith.addi %shift_left3A_181, %broadcast_in_dim3A_206 : vector<16xi32>
          %gather3A = tpu.vector_load_idx %arg10[%broadcast_in_dim3A_182, %add3A_207, %and3A_177] : memref<2x256x128xf32, #tpu.memory_space<vmem>>[vector<16xi32>, vector<16xi32>, vector<16xi32>], vector<16xf32>,
          tpu.vector_store_idx %arg14[%broadcast_in_dim3A_171, %iota3A, %broadcast_in_dim3A_206], %gather3A : memref<2x16x128xf32, #tpu.memory_space<vmem>>[vector<16xi32>, vector<16xi32>, vector<16xi32>], vector<16xf32>,
          %mul3A_208 = arith.constant 2 : i32
          %mul3A_209 = arith.muli %scan3A_201, %mul3A_208 : i32
          %add3A_210 = arith.constant 1 : i32
          %add3A_211 = arith.addi %mul3A_209, %add3A_210 : i32
          %broadcast_in_dim3A_212 = vector.broadcast %add3A_211 : i32 to vector<16xi32>
          %add3A_213 = arith.addi %shift_left3A_181, %broadcast_in_dim3A_212 : vector<16xi32>
          %gather3A_214 = tpu.vector_load_idx %arg10[%broadcast_in_dim3A_182, %add3A_213, %and3A_177] : memref<2x256x128xf32, #tpu.memory_space<vmem>>[vector<16xi32>, vector<16xi32>, vector<16xi32>], vector<16xf32>,
          tpu.vector_store_idx %arg14[%broadcast_in_dim3A_171, %iota3A, %broadcast_in_dim3A_212], %gather3A_214 : memref<2x16x128xf32, #tpu.memory_space<vmem>>[vector<16xi32>, vector<16xi32>, vector<16xi32>], vector<16xf32>,
        }
        %scan3A_188 = arith.constant 32 : i32
        %eq3A_189 = arith.constant 0 : i32
        %eq3A_190 = arith.cmpi eq, %and3A_147, %eq3A_189 : i32
        %convert_element_type3A_191 = arith.extui %eq3A_190 : i1 to i32
        %cond3A_192 = arith.constant 0 : i32
        %cond3A_193 = arith.cmpi ne, %convert_element_type3A_191, %cond3A_192 : i32
        scf.if %cond3A_193 {
          %dma_start3A_201 = arith.constant 0 : i32
          %dma_start3A_202 = arith.constant 0 : i32
          %dma_start3A_203 = arith.constant 0 : i32
          %dma_start3A_204 = arith.constant 0 : i32
          %dma_start3A_205 = tpu.memref_slice %arg14[%dma_start3A_201, %dma_start3A_203, %dma_start3A_204] : memref<2x16x128xf32, #tpu.memory_space<vmem>> -> memref<1x16x128xf32, #tpu.memory_space<vmem>>
          %dma_start3A_206 = tpu.memref_squeeze %dma_start3A_205 : memref<1x16x128xf32, #tpu.memory_space<vmem>> -> memref<16x128xf32, #tpu.memory_space<vmem>>
          %dma_start3A_207 = arith.constant 0 : i32
          %dma_start3A_208 = tpu.memref_slice %arg15[%dma_start3A_202, %dma_start3A_207] : memref<2x16xi32, #tpu.memory_space<vmem>> -> memref<1x16xi32, #tpu.memory_space<vmem>>
          %dma_start3A_209 = tpu.memref_squeeze %dma_start3A_208 : memref<1x16xi32, #tpu.memory_space<vmem>> -> memref<16xi32, #tpu.memory_space<vmem>>
          %dma_start3A_210 = arith.constant 0 : i32
          %dma_start3A_211 = arith.constant 0 : i32
          %dma_start3A_212 = tpu.memref_slice %arg5[%dma_start3A_210, %dma_start3A_211] : memref<16384x128xf32, #tpu.memory_space<hbm>> -> memref<16384x128xf32, #tpu.memory_space<hbm>>
          tpu.enqueue_indirect_dma source(%dma_start3A_206 : memref<16x128xf32, #tpu.memory_space<vmem>>) target(%dma_start3A_212 : memref<16384x128xf32, #tpu.memory_space<hbm>>) offsets(%dma_start3A_209 : memref<16xi32, #tpu.memory_space<vmem>>) semaphore(%arg17 : memref<!tpu.dma_semaphore, #tpu.memory_space<semaphore_mem>>)
        } else {
        }
        %eq3A_194 = arith.constant 1 : i32
        %eq3A_195 = arith.cmpi eq, %and3A_147, %eq3A_194 : i32
        %convert_element_type3A_196 = arith.extui %eq3A_195 : i1 to i32
        %cond3A_197 = arith.constant 0 : i32
        %cond3A_198 = arith.cmpi ne, %convert_element_type3A_196, %cond3A_197 : i32
        scf.if %cond3A_198 {
          %dma_start3A_201 = arith.constant 1 : i32
          %dma_start3A_202 = arith.constant 1 : i32
          %dma_start3A_203 = arith.constant 0 : i32
          %dma_start3A_204 = arith.constant 0 : i32
          %dma_start3A_205 = tpu.memref_slice %arg14[%dma_start3A_201, %dma_start3A_203, %dma_start3A_204] : memref<2x16x128xf32, #tpu.memory_space<vmem>> -> memref<1x16x128xf32, #tpu.memory_space<vmem>>
          %dma_start3A_206 = tpu.memref_squeeze %dma_start3A_205 : memref<1x16x128xf32, #tpu.memory_space<vmem>> -> memref<16x128xf32, #tpu.memory_space<vmem>>
          %dma_start3A_207 = arith.constant 0 : i32
          %dma_start3A_208 = tpu.memref_slice %arg15[%dma_start3A_202, %dma_start3A_207] : memref<2x16xi32, #tpu.memory_space<vmem>> -> memref<1x16xi32, #tpu.memory_space<vmem>>
          %dma_start3A_209 = tpu.memref_squeeze %dma_start3A_208 : memref<1x16xi32, #tpu.memory_space<vmem>> -> memref<16xi32, #tpu.memory_space<vmem>>
          %dma_start3A_210 = arith.constant 0 : i32
          %dma_start3A_211 = arith.constant 0 : i32
          %dma_start3A_212 = tpu.memref_slice %arg5[%dma_start3A_210, %dma_start3A_211] : memref<16384x128xf32, #tpu.memory_space<hbm>> -> memref<16384x128xf32, #tpu.memory_space<hbm>>
          tpu.enqueue_indirect_dma source(%dma_start3A_206 : memref<16x128xf32, #tpu.memory_space<vmem>>) target(%dma_start3A_212 : memref<16384x128xf32, #tpu.memory_space<hbm>>) offsets(%dma_start3A_209 : memref<16xi32, #tpu.memory_space<vmem>>) semaphore(%arg17 : memref<!tpu.dma_semaphore, #tpu.memory_space<semaphore_mem>>)
        } else {
        }
        %add3A_199 = arith.constant 1 : i32
        %add3A_200 = arith.addi %while3A_140#1, %add3A_199 : i32
        scf.yield %add3A_200 : i32
      } else {
        scf.yield %while3A_140#1 : i32
      }
      scf.yield %cond3A_145 : i32
    }
    %while3A_77 = arith.constant 1 : i32
    %while3A_78 = scf.for %while3A_91 = %while3A_74 to %while3A_70 step %while3A_77 iter_args(%while3A_92 = %while3A_76) -> (i32)  : i32 {
      %dma_wait3A = arith.constant 0 : i32
      %dma_wait3A_93 = arith.constant 0 : i32
      %dma_wait3A_94 = arith.constant 0 : i32
      %dma_wait3A_95 = tpu.memref_slice %arg10[%dma_wait3A, %dma_wait3A_93, %dma_wait3A_94] : memref<2x256x128xf32, #tpu.memory_space<vmem>> -> memref<1x256x128xf32, #tpu.memory_space<vmem>>
      %dma_wait3A_96 = tpu.memref_squeeze %dma_wait3A_95 : memref<1x256x128xf32, #tpu.memory_space<vmem>> -> memref<256x128xf32, #tpu.memory_space<vmem>>
      %dma_wait3A_97 = arith.constant 0 : i32
      %dma_wait3A_98 = arith.constant 0 : i32
      %dma_wait3A_99 = tpu.memref_slice %arg4[%dma_wait3A_97, %dma_wait3A_98] : memref<256x100000xf32, #tpu.memory_space<hbm>> -> memref<256x128xf32, #tpu.memory_space<hbm>>
      %dma_wait3A_100 = arith.constant 0 : i32
      %dma_wait3A_101 = arith.constant 0 : i32
      %dma_wait3A_102 = tpu.memref_slice %arg10[%dma_wait3A, %dma_wait3A_100, %dma_wait3A_101] : memref<2x256x128xf32, #tpu.memory_space<vmem>> -> memref<1x256x128xf32, #tpu.memory_space<vmem>>
      %dma_wait3A_103 = tpu.memref_squeeze %dma_wait3A_102 : memref<1x256x128xf32, #tpu.memory_space<vmem>> -> memref<256x128xf32, #tpu.memory_space<vmem>>
      %dma_wait3A_104 = arith.constant 0 : i32
      %dma_wait3A_105 = arith.constant 0 : i32
      %dma_wait3A_106 = tpu.memref_slice %arg4[%dma_wait3A_104, %dma_wait3A_105] : memref<256x100000xf32, #tpu.memory_space<hbm>> -> memref<256x128xf32, #tpu.memory_space<hbm>>
      tpu.wait_dma2 semaphore(%arg16 : memref<!tpu.dma_semaphore, #tpu.memory_space<semaphore_mem>>) src(%dma_wait3A_106 : memref<256x128xf32, #tpu.memory_space<hbm>>) dst(%dma_wait3A_103 : memref<256x128xf32, #tpu.memory_space<vmem>>)
      %and3A_107 = arith.constant 1 : i32
      %and3A_108 = arith.andi %while3A_91, %and3A_107 : i32
      %add3A_109 = arith.constant 1 : i32
      %add3A_110 = arith.addi %while3A_91, %add3A_109 : i32
      %lt3A = arith.cmpi slt, %add3A_110, %select_n3A_67 : i32
      %eq3A_111 = arith.constant 0 : i32
      %eq3A_112 = arith.cmpi eq, %and3A_108, %eq3A_111 : i32
      %and3A_113 = arith.andi %lt3A, %eq3A_112 : i1
      %convert_element_type3A_114 = arith.extui %and3A_113 : i1 to i32
      %cond3A_115 = arith.constant 0 : i32
      %cond3A_116 = arith.cmpi ne, %convert_element_type3A_114, %cond3A_115 : i32
      scf.if %cond3A_116 {
        %add3A_146 = arith.constant 1 : i32
        %add3A_147 = arith.addi %while3A_91, %add3A_146 : i32
        %mul3A_148 = arith.constant 32 : i32
        %mul3A_149 = arith.muli %mul3A_148, %add3A_147 : i32
        %add3A_150 = arith.addi %add3A, %mul3A_149 : i32
        %mul3A_151 = arith.constant 128 : i32
        %mul3A_152 = arith.muli %add3A_150, %mul3A_151 : i32
        %multiple_of3A_153 = tpu.assume_multiple %mul3A_152, 128 : i32
        %dma_start3A_154 = arith.constant 1 : i32
        %dma_start3A_155 = arith.constant 0 : i32
        %dma_start3A_156 = arith.constant 0 : i32
        %dma_start3A_157 = tpu.memref_slice %arg10[%dma_start3A_154, %dma_start3A_155, %dma_start3A_156] : memref<2x256x128xf32, #tpu.memory_space<vmem>> -> memref<1x256x128xf32, #tpu.memory_space<vmem>>
        %dma_start3A_158 = tpu.memref_squeeze %dma_start3A_157 : memref<1x256x128xf32, #tpu.memory_space<vmem>> -> memref<256x128xf32, #tpu.memory_space<vmem>>
        %dma_start3A_159 = arith.constant 0 : i32
        %dma_start3A_160 = tpu.memref_slice %arg4[%dma_start3A_159, %multiple_of3A_153] : memref<256x100000xf32, #tpu.memory_space<hbm>> -> memref<256x128xf32, #tpu.memory_space<hbm>>
        %dma_start3A_161 = arith.constant 0 : i32
        %dma_start3A_162 = arith.constant 0 : i32
        %dma_start3A_163 = tpu.memref_slice %arg10[%dma_start3A_154, %dma_start3A_161, %dma_start3A_162] : memref<2x256x128xf32, #tpu.memory_space<vmem>> -> memref<1x256x128xf32, #tpu.memory_space<vmem>>
        %dma_start3A_164 = tpu.memref_squeeze %dma_start3A_163 : memref<1x256x128xf32, #tpu.memory_space<vmem>> -> memref<256x128xf32, #tpu.memory_space<vmem>>
        %dma_start3A_165 = arith.constant 0 : i32
        %dma_start3A_166 = tpu.memref_slice %arg4[%dma_start3A_165, %multiple_of3A_153] : memref<256x100000xf32, #tpu.memory_space<hbm>> -> memref<256x128xf32, #tpu.memory_space<hbm>>
        tpu.enqueue_dma source(%dma_start3A_166 : memref<256x128xf32, #tpu.memory_space<hbm>>) target(%dma_start3A_164 : memref<256x128xf32, #tpu.memory_space<vmem>>) target_semaphore(%arg16 : memref<!tpu.dma_semaphore, #tpu.memory_space<semaphore_mem>>)
      } else {
      }
      %add3A_117 = arith.constant 1 : i32
      %add3A_118 = arith.addi %while3A_91, %add3A_117 : i32
      %lt3A_119 = arith.cmpi slt, %add3A_118, %select_n3A_67 : i32
      %eq3A_120 = arith.constant 1 : i32
      %eq3A_121 = arith.cmpi eq, %and3A_108, %eq3A_120 : i32
      %and3A_122 = arith.andi %lt3A_119, %eq3A_121 : i1
      %convert_element_type3A_123 = arith.extui %and3A_122 : i1 to i32
      %cond3A_124 = arith.constant 0 : i32
      %cond3A_125 = arith.cmpi ne, %convert_element_type3A_123, %cond3A_124 : i32
      scf.if %cond3A_125 {
        %add3A_146 = arith.constant 1 : i32
        %add3A_147 = arith.addi %while3A_91, %add3A_146 : i32
        %mul3A_148 = arith.constant 32 : i32
        %mul3A_149 = arith.muli %mul3A_148, %add3A_147 : i32
        %add3A_150 = arith.addi %add3A, %mul3A_149 : i32
        %mul3A_151 = arith.constant 128 : i32
        %mul3A_152 = arith.muli %add3A_150, %mul3A_151 : i32
        %multiple_of3A_153 = tpu.assume_multiple %mul3A_152, 128 : i32
        %dma_start3A_154 = arith.constant 0 : i32
        %dma_start3A_155 = arith.constant 0 : i32
        %dma_start3A_156 = arith.constant 0 : i32
        %dma_start3A_157 = tpu.memref_slice %arg10[%dma_start3A_154, %dma_start3A_155, %dma_start3A_156] : memref<2x256x128xf32, #tpu.memory_space<vmem>> -> memref<1x256x128xf32, #tpu.memory_space<vmem>>
        %dma_start3A_158 = tpu.memref_squeeze %dma_start3A_157 : memref<1x256x128xf32, #tpu.memory_space<vmem>> -> memref<256x128xf32, #tpu.memory_space<vmem>>
        %dma_start3A_159 = arith.constant 0 : i32
        %dma_start3A_160 = tpu.memref_slice %arg4[%dma_start3A_159, %multiple_of3A_153] : memref<256x100000xf32, #tpu.memory_space<hbm>> -> memref<256x128xf32, #tpu.memory_space<hbm>>
        %dma_start3A_161 = arith.constant 0 : i32
        %dma_start3A_162 = arith.constant 0 : i32
        %dma_start3A_163 = tpu.memref_slice %arg10[%dma_start3A_154, %dma_start3A_161, %dma_start3A_162] : memref<2x256x128xf32, #tpu.memory_space<vmem>> -> memref<1x256x128xf32, #tpu.memory_space<vmem>>
        %dma_start3A_164 = tpu.memref_squeeze %dma_start3A_163 : memref<1x256x128xf32, #tpu.memory_space<vmem>> -> memref<256x128xf32, #tpu.memory_space<vmem>>
        %dma_start3A_165 = arith.constant 0 : i32
        %dma_start3A_166 = tpu.memref_slice %arg4[%dma_start3A_165, %multiple_of3A_153] : memref<256x100000xf32, #tpu.memory_space<hbm>> -> memref<256x128xf32, #tpu.memory_space<hbm>>
        tpu.enqueue_dma source(%dma_start3A_166 : memref<256x128xf32, #tpu.memory_space<hbm>>) target(%dma_start3A_164 : memref<256x128xf32, #tpu.memory_space<vmem>>) target_semaphore(%arg16 : memref<!tpu.dma_semaphore, #tpu.memory_space<semaphore_mem>>)
      } else {
      }
      %mul3A_126 = arith.constant 32 : i32
      %mul3A_127 = arith.muli %mul3A_126, %while3A_91 : i32
      %add3A_128 = arith.addi %add3A, %mul3A_127 : i32
      %while3A_129 = arith.constant 0 : i32
      %while3A_130 = arith.constant 0 : i32
      %while3A_131 = arith.subi %select_n3A, %while3A_129 : i32
      %while3A_132 = arith.addi %while3A_129, %while3A_131 : i32
      %while3A_133 = arith.constant 1 : i32
      %while3A_134 = arith.divsi %while3A_131, %while3A_133 : i32
      %while3A_135 = arith.muli %while3A_134, %while3A_133 : i32
      %while3A_136 = arith.addi %while3A_129, %while3A_135 : i32
      %while3A_137 = arith.constant 1 : i32
      %while3A_138:2 = scf.for %while3A_146 = %while3A_129 to %while3A_136 step %while3A_137 iter_args(%while3A_147 = %while3A_130, %while3A_148 = %while3A_92) -> (i32, i32)  : i32 {
        %mul3A_149 = arith.constant 16 : i32
        %mul3A_150 = arith.muli %while3A_146, %mul3A_149 : i32
        %broadcast_in_dim3A = vector.broadcast %mul3A_150 : i32 to vector<16xi32>
        %add3A_151 = arith.addi %broadcast_in_dim3A, %iota3A : vector<16xi32>
        %broadcast_in_dim3A_152 = vector.broadcast %scan3A_19 : i32 to vector<16xi32>
        %lt3A_153 = arith.cmpi slt, %add3A_151, %broadcast_in_dim3A_152 : vector<16xi32>
        %mul3A_154 = arith.constant 16 : i32
        %mul3A_155 = arith.muli %while3A_146, %mul3A_154 : i32
        %get3A = arith.index_cast %mul3A_155 : i32 to index
        %get3A_156 = tpu.vector_load %arg9[%get3A] {strides = array<i32>} : memref<16400xi32, #tpu.memory_space<vmem>>, vector<16xi32>,
        %mul3A_157 = arith.constant 16 : i32
        %mul3A_158 = arith.muli %while3A_146, %mul3A_157 : i32
        %get3A_159 = arith.index_cast %mul3A_158 : i32 to index
        %get3A_160 = tpu.vector_load %arg8[%get3A_159] {strides = array<i32>} : memref<16400xi32, #tpu.memory_space<vmem>>, vector<16xi32>,
        %and3A_161 = arith.constant 131071 : i32
        %and3A_162 = vector.broadcast %and3A_161 : i32 to vector<16xi32>
        %and3A_163 = arith.andi %get3A_156, %and3A_162 : vector<16xi32>
        %shift_right_logical3A = arith.constant 7 : i32
        %shift_right_logical3A_164 = vector.broadcast %shift_right_logical3A : i32 to vector<16xi32>
        %shift_right_logical3A_165 = arith.shrui %and3A_163, %shift_right_logical3A_164 : vector<16xi32>
        %broadcast_in_dim3A_166 = vector.broadcast %add3A_128 : i32 to vector<16xi32>
        %eq3A_167 = arith.cmpi eq, %shift_right_logical3A_165, %broadcast_in_dim3A_166 : vector<16xi32>
        %and3A_168 = arith.andi %lt3A_153, %eq3A_167 : vector<16xi1>
        %convert_element_type3A_169 = arith.extui %and3A_168 : vector<16xi1> to vector<16xi32>
        %broadcast_in_dim3A_170 = arith.constant true
        %broadcast_in_dim3A_171 = vector.broadcast %broadcast_in_dim3A_170 : i1 to vector<16xi1>
        %masked_cumsum3A = tpu.scan <sum>, %convert_element_type3A_169 masked %broadcast_in_dim3A_171 : vector<16xi32>, vector<16xi1> -> vector<16xi32>
        %broadcast_in_dim3A_172 = vector.broadcast %while3A_147 : i32 to vector<16xi32>
        %add3A_173 = arith.addi %broadcast_in_dim3A_172, %masked_cumsum3A : vector<16xi32>
        %sub3A_174 = arith.constant 1 : i32
        %sub3A_175 = vector.broadcast %sub3A_174 : i32 to vector<16xi32>
        %sub3A_176 = arith.subi %add3A_173, %sub3A_175 : vector<16xi32>
        tpu.vector_store_idx %arg12[%sub3A_176], %get3A_160 masked %and3A_168 : memref<48xi32, #tpu.memory_space<vmem>>[vector<16xi32>], vector<16xi32>, vector<16xi1>
        tpu.vector_store_idx %arg13[%sub3A_176], %get3A_156 masked %and3A_168 : memref<48xi32, #tpu.memory_space<vmem>>[vector<16xi32>], vector<16xi32>, vector<16xi1>
        %slice3A = vector.extract_strided_slice %masked_cumsum3A {offsets = [15], sizes = [1], strides = [1]} : vector<16xi32> to vector<1xi32>
        %squeeze3A = vector.extract %slice3A[0] : i32 from vector<1xi32>
        %add3A_177 = arith.addi %while3A_147, %squeeze3A : i32
        %ge3A_178 = arith.constant 16 : i32
        %ge3A_179 = arith.cmpi sge, %add3A_177, %ge3A_178 : i32
        %convert_element_type3A_180 = arith.extui %ge3A_179 : i1 to i32
        %cond3A_181 = arith.constant 0 : i32
        %cond3A_182 = arith.cmpi ne, %convert_element_type3A_180, %cond3A_181 : i32
        %cond3A_183:2 = scf.if %cond3A_182 -> (i32, i32) {
          %and3A_184 = arith.constant 1 : i32
          %and3A_185 = arith.andi %while3A_148, %and3A_184 : i32
          %ge3A_186 = arith.constant 2 : i32
          %ge3A_187 = arith.cmpi sge, %while3A_148, %ge3A_186 : i32
          %convert_element_type3A_188 = arith.extui %ge3A_187 : i1 to i32
          %cond3A_189 = arith.constant 0 : i32
          %cond3A_190 = arith.cmpi ne, %convert_element_type3A_188, %cond3A_189 : i32
          scf.if %cond3A_190 {
            %dma_wait3A_256 = arith.constant 0 : i32
            %dma_wait3A_257 = arith.constant 0 : i32
            %dma_wait3A_258 = arith.constant 0 : i32
            %dma_wait3A_259 = tpu.memref_slice %arg14[%dma_wait3A_256, %dma_wait3A_257, %dma_wait3A_258] : memref<2x16x128xf32, #tpu.memory_space<vmem>> -> memref<1x16x128xf32, #tpu.memory_space<vmem>>
            %dma_wait3A_260 = tpu.memref_squeeze %dma_wait3A_259 : memref<1x16x128xf32, #tpu.memory_space<vmem>> -> memref<16x128xf32, #tpu.memory_space<vmem>>
            %dma_wait3A_261 = arith.constant 0 : i32
            %dma_wait3A_262 = arith.constant 0 : i32
            %dma_wait3A_263 = tpu.memref_slice %arg5[%dma_wait3A_261, %dma_wait3A_262] : memref<16384x128xf32, #tpu.memory_space<hbm>> -> memref<16x128xf32, #tpu.memory_space<hbm>>
            %dma_wait3A_264 = arith.constant 0 : i32
            %dma_wait3A_265 = arith.constant 0 : i32
            %dma_wait3A_266 = tpu.memref_slice %arg14[%dma_wait3A_256, %dma_wait3A_264, %dma_wait3A_265] : memref<2x16x128xf32, #tpu.memory_space<vmem>> -> memref<1x16x128xf32, #tpu.memory_space<vmem>>
            %dma_wait3A_267 = tpu.memref_squeeze %dma_wait3A_266 : memref<1x16x128xf32, #tpu.memory_space<vmem>> -> memref<16x128xf32, #tpu.memory_space<vmem>>
            %dma_wait3A_268 = arith.constant 0 : i32
            %dma_wait3A_269 = arith.constant 0 : i32
            %dma_wait3A_270 = tpu.memref_slice %arg5[%dma_wait3A_268, %dma_wait3A_269] : memref<16384x128xf32, #tpu.memory_space<hbm>> -> memref<16x128xf32, #tpu.memory_space<hbm>>
            tpu.wait_dma2 semaphore(%arg17 : memref<!tpu.dma_semaphore, #tpu.memory_space<semaphore_mem>>) src(%dma_wait3A_270 : memref<16x128xf32, #tpu.memory_space<hbm>>) dst(%dma_wait3A_267 : memref<16x128xf32, #tpu.memory_space<vmem>>)
          } else {
          }
          %broadcast_in_dim3A_191 = arith.constant 16 : i32
          %broadcast_in_dim3A_192 = vector.broadcast %broadcast_in_dim3A_191 : i32 to vector<16xi32>
          %lt3A_193 = arith.cmpi slt, %iota3A, %broadcast_in_dim3A_192 : vector<16xi32>
          %get3A_194 = arith.constant 0 : index
          %get3A_195 = tpu.vector_load %arg12[%get3A_194] {strides = array<i32>} : memref<48xi32, #tpu.memory_space<vmem>>, vector<16xi32>,
          %get3A_196 = arith.constant 0 : index
          %get3A_197 = tpu.vector_load %arg13[%get3A_196] {strides = array<i32>} : memref<48xi32, #tpu.memory_space<vmem>>, vector<16xi32>,
          %sub3A_198 = arith.constant 16 : i32
          %sub3A_199 = arith.constant 1 : i32
          %sub3A_200 = arith.subi %sub3A_198, %sub3A_199 : i32
          %get3A_201 = arith.index_cast %sub3A_200 : i32 to index
          %get3A_202 = tpu.vector_load %arg12[%get3A_201] {strides = array<i32>} : memref<48xi32, #tpu.memory_space<vmem>>, vector<16xi32>,
          %slice3A_203 = vector.extract_strided_slice %get3A_202 {offsets = [0], sizes = [1], strides = [1]} : vector<16xi32> to vector<1xi32>
          %squeeze3A_204 = vector.extract %slice3A_203[0] : i32 from vector<1xi32>
          %sub3A_205 = arith.constant 16 : i32
          %sub3A_206 = arith.constant 1 : i32
          %sub3A_207 = arith.subi %sub3A_205, %sub3A_206 : i32
          %get3A_208 = arith.index_cast %sub3A_207 : i32 to index
          %get3A_209 = tpu.vector_load %arg13[%get3A_208] {strides = array<i32>} : memref<48xi32, #tpu.memory_space<vmem>>, vector<16xi32>,
          %slice3A_210 = vector.extract_strided_slice %get3A_209 {offsets = [0], sizes = [1], strides = [1]} : vector<16xi32> to vector<1xi32>
          %squeeze3A_211 = vector.extract %slice3A_210[0] : i32 from vector<1xi32>
          %broadcast_in_dim3A_212 = vector.broadcast %squeeze3A_204 : i32 to vector<16xi32>
          %select_n3A_213 = arith.select %lt3A_193, %get3A_195, %broadcast_in_dim3A_212 : vector<16xi1>, vector<16xi32>
          %broadcast_in_dim3A_214 = vector.broadcast %squeeze3A_211 : i32 to vector<16xi32>
          %select_n3A_215 = arith.select %lt3A_193, %get3A_197, %broadcast_in_dim3A_214 : vector<16xi1>, vector<16xi32>
          %broadcast_in_dim3A_216 = vector.broadcast %and3A_185 : i32 to vector<16xi32>
          tpu.vector_store_idx %arg15[%broadcast_in_dim3A_216, %iota3A], %select_n3A_213 : memref<2x16xi32, #tpu.memory_space<vmem>>[vector<16xi32>, vector<16xi32>], vector<16xi32>,
          %and3A_217 = arith.constant 131071 : i32
          %and3A_218 = vector.broadcast %and3A_217 : i32 to vector<16xi32>
          %and3A_219 = arith.andi %select_n3A_215, %and3A_218 : vector<16xi32>
          %and3A_220 = arith.constant 127 : i32
          %and3A_221 = vector.broadcast %and3A_220 : i32 to vector<16xi32>
          %and3A_222 = arith.andi %and3A_219, %and3A_221 : vector<16xi32>
          %shift_right_logical3A_223 = arith.constant 17 : i32
          %shift_right_logical3A_224 = vector.broadcast %shift_right_logical3A_223 : i32 to vector<16xi32>
          %shift_right_logical3A_225 = arith.shrui %select_n3A_215, %shift_right_logical3A_224 : vector<16xi32>
          %shift_left3A = arith.constant 6 : i32
          %shift_left3A_226 = vector.broadcast %shift_left3A : i32 to vector<16xi32>
          %shift_left3A_227 = arith.shli %shift_right_logical3A_225, %shift_left3A_226 : vector<16xi32>
          %broadcast_in_dim3A_228 = vector.broadcast %and3A_108 : i32 to vector<16xi32>
          %scan3A_229 = arith.constant 0 : i32
          %scan3A_230 = arith.constant 0 : i32
          %scan3A_231 = arith.constant 32 : i32
          %scan3A_232 = arith.addi %scan3A_230, %scan3A_231 : i32
          %scan3A_233 = arith.constant 1 : i32
          scf.for %scan3A_256 = %scan3A_230 to %scan3A_232 step %scan3A_233  : i32 {
            %mul3A_257 = arith.constant 2 : i32
            %mul3A_258 = arith.muli %scan3A_256, %mul3A_257 : i32
            %add3A_259 = arith.constant 0 : i32
            %add3A_260 = arith.addi %mul3A_258, %add3A_259 : i32
            %broadcast_in_dim3A_261 = vector.broadcast %add3A_260 : i32 to vector<16xi32>
            %add3A_262 = arith.addi %shift_left3A_227, %broadcast_in_dim3A_261 : vector<16xi32>
            %gather3A = tpu.vector_load_idx %arg10[%broadcast_in_dim3A_228, %add3A_262, %and3A_222] : memref<2x256x128xf32, #tpu.memory_space<vmem>>[vector<16xi32>, vector<16xi32>, vector<16xi32>], vector<16xf32>,
            tpu.vector_store_idx %arg14[%broadcast_in_dim3A_216, %iota3A, %broadcast_in_dim3A_261], %gather3A : memref<2x16x128xf32, #tpu.memory_space<vmem>>[vector<16xi32>, vector<16xi32>, vector<16xi32>], vector<16xf32>,
            %mul3A_263 = arith.constant 2 : i32
            %mul3A_264 = arith.muli %scan3A_256, %mul3A_263 : i32
            %add3A_265 = arith.constant 1 : i32
            %add3A_266 = arith.addi %mul3A_264, %add3A_265 : i32
            %broadcast_in_dim3A_267 = vector.broadcast %add3A_266 : i32 to vector<16xi32>
            %add3A_268 = arith.addi %shift_left3A_227, %broadcast_in_dim3A_267 : vector<16xi32>
            %gather3A_269 = tpu.vector_load_idx %arg10[%broadcast_in_dim3A_228, %add3A_268, %and3A_222] : memref<2x256x128xf32, #tpu.memory_space<vmem>>[vector<16xi32>, vector<16xi32>, vector<16xi32>], vector<16xf32>,
            tpu.vector_store_idx %arg14[%broadcast_in_dim3A_216, %iota3A, %broadcast_in_dim3A_267], %gather3A_269 : memref<2x16x128xf32, #tpu.memory_space<vmem>>[vector<16xi32>, vector<16xi32>, vector<16xi32>], vector<16xf32>,
          }
          %scan3A_234 = arith.constant 32 : i32
          %eq3A_235 = arith.constant 0 : i32
          %eq3A_236 = arith.cmpi eq, %and3A_185, %eq3A_235 : i32
          %convert_element_type3A_237 = arith.extui %eq3A_236 : i1 to i32
          %cond3A_238 = arith.constant 0 : i32
          %cond3A_239 = arith.cmpi ne, %convert_element_type3A_237, %cond3A_238 : i32
          scf.if %cond3A_239 {
            %dma_start3A_256 = arith.constant 0 : i32
            %dma_start3A_257 = arith.constant 0 : i32
            %dma_start3A_258 = arith.constant 0 : i32
            %dma_start3A_259 = arith.constant 0 : i32
            %dma_start3A_260 = tpu.memref_slice %arg14[%dma_start3A_256, %dma_start3A_258, %dma_start3A_259] : memref<2x16x128xf32, #tpu.memory_space<vmem>> -> memref<1x16x128xf32, #tpu.memory_space<vmem>>
            %dma_start3A_261 = tpu.memref_squeeze %dma_start3A_260 : memref<1x16x128xf32, #tpu.memory_space<vmem>> -> memref<16x128xf32, #tpu.memory_space<vmem>>
            %dma_start3A_262 = arith.constant 0 : i32
            %dma_start3A_263 = tpu.memref_slice %arg15[%dma_start3A_257, %dma_start3A_262] : memref<2x16xi32, #tpu.memory_space<vmem>> -> memref<1x16xi32, #tpu.memory_space<vmem>>
            %dma_start3A_264 = tpu.memref_squeeze %dma_start3A_263 : memref<1x16xi32, #tpu.memory_space<vmem>> -> memref<16xi32, #tpu.memory_space<vmem>>
            %dma_start3A_265 = arith.constant 0 : i32
            %dma_start3A_266 = arith.constant 0 : i32
            %dma_start3A_267 = tpu.memref_slice %arg5[%dma_start3A_265, %dma_start3A_266] : memref<16384x128xf32, #tpu.memory_space<hbm>> -> memref<16384x128xf32, #tpu.memory_space<hbm>>
            tpu.enqueue_indirect_dma source(%dma_start3A_261 : memref<16x128xf32, #tpu.memory_space<vmem>>) target(%dma_start3A_267 : memref<16384x128xf32, #tpu.memory_space<hbm>>) offsets(%dma_start3A_264 : memref<16xi32, #tpu.memory_space<vmem>>) semaphore(%arg17 : memref<!tpu.dma_semaphore, #tpu.memory_space<semaphore_mem>>)
          } else {
          }
          %eq3A_240 = arith.constant 1 : i32
          %eq3A_241 = arith.cmpi eq, %and3A_185, %eq3A_240 : i32
          %convert_element_type3A_242 = arith.extui %eq3A_241 : i1 to i32
          %cond3A_243 = arith.constant 0 : i32
          %cond3A_244 = arith.cmpi ne, %convert_element_type3A_242, %cond3A_243 : i32
          scf.if %cond3A_244 {
            %dma_start3A_256 = arith.constant 1 : i32
            %dma_start3A_257 = arith.constant 1 : i32
            %dma_start3A_258 = arith.constant 0 : i32
            %dma_start3A_259 = arith.constant 0 : i32
            %dma_start3A_260 = tpu.memref_slice %arg14[%dma_start3A_256, %dma_start3A_258, %dma_start3A_259] : memref<2x16x128xf32, #tpu.memory_space<vmem>> -> memref<1x16x128xf32, #tpu.memory_space<vmem>>
            %dma_start3A_261 = tpu.memref_squeeze %dma_start3A_260 : memref<1x16x128xf32, #tpu.memory_space<vmem>> -> memref<16x128xf32, #tpu.memory_space<vmem>>
            %dma_start3A_262 = arith.constant 0 : i32
            %dma_start3A_263 = tpu.memref_slice %arg15[%dma_start3A_257, %dma_start3A_262] : memref<2x16xi32, #tpu.memory_space<vmem>> -> memref<1x16xi32, #tpu.memory_space<vmem>>
            %dma_start3A_264 = tpu.memref_squeeze %dma_start3A_263 : memref<1x16xi32, #tpu.memory_space<vmem>> -> memref<16xi32, #tpu.memory_space<vmem>>
            %dma_start3A_265 = arith.constant 0 : i32
            %dma_start3A_266 = arith.constant 0 : i32
            %dma_start3A_267 = tpu.memref_slice %arg5[%dma_start3A_265, %dma_start3A_266] : memref<16384x128xf32, #tpu.memory_space<hbm>> -> memref<16384x128xf32, #tpu.memory_space<hbm>>
            tpu.enqueue_indirect_dma source(%dma_start3A_261 : memref<16x128xf32, #tpu.memory_space<vmem>>) target(%dma_start3A_267 : memref<16384x128xf32, #tpu.memory_space<hbm>>) offsets(%dma_start3A_264 : memref<16xi32, #tpu.memory_space<vmem>>) semaphore(%arg17 : memref<!tpu.dma_semaphore, #tpu.memory_space<semaphore_mem>>)
          } else {
          }
          %add3A_245 = arith.constant 1 : i32
          %add3A_246 = arith.addi %while3A_148, %add3A_245 : i32
          %get3A_247 = arith.constant 16 : index
          %get3A_248 = tpu.vector_load %arg12[%get3A_247] {strides = array<i32>} : memref<48xi32, #tpu.memory_space<vmem>>, vector<16xi32>,
          %get3A_249 = arith.constant 16 : index
          %get3A_250 = tpu.vector_load %arg13[%get3A_249] {strides = array<i32>} : memref<48xi32, #tpu.memory_space<vmem>>, vector<16xi32>,
          %swap3A = arith.constant 0 : index
          %swap3A_251 = tpu.vector_load %arg12[%swap3A] {strides = array<i32>} : memref<48xi32, #tpu.memory_space<vmem>>, vector<16xi32>,
          tpu.vector_store %arg12[%swap3A], %get3A_248 {strides = array<i32>} : memref<48xi32, #tpu.memory_space<vmem>>, vector<16xi32>,
          %swap3A_252 = arith.constant 0 : index
          %swap3A_253 = tpu.vector_load %arg13[%swap3A_252] {strides = array<i32>} : memref<48xi32, #tpu.memory_space<vmem>>, vector<16xi32>,
          tpu.vector_store %arg13[%swap3A_252], %get3A_250 {strides = array<i32>} : memref<48xi32, #tpu.memory_space<vmem>>, vector<16xi32>,
          %sub3A_254 = arith.constant 16 : i32
          %sub3A_255 = arith.subi %add3A_177, %sub3A_254 : i32
          scf.yield %sub3A_255, %add3A_246 : i32, i32
        } else {
          scf.yield %add3A_177, %while3A_148 : i32, i32
        }
        scf.yield %cond3A_183#0, %cond3A_183#1 : i32, i32
      }
      %while3A_139 = arith.constant 1 : i32
      %while3A_140:2 = scf.for %while3A_146 = %while3A_136 to %while3A_132 step %while3A_139 iter_args(%while3A_147 = %while3A_138#0, %while3A_148 = %while3A_138#1) -> (i32, i32)  : i32 {
        %mul3A_149 = arith.constant 16 : i32
        %mul3A_150 = arith.muli %while3A_146, %mul3A_149 : i32
        %broadcast_in_dim3A = vector.broadcast %mul3A_150 : i32 to vector<16xi32>
        %add3A_151 = arith.addi %broadcast_in_dim3A, %iota3A : vector<16xi32>
        %broadcast_in_dim3A_152 = vector.broadcast %scan3A_19 : i32 to vector<16xi32>
        %lt3A_153 = arith.cmpi slt, %add3A_151, %broadcast_in_dim3A_152 : vector<16xi32>
        %mul3A_154 = arith.constant 16 : i32
        %mul3A_155 = arith.muli %while3A_146, %mul3A_154 : i32
        %get3A = arith.index_cast %mul3A_155 : i32 to index
        %get3A_156 = tpu.vector_load %arg9[%get3A] {strides = array<i32>} : memref<16400xi32, #tpu.memory_space<vmem>>, vector<16xi32>,
        %mul3A_157 = arith.constant 16 : i32
        %mul3A_158 = arith.muli %while3A_146, %mul3A_157 : i32
        %get3A_159 = arith.index_cast %mul3A_158 : i32 to index
        %get3A_160 = tpu.vector_load %arg8[%get3A_159] {strides = array<i32>} : memref<16400xi32, #tpu.memory_space<vmem>>, vector<16xi32>,
        %and3A_161 = arith.constant 131071 : i32
        %and3A_162 = vector.broadcast %and3A_161 : i32 to vector<16xi32>
        %and3A_163 = arith.andi %get3A_156, %and3A_162 : vector<16xi32>
        %shift_right_logical3A = arith.constant 7 : i32
        %shift_right_logical3A_164 = vector.broadcast %shift_right_logical3A : i32 to vector<16xi32>
        %shift_right_logical3A_165 = arith.shrui %and3A_163, %shift_right_logical3A_164 : vector<16xi32>
        %broadcast_in_dim3A_166 = vector.broadcast %add3A_128 : i32 to vector<16xi32>
        %eq3A_167 = arith.cmpi eq, %shift_right_logical3A_165, %broadcast_in_dim3A_166 : vector<16xi32>
        %and3A_168 = arith.andi %lt3A_153, %eq3A_167 : vector<16xi1>
        %convert_element_type3A_169 = arith.extui %and3A_168 : vector<16xi1> to vector<16xi32>
        %broadcast_in_dim3A_170 = arith.constant true
        %broadcast_in_dim3A_171 = vector.broadcast %broadcast_in_dim3A_170 : i1 to vector<16xi1>
        %masked_cumsum3A = tpu.scan <sum>, %convert_element_type3A_169 masked %broadcast_in_dim3A_171 : vector<16xi32>, vector<16xi1> -> vector<16xi32>
        %broadcast_in_dim3A_172 = vector.broadcast %while3A_147 : i32 to vector<16xi32>
        %add3A_173 = arith.addi %broadcast_in_dim3A_172, %masked_cumsum3A : vector<16xi32>
        %sub3A_174 = arith.constant 1 : i32
        %sub3A_175 = vector.broadcast %sub3A_174 : i32 to vector<16xi32>
        %sub3A_176 = arith.subi %add3A_173, %sub3A_175 : vector<16xi32>
        tpu.vector_store_idx %arg12[%sub3A_176], %get3A_160 masked %and3A_168 : memref<48xi32, #tpu.memory_space<vmem>>[vector<16xi32>], vector<16xi32>, vector<16xi1>
        tpu.vector_store_idx %arg13[%sub3A_176], %get3A_156 masked %and3A_168 : memref<48xi32, #tpu.memory_space<vmem>>[vector<16xi32>], vector<16xi32>, vector<16xi1>
        %slice3A = vector.extract_strided_slice %masked_cumsum3A {offsets = [15], sizes = [1], strides = [1]} : vector<16xi32> to vector<1xi32>
        %squeeze3A = vector.extract %slice3A[0] : i32 from vector<1xi32>
        %add3A_177 = arith.addi %while3A_147, %squeeze3A : i32
        %ge3A_178 = arith.constant 16 : i32
        %ge3A_179 = arith.cmpi sge, %add3A_177, %ge3A_178 : i32
        %convert_element_type3A_180 = arith.extui %ge3A_179 : i1 to i32
        %cond3A_181 = arith.constant 0 : i32
        %cond3A_182 = arith.cmpi ne, %convert_element_type3A_180, %cond3A_181 : i32
        %cond3A_183:2 = scf.if %cond3A_182 -> (i32, i32) {
          %and3A_184 = arith.constant 1 : i32
          %and3A_185 = arith.andi %while3A_148, %and3A_184 : i32
          %ge3A_186 = arith.constant 2 : i32
          %ge3A_187 = arith.cmpi sge, %while3A_148, %ge3A_186 : i32
          %convert_element_type3A_188 = arith.extui %ge3A_187 : i1 to i32
          %cond3A_189 = arith.constant 0 : i32
          %cond3A_190 = arith.cmpi ne, %convert_element_type3A_188, %cond3A_189 : i32
          scf.if %cond3A_190 {
            %dma_wait3A_256 = arith.constant 0 : i32
            %dma_wait3A_257 = arith.constant 0 : i32
            %dma_wait3A_258 = arith.constant 0 : i32
            %dma_wait3A_259 = tpu.memref_slice %arg14[%dma_wait3A_256, %dma_wait3A_257, %dma_wait3A_258] : memref<2x16x128xf32, #tpu.memory_space<vmem>> -> memref<1x16x128xf32, #tpu.memory_space<vmem>>
            %dma_wait3A_260 = tpu.memref_squeeze %dma_wait3A_259 : memref<1x16x128xf32, #tpu.memory_space<vmem>> -> memref<16x128xf32, #tpu.memory_space<vmem>>
            %dma_wait3A_261 = arith.constant 0 : i32
            %dma_wait3A_262 = arith.constant 0 : i32
            %dma_wait3A_263 = tpu.memref_slice %arg5[%dma_wait3A_261, %dma_wait3A_262] : memref<16384x128xf32, #tpu.memory_space<hbm>> -> memref<16x128xf32, #tpu.memory_space<hbm>>
            %dma_wait3A_264 = arith.constant 0 : i32
            %dma_wait3A_265 = arith.constant 0 : i32
            %dma_wait3A_266 = tpu.memref_slice %arg14[%dma_wait3A_256, %dma_wait3A_264, %dma_wait3A_265] : memref<2x16x128xf32, #tpu.memory_space<vmem>> -> memref<1x16x128xf32, #tpu.memory_space<vmem>>
            %dma_wait3A_267 = tpu.memref_squeeze %dma_wait3A_266 : memref<1x16x128xf32, #tpu.memory_space<vmem>> -> memref<16x128xf32, #tpu.memory_space<vmem>>
            %dma_wait3A_268 = arith.constant 0 : i32
            %dma_wait3A_269 = arith.constant 0 : i32
            %dma_wait3A_270 = tpu.memref_slice %arg5[%dma_wait3A_268, %dma_wait3A_269] : memref<16384x128xf32, #tpu.memory_space<hbm>> -> memref<16x128xf32, #tpu.memory_space<hbm>>
            tpu.wait_dma2 semaphore(%arg17 : memref<!tpu.dma_semaphore, #tpu.memory_space<semaphore_mem>>) src(%dma_wait3A_270 : memref<16x128xf32, #tpu.memory_space<hbm>>) dst(%dma_wait3A_267 : memref<16x128xf32, #tpu.memory_space<vmem>>)
          } else {
          }
          %broadcast_in_dim3A_191 = arith.constant 16 : i32
          %broadcast_in_dim3A_192 = vector.broadcast %broadcast_in_dim3A_191 : i32 to vector<16xi32>
          %lt3A_193 = arith.cmpi slt, %iota3A, %broadcast_in_dim3A_192 : vector<16xi32>
          %get3A_194 = arith.constant 0 : index
          %get3A_195 = tpu.vector_load %arg12[%get3A_194] {strides = array<i32>} : memref<48xi32, #tpu.memory_space<vmem>>, vector<16xi32>,
          %get3A_196 = arith.constant 0 : index
          %get3A_197 = tpu.vector_load %arg13[%get3A_196] {strides = array<i32>} : memref<48xi32, #tpu.memory_space<vmem>>, vector<16xi32>,
          %sub3A_198 = arith.constant 16 : i32
          %sub3A_199 = arith.constant 1 : i32
          %sub3A_200 = arith.subi %sub3A_198, %sub3A_199 : i32
          %get3A_201 = arith.index_cast %sub3A_200 : i32 to index
          %get3A_202 = tpu.vector_load %arg12[%get3A_201] {strides = array<i32>} : memref<48xi32, #tpu.memory_space<vmem>>, vector<16xi32>,
          %slice3A_203 = vector.extract_strided_slice %get3A_202 {offsets = [0], sizes = [1], strides = [1]} : vector<16xi32> to vector<1xi32>
          %squeeze3A_204 = vector.extract %slice3A_203[0] : i32 from vector<1xi32>
          %sub3A_205 = arith.constant 16 : i32
          %sub3A_206 = arith.constant 1 : i32
          %sub3A_207 = arith.subi %sub3A_205, %sub3A_206 : i32
          %get3A_208 = arith.index_cast %sub3A_207 : i32 to index
          %get3A_209 = tpu.vector_load %arg13[%get3A_208] {strides = array<i32>} : memref<48xi32, #tpu.memory_space<vmem>>, vector<16xi32>,
          %slice3A_210 = vector.extract_strided_slice %get3A_209 {offsets = [0], sizes = [1], strides = [1]} : vector<16xi32> to vector<1xi32>
          %squeeze3A_211 = vector.extract %slice3A_210[0] : i32 from vector<1xi32>
          %broadcast_in_dim3A_212 = vector.broadcast %squeeze3A_204 : i32 to vector<16xi32>
          %select_n3A_213 = arith.select %lt3A_193, %get3A_195, %broadcast_in_dim3A_212 : vector<16xi1>, vector<16xi32>
          %broadcast_in_dim3A_214 = vector.broadcast %squeeze3A_211 : i32 to vector<16xi32>
          %select_n3A_215 = arith.select %lt3A_193, %get3A_197, %broadcast_in_dim3A_214 : vector<16xi1>, vector<16xi32>
          %broadcast_in_dim3A_216 = vector.broadcast %and3A_185 : i32 to vector<16xi32>
          tpu.vector_store_idx %arg15[%broadcast_in_dim3A_216, %iota3A], %select_n3A_213 : memref<2x16xi32, #tpu.memory_space<vmem>>[vector<16xi32>, vector<16xi32>], vector<16xi32>,
          %and3A_217 = arith.constant 131071 : i32
          %and3A_218 = vector.broadcast %and3A_217 : i32 to vector<16xi32>
          %and3A_219 = arith.andi %select_n3A_215, %and3A_218 : vector<16xi32>
          %and3A_220 = arith.constant 127 : i32
          %and3A_221 = vector.broadcast %and3A_220 : i32 to vector<16xi32>
          %and3A_222 = arith.andi %and3A_219, %and3A_221 : vector<16xi32>
          %shift_right_logical3A_223 = arith.constant 17 : i32
          %shift_right_logical3A_224 = vector.broadcast %shift_right_logical3A_223 : i32 to vector<16xi32>
          %shift_right_logical3A_225 = arith.shrui %select_n3A_215, %shift_right_logical3A_224 : vector<16xi32>
          %shift_left3A = arith.constant 6 : i32
          %shift_left3A_226 = vector.broadcast %shift_left3A : i32 to vector<16xi32>
          %shift_left3A_227 = arith.shli %shift_right_logical3A_225, %shift_left3A_226 : vector<16xi32>
          %broadcast_in_dim3A_228 = vector.broadcast %and3A_108 : i32 to vector<16xi32>
          %scan3A_229 = arith.constant 0 : i32
          %scan3A_230 = arith.constant 0 : i32
          %scan3A_231 = arith.constant 32 : i32
          %scan3A_232 = arith.addi %scan3A_230, %scan3A_231 : i32
          %scan3A_233 = arith.constant 1 : i32
          scf.for %scan3A_256 = %scan3A_230 to %scan3A_232 step %scan3A_233  : i32 {
            %mul3A_257 = arith.constant 2 : i32
            %mul3A_258 = arith.muli %scan3A_256, %mul3A_257 : i32
            %add3A_259 = arith.constant 0 : i32
            %add3A_260 = arith.addi %mul3A_258, %add3A_259 : i32
            %broadcast_in_dim3A_261 = vector.broadcast %add3A_260 : i32 to vector<16xi32>
            %add3A_262 = arith.addi %shift_left3A_227, %broadcast_in_dim3A_261 : vector<16xi32>
            %gather3A = tpu.vector_load_idx %arg10[%broadcast_in_dim3A_228, %add3A_262, %and3A_222] : memref<2x256x128xf32, #tpu.memory_space<vmem>>[vector<16xi32>, vector<16xi32>, vector<16xi32>], vector<16xf32>,
            tpu.vector_store_idx %arg14[%broadcast_in_dim3A_216, %iota3A, %broadcast_in_dim3A_261], %gather3A : memref<2x16x128xf32, #tpu.memory_space<vmem>>[vector<16xi32>, vector<16xi32>, vector<16xi32>], vector<16xf32>,
            %mul3A_263 = arith.constant 2 : i32
            %mul3A_264 = arith.muli %scan3A_256, %mul3A_263 : i32
            %add3A_265 = arith.constant 1 : i32
            %add3A_266 = arith.addi %mul3A_264, %add3A_265 : i32
            %broadcast_in_dim3A_267 = vector.broadcast %add3A_266 : i32 to vector<16xi32>
            %add3A_268 = arith.addi %shift_left3A_227, %broadcast_in_dim3A_267 : vector<16xi32>
            %gather3A_269 = tpu.vector_load_idx %arg10[%broadcast_in_dim3A_228, %add3A_268, %and3A_222] : memref<2x256x128xf32, #tpu.memory_space<vmem>>[vector<16xi32>, vector<16xi32>, vector<16xi32>], vector<16xf32>,
            tpu.vector_store_idx %arg14[%broadcast_in_dim3A_216, %iota3A, %broadcast_in_dim3A_267], %gather3A_269 : memref<2x16x128xf32, #tpu.memory_space<vmem>>[vector<16xi32>, vector<16xi32>, vector<16xi32>], vector<16xf32>,
          }
          %scan3A_234 = arith.constant 32 : i32
          %eq3A_235 = arith.constant 0 : i32
          %eq3A_236 = arith.cmpi eq, %and3A_185, %eq3A_235 : i32
          %convert_element_type3A_237 = arith.extui %eq3A_236 : i1 to i32
          %cond3A_238 = arith.constant 0 : i32
          %cond3A_239 = arith.cmpi ne, %convert_element_type3A_237, %cond3A_238 : i32
          scf.if %cond3A_239 {
            %dma_start3A_256 = arith.constant 0 : i32
            %dma_start3A_257 = arith.constant 0 : i32
            %dma_start3A_258 = arith.constant 0 : i32
            %dma_start3A_259 = arith.constant 0 : i32
            %dma_start3A_260 = tpu.memref_slice %arg14[%dma_start3A_256, %dma_start3A_258, %dma_start3A_259] : memref<2x16x128xf32, #tpu.memory_space<vmem>> -> memref<1x16x128xf32, #tpu.memory_space<vmem>>
            %dma_start3A_261 = tpu.memref_squeeze %dma_start3A_260 : memref<1x16x128xf32, #tpu.memory_space<vmem>> -> memref<16x128xf32, #tpu.memory_space<vmem>>
            %dma_start3A_262 = arith.constant 0 : i32
            %dma_start3A_263 = tpu.memref_slice %arg15[%dma_start3A_257, %dma_start3A_262] : memref<2x16xi32, #tpu.memory_space<vmem>> -> memref<1x16xi32, #tpu.memory_space<vmem>>
            %dma_start3A_264 = tpu.memref_squeeze %dma_start3A_263 : memref<1x16xi32, #tpu.memory_space<vmem>> -> memref<16xi32, #tpu.memory_space<vmem>>
            %dma_start3A_265 = arith.constant 0 : i32
            %dma_start3A_266 = arith.constant 0 : i32
            %dma_start3A_267 = tpu.memref_slice %arg5[%dma_start3A_265, %dma_start3A_266] : memref<16384x128xf32, #tpu.memory_space<hbm>> -> memref<16384x128xf32, #tpu.memory_space<hbm>>
            tpu.enqueue_indirect_dma source(%dma_start3A_261 : memref<16x128xf32, #tpu.memory_space<vmem>>) target(%dma_start3A_267 : memref<16384x128xf32, #tpu.memory_space<hbm>>) offsets(%dma_start3A_264 : memref<16xi32, #tpu.memory_space<vmem>>) semaphore(%arg17 : memref<!tpu.dma_semaphore, #tpu.memory_space<semaphore_mem>>)
          } else {
          }
          %eq3A_240 = arith.constant 1 : i32
          %eq3A_241 = arith.cmpi eq, %and3A_185, %eq3A_240 : i32
          %convert_element_type3A_242 = arith.extui %eq3A_241 : i1 to i32
          %cond3A_243 = arith.constant 0 : i32
          %cond3A_244 = arith.cmpi ne, %convert_element_type3A_242, %cond3A_243 : i32
          scf.if %cond3A_244 {
            %dma_start3A_256 = arith.constant 1 : i32
            %dma_start3A_257 = arith.constant 1 : i32
            %dma_start3A_258 = arith.constant 0 : i32
            %dma_start3A_259 = arith.constant 0 : i32
            %dma_start3A_260 = tpu.memref_slice %arg14[%dma_start3A_256, %dma_start3A_258, %dma_start3A_259] : memref<2x16x128xf32, #tpu.memory_space<vmem>> -> memref<1x16x128xf32, #tpu.memory_space<vmem>>
            %dma_start3A_261 = tpu.memref_squeeze %dma_start3A_260 : memref<1x16x128xf32, #tpu.memory_space<vmem>> -> memref<16x128xf32, #tpu.memory_space<vmem>>
            %dma_start3A_262 = arith.constant 0 : i32
            %dma_start3A_263 = tpu.memref_slice %arg15[%dma_start3A_257, %dma_start3A_262] : memref<2x16xi32, #tpu.memory_space<vmem>> -> memref<1x16xi32, #tpu.memory_space<vmem>>
            %dma_start3A_264 = tpu.memref_squeeze %dma_start3A_263 : memref<1x16xi32, #tpu.memory_space<vmem>> -> memref<16xi32, #tpu.memory_space<vmem>>
            %dma_start3A_265 = arith.constant 0 : i32
            %dma_start3A_266 = arith.constant 0 : i32
            %dma_start3A_267 = tpu.memref_slice %arg5[%dma_start3A_265, %dma_start3A_266] : memref<16384x128xf32, #tpu.memory_space<hbm>> -> memref<16384x128xf32, #tpu.memory_space<hbm>>
            tpu.enqueue_indirect_dma source(%dma_start3A_261 : memref<16x128xf32, #tpu.memory_space<vmem>>) target(%dma_start3A_267 : memref<16384x128xf32, #tpu.memory_space<hbm>>) offsets(%dma_start3A_264 : memref<16xi32, #tpu.memory_space<vmem>>) semaphore(%arg17 : memref<!tpu.dma_semaphore, #tpu.memory_space<semaphore_mem>>)
          } else {
          }
          %add3A_245 = arith.constant 1 : i32
          %add3A_246 = arith.addi %while3A_148, %add3A_245 : i32
          %get3A_247 = arith.constant 16 : index
          %get3A_248 = tpu.vector_load %arg12[%get3A_247] {strides = array<i32>} : memref<48xi32, #tpu.memory_space<vmem>>, vector<16xi32>,
          %get3A_249 = arith.constant 16 : index
          %get3A_250 = tpu.vector_load %arg13[%get3A_249] {strides = array<i32>} : memref<48xi32, #tpu.memory_space<vmem>>, vector<16xi32>,
          %swap3A = arith.constant 0 : index
          %swap3A_251 = tpu.vector_load %arg12[%swap3A] {strides = array<i32>} : memref<48xi32, #tpu.memory_space<vmem>>, vector<16xi32>,
          tpu.vector_store %arg12[%swap3A], %get3A_248 {strides = array<i32>} : memref<48xi32, #tpu.memory_space<vmem>>, vector<16xi32>,
          %swap3A_252 = arith.constant 0 : index
          %swap3A_253 = tpu.vector_load %arg13[%swap3A_252] {strides = array<i32>} : memref<48xi32, #tpu.memory_space<vmem>>, vector<16xi32>,
          tpu.vector_store %arg13[%swap3A_252], %get3A_250 {strides = array<i32>} : memref<48xi32, #tpu.memory_space<vmem>>, vector<16xi32>,
          %sub3A_254 = arith.constant 16 : i32
          %sub3A_255 = arith.subi %add3A_177, %sub3A_254 : i32
          scf.yield %sub3A_255, %add3A_246 : i32, i32
        } else {
          scf.yield %add3A_177, %while3A_148 : i32, i32
        }
        scf.yield %cond3A_183#0, %cond3A_183#1 : i32, i32
      }
      %gt3A = arith.constant 0 : i32
      %gt3A_141 = arith.cmpi sgt, %while3A_140#0, %gt3A : i32
      %convert_element_type3A_142 = arith.extui %gt3A_141 : i1 to i32
      %cond3A_143 = arith.constant 0 : i32
      %cond3A_144 = arith.cmpi ne, %convert_element_type3A_142, %cond3A_143 : i32
      %cond3A_145 = scf.if %cond3A_144 -> (i32) {
        %and3A_146 = arith.constant 1 : i32
        %and3A_147 = arith.andi %while3A_140#1, %and3A_146 : i32
        %ge3A_148 = arith.constant 2 : i32
        %ge3A_149 = arith.cmpi sge, %while3A_140#1, %ge3A_148 : i32
        %convert_element_type3A_150 = arith.extui %ge3A_149 : i1 to i32
        %cond3A_151 = arith.constant 0 : i32
        %cond3A_152 = arith.cmpi ne, %convert_element_type3A_150, %cond3A_151 : i32
        scf.if %cond3A_152 {
          %dma_wait3A_201 = arith.constant 0 : i32
          %dma_wait3A_202 = arith.constant 0 : i32
          %dma_wait3A_203 = arith.constant 0 : i32
          %dma_wait3A_204 = tpu.memref_slice %arg14[%dma_wait3A_201, %dma_wait3A_202, %dma_wait3A_203] : memref<2x16x128xf32, #tpu.memory_space<vmem>> -> memref<1x16x128xf32, #tpu.memory_space<vmem>>
          %dma_wait3A_205 = tpu.memref_squeeze %dma_wait3A_204 : memref<1x16x128xf32, #tpu.memory_space<vmem>> -> memref<16x128xf32, #tpu.memory_space<vmem>>
          %dma_wait3A_206 = arith.constant 0 : i32
          %dma_wait3A_207 = arith.constant 0 : i32
          %dma_wait3A_208 = tpu.memref_slice %arg5[%dma_wait3A_206, %dma_wait3A_207] : memref<16384x128xf32, #tpu.memory_space<hbm>> -> memref<16x128xf32, #tpu.memory_space<hbm>>
          %dma_wait3A_209 = arith.constant 0 : i32
          %dma_wait3A_210 = arith.constant 0 : i32
          %dma_wait3A_211 = tpu.memref_slice %arg14[%dma_wait3A_201, %dma_wait3A_209, %dma_wait3A_210] : memref<2x16x128xf32, #tpu.memory_space<vmem>> -> memref<1x16x128xf32, #tpu.memory_space<vmem>>
          %dma_wait3A_212 = tpu.memref_squeeze %dma_wait3A_211 : memref<1x16x128xf32, #tpu.memory_space<vmem>> -> memref<16x128xf32, #tpu.memory_space<vmem>>
          %dma_wait3A_213 = arith.constant 0 : i32
          %dma_wait3A_214 = arith.constant 0 : i32
          %dma_wait3A_215 = tpu.memref_slice %arg5[%dma_wait3A_213, %dma_wait3A_214] : memref<16384x128xf32, #tpu.memory_space<hbm>> -> memref<16x128xf32, #tpu.memory_space<hbm>>
          tpu.wait_dma2 semaphore(%arg17 : memref<!tpu.dma_semaphore, #tpu.memory_space<semaphore_mem>>) src(%dma_wait3A_215 : memref<16x128xf32, #tpu.memory_space<hbm>>) dst(%dma_wait3A_212 : memref<16x128xf32, #tpu.memory_space<vmem>>)
        } else {
        }
        %broadcast_in_dim3A = vector.broadcast %while3A_140#0 : i32 to vector<16xi32>
        %lt3A_153 = arith.cmpi slt, %iota3A, %broadcast_in_dim3A : vector<16xi32>
        %get3A = arith.constant 0 : index
        %get3A_154 = tpu.vector_load %arg12[%get3A] {strides = array<i32>} : memref<48xi32, #tpu.memory_space<vmem>>, vector<16xi32>,
        %get3A_155 = arith.constant 0 : index
        %get3A_156 = tpu.vector_load %arg13[%get3A_155] {strides = array<i32>} : memref<48xi32, #tpu.memory_space<vmem>>, vector<16xi32>,
        %sub3A_157 = arith.constant 1 : i32
        %sub3A_158 = arith.subi %while3A_140#0, %sub3A_157 : i32
        %get3A_159 = arith.index_cast %sub3A_158 : i32 to index
        %get3A_160 = tpu.vector_load %arg12[%get3A_159] {strides = array<i32>} : memref<48xi32, #tpu.memory_space<vmem>>, vector<16xi32>,
        %slice3A = vector.extract_strided_slice %get3A_160 {offsets = [0], sizes = [1], strides = [1]} : vector<16xi32> to vector<1xi32>
        %squeeze3A = vector.extract %slice3A[0] : i32 from vector<1xi32>
        %sub3A_161 = arith.constant 1 : i32
        %sub3A_162 = arith.subi %while3A_140#0, %sub3A_161 : i32
        %get3A_163 = arith.index_cast %sub3A_162 : i32 to index
        %get3A_164 = tpu.vector_load %arg13[%get3A_163] {strides = array<i32>} : memref<48xi32, #tpu.memory_space<vmem>>, vector<16xi32>,
        %slice3A_165 = vector.extract_strided_slice %get3A_164 {offsets = [0], sizes = [1], strides = [1]} : vector<16xi32> to vector<1xi32>
        %squeeze3A_166 = vector.extract %slice3A_165[0] : i32 from vector<1xi32>
        %broadcast_in_dim3A_167 = vector.broadcast %squeeze3A : i32 to vector<16xi32>
        %select_n3A_168 = arith.select %lt3A_153, %get3A_154, %broadcast_in_dim3A_167 : vector<16xi1>, vector<16xi32>
        %broadcast_in_dim3A_169 = vector.broadcast %squeeze3A_166 : i32 to vector<16xi32>
        %select_n3A_170 = arith.select %lt3A_153, %get3A_156, %broadcast_in_dim3A_169 : vector<16xi1>, vector<16xi32>
        %broadcast_in_dim3A_171 = vector.broadcast %and3A_147 : i32 to vector<16xi32>
        tpu.vector_store_idx %arg15[%broadcast_in_dim3A_171, %iota3A], %select_n3A_168 : memref<2x16xi32, #tpu.memory_space<vmem>>[vector<16xi32>, vector<16xi32>], vector<16xi32>,
        %and3A_172 = arith.constant 131071 : i32
        %and3A_173 = vector.broadcast %and3A_172 : i32 to vector<16xi32>
        %and3A_174 = arith.andi %select_n3A_170, %and3A_173 : vector<16xi32>
        %and3A_175 = arith.constant 127 : i32
        %and3A_176 = vector.broadcast %and3A_175 : i32 to vector<16xi32>
        %and3A_177 = arith.andi %and3A_174, %and3A_176 : vector<16xi32>
        %shift_right_logical3A = arith.constant 17 : i32
        %shift_right_logical3A_178 = vector.broadcast %shift_right_logical3A : i32 to vector<16xi32>
        %shift_right_logical3A_179 = arith.shrui %select_n3A_170, %shift_right_logical3A_178 : vector<16xi32>
        %shift_left3A = arith.constant 6 : i32
        %shift_left3A_180 = vector.broadcast %shift_left3A : i32 to vector<16xi32>
        %shift_left3A_181 = arith.shli %shift_right_logical3A_179, %shift_left3A_180 : vector<16xi32>
        %broadcast_in_dim3A_182 = vector.broadcast %and3A_108 : i32 to vector<16xi32>
        %scan3A_183 = arith.constant 0 : i32
        %scan3A_184 = arith.constant 0 : i32
        %scan3A_185 = arith.constant 32 : i32
        %scan3A_186 = arith.addi %scan3A_184, %scan3A_185 : i32
        %scan3A_187 = arith.constant 1 : i32
        scf.for %scan3A_201 = %scan3A_184 to %scan3A_186 step %scan3A_187  : i32 {
          %mul3A_202 = arith.constant 2 : i32
          %mul3A_203 = arith.muli %scan3A_201, %mul3A_202 : i32
          %add3A_204 = arith.constant 0 : i32
          %add3A_205 = arith.addi %mul3A_203, %add3A_204 : i32
          %broadcast_in_dim3A_206 = vector.broadcast %add3A_205 : i32 to vector<16xi32>
          %add3A_207 = arith.addi %shift_left3A_181, %broadcast_in_dim3A_206 : vector<16xi32>
          %gather3A = tpu.vector_load_idx %arg10[%broadcast_in_dim3A_182, %add3A_207, %and3A_177] : memref<2x256x128xf32, #tpu.memory_space<vmem>>[vector<16xi32>, vector<16xi32>, vector<16xi32>], vector<16xf32>,
          tpu.vector_store_idx %arg14[%broadcast_in_dim3A_171, %iota3A, %broadcast_in_dim3A_206], %gather3A : memref<2x16x128xf32, #tpu.memory_space<vmem>>[vector<16xi32>, vector<16xi32>, vector<16xi32>], vector<16xf32>,
          %mul3A_208 = arith.constant 2 : i32
          %mul3A_209 = arith.muli %scan3A_201, %mul3A_208 : i32
          %add3A_210 = arith.constant 1 : i32
          %add3A_211 = arith.addi %mul3A_209, %add3A_210 : i32
          %broadcast_in_dim3A_212 = vector.broadcast %add3A_211 : i32 to vector<16xi32>
          %add3A_213 = arith.addi %shift_left3A_181, %broadcast_in_dim3A_212 : vector<16xi32>
          %gather3A_214 = tpu.vector_load_idx %arg10[%broadcast_in_dim3A_182, %add3A_213, %and3A_177] : memref<2x256x128xf32, #tpu.memory_space<vmem>>[vector<16xi32>, vector<16xi32>, vector<16xi32>], vector<16xf32>,
          tpu.vector_store_idx %arg14[%broadcast_in_dim3A_171, %iota3A, %broadcast_in_dim3A_212], %gather3A_214 : memref<2x16x128xf32, #tpu.memory_space<vmem>>[vector<16xi32>, vector<16xi32>, vector<16xi32>], vector<16xf32>,
        }
        %scan3A_188 = arith.constant 32 : i32
        %eq3A_189 = arith.constant 0 : i32
        %eq3A_190 = arith.cmpi eq, %and3A_147, %eq3A_189 : i32
        %convert_element_type3A_191 = arith.extui %eq3A_190 : i1 to i32
        %cond3A_192 = arith.constant 0 : i32
        %cond3A_193 = arith.cmpi ne, %convert_element_type3A_191, %cond3A_192 : i32
        scf.if %cond3A_193 {
          %dma_start3A_201 = arith.constant 0 : i32
          %dma_start3A_202 = arith.constant 0 : i32
          %dma_start3A_203 = arith.constant 0 : i32
          %dma_start3A_204 = arith.constant 0 : i32
          %dma_start3A_205 = tpu.memref_slice %arg14[%dma_start3A_201, %dma_start3A_203, %dma_start3A_204] : memref<2x16x128xf32, #tpu.memory_space<vmem>> -> memref<1x16x128xf32, #tpu.memory_space<vmem>>
          %dma_start3A_206 = tpu.memref_squeeze %dma_start3A_205 : memref<1x16x128xf32, #tpu.memory_space<vmem>> -> memref<16x128xf32, #tpu.memory_space<vmem>>
          %dma_start3A_207 = arith.constant 0 : i32
          %dma_start3A_208 = tpu.memref_slice %arg15[%dma_start3A_202, %dma_start3A_207] : memref<2x16xi32, #tpu.memory_space<vmem>> -> memref<1x16xi32, #tpu.memory_space<vmem>>
          %dma_start3A_209 = tpu.memref_squeeze %dma_start3A_208 : memref<1x16xi32, #tpu.memory_space<vmem>> -> memref<16xi32, #tpu.memory_space<vmem>>
          %dma_start3A_210 = arith.constant 0 : i32
          %dma_start3A_211 = arith.constant 0 : i32
          %dma_start3A_212 = tpu.memref_slice %arg5[%dma_start3A_210, %dma_start3A_211] : memref<16384x128xf32, #tpu.memory_space<hbm>> -> memref<16384x128xf32, #tpu.memory_space<hbm>>
          tpu.enqueue_indirect_dma source(%dma_start3A_206 : memref<16x128xf32, #tpu.memory_space<vmem>>) target(%dma_start3A_212 : memref<16384x128xf32, #tpu.memory_space<hbm>>) offsets(%dma_start3A_209 : memref<16xi32, #tpu.memory_space<vmem>>) semaphore(%arg17 : memref<!tpu.dma_semaphore, #tpu.memory_space<semaphore_mem>>)
        } else {
        }
        %eq3A_194 = arith.constant 1 : i32
        %eq3A_195 = arith.cmpi eq, %and3A_147, %eq3A_194 : i32
        %convert_element_type3A_196 = arith.extui %eq3A_195 : i1 to i32
        %cond3A_197 = arith.constant 0 : i32
        %cond3A_198 = arith.cmpi ne, %convert_element_type3A_196, %cond3A_197 : i32
        scf.if %cond3A_198 {
          %dma_start3A_201 = arith.constant 1 : i32
          %dma_start3A_202 = arith.constant 1 : i32
          %dma_start3A_203 = arith.constant 0 : i32
          %dma_start3A_204 = arith.constant 0 : i32
          %dma_start3A_205 = tpu.memref_slice %arg14[%dma_start3A_201, %dma_start3A_203, %dma_start3A_204] : memref<2x16x128xf32, #tpu.memory_space<vmem>> -> memref<1x16x128xf32, #tpu.memory_space<vmem>>
          %dma_start3A_206 = tpu.memref_squeeze %dma_start3A_205 : memref<1x16x128xf32, #tpu.memory_space<vmem>> -> memref<16x128xf32, #tpu.memory_space<vmem>>
          %dma_start3A_207 = arith.constant 0 : i32
          %dma_start3A_208 = tpu.memref_slice %arg15[%dma_start3A_202, %dma_start3A_207] : memref<2x16xi32, #tpu.memory_space<vmem>> -> memref<1x16xi32, #tpu.memory_space<vmem>>
          %dma_start3A_209 = tpu.memref_squeeze %dma_start3A_208 : memref<1x16xi32, #tpu.memory_space<vmem>> -> memref<16xi32, #tpu.memory_space<vmem>>
          %dma_start3A_210 = arith.constant 0 : i32
          %dma_start3A_211 = arith.constant 0 : i32
          %dma_start3A_212 = tpu.memref_slice %arg5[%dma_start3A_210, %dma_start3A_211] : memref<16384x128xf32, #tpu.memory_space<hbm>> -> memref<16384x128xf32, #tpu.memory_space<hbm>>
          tpu.enqueue_indirect_dma source(%dma_start3A_206 : memref<16x128xf32, #tpu.memory_space<vmem>>) target(%dma_start3A_212 : memref<16384x128xf32, #tpu.memory_space<hbm>>) offsets(%dma_start3A_209 : memref<16xi32, #tpu.memory_space<vmem>>) semaphore(%arg17 : memref<!tpu.dma_semaphore, #tpu.memory_space<semaphore_mem>>)
        } else {
        }
        %add3A_199 = arith.constant 1 : i32
        %add3A_200 = arith.addi %while3A_140#1, %add3A_199 : i32
        scf.yield %add3A_200 : i32
      } else {
        scf.yield %while3A_140#1 : i32
      }
      scf.yield %cond3A_145 : i32
    }
    %eq3A = arith.constant 13 : i32
    %eq3A_79 = arith.cmpi eq, %add3A, %eq3A : i32
    %convert_element_type3A = arith.extui %eq3A_79 : i1 to i32
    %cond3A = arith.constant 0 : i32
    %cond3A_80 = arith.cmpi ne, %convert_element_type3A, %cond3A : i32
    %cond3A_81 = scf.if %cond3A_80 -> (i32) {
      %scan3A_91 = arith.constant 0 : i32
      %scan3A_92 = arith.constant 0 : i32
      %scan3A_93 = arith.constant 4 : i32
      %scan3A_94 = arith.addi %scan3A_92, %scan3A_93 : i32
      %scan3A_95 = arith.constant 1 : i32
      scf.for %scan3A_117 = %scan3A_92 to %scan3A_94 step %scan3A_95  : i32 {
        %mul3A_118 = arith.constant 64 : i32
        %mul3A_119 = arith.muli %scan3A_117, %mul3A_118 : i32
        "tpu.region"() ({
          %run_scoped3A = tpu.sem_alloc : memref<!tpu.dma_semaphore, #tpu.memory_space<semaphore_mem>>
          %dma_start3A_126 = arith.constant 99968 : i32
          %dma_start3A_127 = tpu.memref_slice %arg4[%mul3A_119, %dma_start3A_126] : memref<256x100000xf32, #tpu.memory_space<hbm>> -> memref<64x32xf32, #tpu.memory_space<hbm>>
          %dma_start3A_128 = arith.constant 99968 : i32
          %dma_start3A_129 = tpu.memref_slice %arg4[%mul3A_119, %dma_start3A_128] : memref<256x100000xf32, #tpu.memory_space<hbm>> -> memref<64x32xf32, #tpu.memory_space<hbm>>
          tpu.enqueue_dma source(%dma_start3A_129 : memref<64x32xf32, #tpu.memory_space<hbm>>) target(%arg11 : memref<64x32xf32, #tpu.memory_space<vmem>>) target_semaphore(%run_scoped3A : memref<!tpu.dma_semaphore, #tpu.memory_space<semaphore_mem>>)
          %dma_wait3A = arith.constant 99968 : i32
          %dma_wait3A_130 = tpu.memref_slice %arg4[%mul3A_119, %dma_wait3A] : memref<256x100000xf32, #tpu.memory_space<hbm>> -> memref<64x32xf32, #tpu.memory_space<hbm>>
          %dma_wait3A_131 = arith.constant 99968 : i32
          %dma_wait3A_132 = tpu.memref_slice %arg4[%mul3A_119, %dma_wait3A_131] : memref<256x100000xf32, #tpu.memory_space<hbm>> -> memref<64x32xf32, #tpu.memory_space<hbm>>
          tpu.wait_dma2 semaphore(%run_scoped3A : memref<!tpu.dma_semaphore, #tpu.memory_space<semaphore_mem>>) src(%dma_wait3A_132 : memref<64x32xf32, #tpu.memory_space<hbm>>) dst(%arg11 : memref<64x32xf32, #tpu.memory_space<vmem>>)
          tpu.yield
        }) : () -> ()
        %scan3A_120 = arith.constant 0 : i32
        %scan3A_121 = arith.constant 0 : i32
        %scan3A_122 = arith.constant 64 : i32
        %scan3A_123 = arith.addi %scan3A_121, %scan3A_122 : i32
        %scan3A_124 = arith.constant 1 : i32
        scf.for %scan3A_126 = %scan3A_121 to %scan3A_123 step %scan3A_124  : i32 {
          %get3A = arith.index_cast %scan3A_126 : i32 to index
          %get3A_127 = arith.constant 0 : index
          %get3A_128 = tpu.vector_load %arg11[%get3A, %get3A_127] {strides = array<i32>} : memref<64x32xf32, #tpu.memory_space<vmem>>, vector<16xf32>,
          %add3A_129 = arith.addi %mul3A_119, %scan3A_126 : i32
          %swap3A = arith.constant 0 : i32
          %swap3A_130 = arith.index_cast %swap3A : i32 to index
          %swap3A_131 = arith.index_cast %add3A_129 : i32 to index
          %swap3A_132 = arith.constant 0 : index
          %swap3A_133 = tpu.vector_load %arg10[%swap3A_130, %swap3A_131, %swap3A_132] {strides = array<i32>} : memref<2x256x128xf32, #tpu.memory_space<vmem>>, vector<16xf32>,
          tpu.vector_store %arg10[%swap3A_130, %swap3A_131, %swap3A_132], %get3A_128 {strides = array<i32>} : memref<2x256x128xf32, #tpu.memory_space<vmem>>, vector<16xf32>,
          %get3A_134 = arith.index_cast %scan3A_126 : i32 to index
          %get3A_135 = arith.constant 16 : index
          %get3A_136 = tpu.vector_load %arg11[%get3A_134, %get3A_135] {strides = array<i32>} : memref<64x32xf32, #tpu.memory_space<vmem>>, vector<16xf32>,
          %add3A_137 = arith.addi %mul3A_119, %scan3A_126 : i32
          %swap3A_138 = arith.constant 0 : i32
          %swap3A_139 = arith.index_cast %swap3A_138 : i32 to index
          %swap3A_140 = arith.index_cast %add3A_137 : i32 to index
          %swap3A_141 = arith.constant 16 : index
          %swap3A_142 = tpu.vector_load %arg10[%swap3A_139, %swap3A_140, %swap3A_141] {strides = array<i32>} : memref<2x256x128xf32, #tpu.memory_space<vmem>>, vector<16xf32>,
          tpu.vector_store %arg10[%swap3A_139, %swap3A_140, %swap3A_141], %get3A_136 {strides = array<i32>} : memref<2x256x128xf32, #tpu.memory_space<vmem>>, vector<16xf32>,
        }
        %scan3A_125 = arith.constant 64 : i32
      }
      %scan3A_96 = arith.constant 4 : i32
      %while3A_97 = arith.constant 781 : i32
      %while3A_98 = arith.constant 0 : i32
      %while3A_99 = arith.constant 0 : i32
      %while3A_100 = arith.constant 0 : i32
      %while3A_101 = arith.subi %select_n3A, %while3A_99 : i32
      %while3A_102 = arith.addi %while3A_99, %while3A_101 : i32
      %while3A_103 = arith.constant 1 : i32
      %while3A_104 = arith.divsi %while3A_101, %while3A_103 : i32
      %while3A_105 = arith.muli %while3A_104, %while3A_103 : i32
      %while3A_106 = arith.addi %while3A_99, %while3A_105 : i32
      %while3A_107 = arith.constant 1 : i32
      %while3A_108:2 = scf.for %while3A_117 = %while3A_99 to %while3A_106 step %while3A_107 iter_args(%while3A_118 = %while3A_100, %while3A_119 = %while3A_78) -> (i32, i32)  : i32 {
        %mul3A_120 = arith.constant 16 : i32
        %mul3A_121 = arith.muli %while3A_117, %mul3A_120 : i32
        %broadcast_in_dim3A = vector.broadcast %mul3A_121 : i32 to vector<16xi32>
        %add3A_122 = arith.addi %broadcast_in_dim3A, %iota3A : vector<16xi32>
        %broadcast_in_dim3A_123 = vector.broadcast %scan3A_19 : i32 to vector<16xi32>
        %lt3A = arith.cmpi slt, %add3A_122, %broadcast_in_dim3A_123 : vector<16xi32>
        %mul3A_124 = arith.constant 16 : i32
        %mul3A_125 = arith.muli %while3A_117, %mul3A_124 : i32
        %get3A = arith.index_cast %mul3A_125 : i32 to index
        %get3A_126 = tpu.vector_load %arg9[%get3A] {strides = array<i32>} : memref<16400xi32, #tpu.memory_space<vmem>>, vector<16xi32>,
        %mul3A_127 = arith.constant 16 : i32
        %mul3A_128 = arith.muli %while3A_117, %mul3A_127 : i32
        %get3A_129 = arith.index_cast %mul3A_128 : i32 to index
        %get3A_130 = tpu.vector_load %arg8[%get3A_129] {strides = array<i32>} : memref<16400xi32, #tpu.memory_space<vmem>>, vector<16xi32>,
        %and3A_131 = arith.constant 131071 : i32
        %and3A_132 = vector.broadcast %and3A_131 : i32 to vector<16xi32>
        %and3A_133 = arith.andi %get3A_126, %and3A_132 : vector<16xi32>
        %shift_right_logical3A = arith.constant 7 : i32
        %shift_right_logical3A_134 = vector.broadcast %shift_right_logical3A : i32 to vector<16xi32>
        %shift_right_logical3A_135 = arith.shrui %and3A_133, %shift_right_logical3A_134 : vector<16xi32>
        %broadcast_in_dim3A_136 = vector.broadcast %while3A_97 : i32 to vector<16xi32>
        %eq3A_137 = arith.cmpi eq, %shift_right_logical3A_135, %broadcast_in_dim3A_136 : vector<16xi32>
        %and3A_138 = arith.andi %lt3A, %eq3A_137 : vector<16xi1>
        %convert_element_type3A_139 = arith.extui %and3A_138 : vector<16xi1> to vector<16xi32>
        %broadcast_in_dim3A_140 = arith.constant true
        %broadcast_in_dim3A_141 = vector.broadcast %broadcast_in_dim3A_140 : i1 to vector<16xi1>
        %masked_cumsum3A = tpu.scan <sum>, %convert_element_type3A_139 masked %broadcast_in_dim3A_141 : vector<16xi32>, vector<16xi1> -> vector<16xi32>
        %broadcast_in_dim3A_142 = vector.broadcast %while3A_118 : i32 to vector<16xi32>
        %add3A_143 = arith.addi %broadcast_in_dim3A_142, %masked_cumsum3A : vector<16xi32>
        %sub3A_144 = arith.constant 1 : i32
        %sub3A_145 = vector.broadcast %sub3A_144 : i32 to vector<16xi32>
        %sub3A_146 = arith.subi %add3A_143, %sub3A_145 : vector<16xi32>
        tpu.vector_store_idx %arg12[%sub3A_146], %get3A_130 masked %and3A_138 : memref<48xi32, #tpu.memory_space<vmem>>[vector<16xi32>], vector<16xi32>, vector<16xi1>
        tpu.vector_store_idx %arg13[%sub3A_146], %get3A_126 masked %and3A_138 : memref<48xi32, #tpu.memory_space<vmem>>[vector<16xi32>], vector<16xi32>, vector<16xi1>
        %slice3A = vector.extract_strided_slice %masked_cumsum3A {offsets = [15], sizes = [1], strides = [1]} : vector<16xi32> to vector<1xi32>
        %squeeze3A = vector.extract %slice3A[0] : i32 from vector<1xi32>
        %add3A_147 = arith.addi %while3A_118, %squeeze3A : i32
        %ge3A_148 = arith.constant 16 : i32
        %ge3A_149 = arith.cmpi sge, %add3A_147, %ge3A_148 : i32
        %convert_element_type3A_150 = arith.extui %ge3A_149 : i1 to i32
        %cond3A_151 = arith.constant 0 : i32
        %cond3A_152 = arith.cmpi ne, %convert_element_type3A_150, %cond3A_151 : i32
        %cond3A_153:2 = scf.if %cond3A_152 -> (i32, i32) {
          %and3A_154 = arith.constant 1 : i32
          %and3A_155 = arith.andi %while3A_119, %and3A_154 : i32
          %ge3A_156 = arith.constant 2 : i32
          %ge3A_157 = arith.cmpi sge, %while3A_119, %ge3A_156 : i32
          %convert_element_type3A_158 = arith.extui %ge3A_157 : i1 to i32
          %cond3A_159 = arith.constant 0 : i32
          %cond3A_160 = arith.cmpi ne, %convert_element_type3A_158, %cond3A_159 : i32
          scf.if %cond3A_160 {
            %dma_wait3A = arith.constant 0 : i32
            %dma_wait3A_226 = arith.constant 0 : i32
            %dma_wait3A_227 = arith.constant 0 : i32
            %dma_wait3A_228 = tpu.memref_slice %arg14[%dma_wait3A, %dma_wait3A_226, %dma_wait3A_227] : memref<2x16x128xf32, #tpu.memory_space<vmem>> -> memref<1x16x128xf32, #tpu.memory_space<vmem>>
            %dma_wait3A_229 = tpu.memref_squeeze %dma_wait3A_228 : memref<1x16x128xf32, #tpu.memory_space<vmem>> -> memref<16x128xf32, #tpu.memory_space<vmem>>
            %dma_wait3A_230 = arith.constant 0 : i32
            %dma_wait3A_231 = arith.constant 0 : i32
            %dma_wait3A_232 = tpu.memref_slice %arg5[%dma_wait3A_230, %dma_wait3A_231] : memref<16384x128xf32, #tpu.memory_space<hbm>> -> memref<16x128xf32, #tpu.memory_space<hbm>>
            %dma_wait3A_233 = arith.constant 0 : i32
            %dma_wait3A_234 = arith.constant 0 : i32
            %dma_wait3A_235 = tpu.memref_slice %arg14[%dma_wait3A, %dma_wait3A_233, %dma_wait3A_234] : memref<2x16x128xf32, #tpu.memory_space<vmem>> -> memref<1x16x128xf32, #tpu.memory_space<vmem>>
            %dma_wait3A_236 = tpu.memref_squeeze %dma_wait3A_235 : memref<1x16x128xf32, #tpu.memory_space<vmem>> -> memref<16x128xf32, #tpu.memory_space<vmem>>
            %dma_wait3A_237 = arith.constant 0 : i32
            %dma_wait3A_238 = arith.constant 0 : i32
            %dma_wait3A_239 = tpu.memref_slice %arg5[%dma_wait3A_237, %dma_wait3A_238] : memref<16384x128xf32, #tpu.memory_space<hbm>> -> memref<16x128xf32, #tpu.memory_space<hbm>>
            tpu.wait_dma2 semaphore(%arg17 : memref<!tpu.dma_semaphore, #tpu.memory_space<semaphore_mem>>) src(%dma_wait3A_239 : memref<16x128xf32, #tpu.memory_space<hbm>>) dst(%dma_wait3A_236 : memref<16x128xf32, #tpu.memory_space<vmem>>)
          } else {
          }
          %broadcast_in_dim3A_161 = arith.constant 16 : i32
          %broadcast_in_dim3A_162 = vector.broadcast %broadcast_in_dim3A_161 : i32 to vector<16xi32>
          %lt3A_163 = arith.cmpi slt, %iota3A, %broadcast_in_dim3A_162 : vector<16xi32>
          %get3A_164 = arith.constant 0 : index
          %get3A_165 = tpu.vector_load %arg12[%get3A_164] {strides = array<i32>} : memref<48xi32, #tpu.memory_space<vmem>>, vector<16xi32>,
          %get3A_166 = arith.constant 0 : index
          %get3A_167 = tpu.vector_load %arg13[%get3A_166] {strides = array<i32>} : memref<48xi32, #tpu.memory_space<vmem>>, vector<16xi32>,
          %sub3A_168 = arith.constant 16 : i32
          %sub3A_169 = arith.constant 1 : i32
          %sub3A_170 = arith.subi %sub3A_168, %sub3A_169 : i32
          %get3A_171 = arith.index_cast %sub3A_170 : i32 to index
          %get3A_172 = tpu.vector_load %arg12[%get3A_171] {strides = array<i32>} : memref<48xi32, #tpu.memory_space<vmem>>, vector<16xi32>,
          %slice3A_173 = vector.extract_strided_slice %get3A_172 {offsets = [0], sizes = [1], strides = [1]} : vector<16xi32> to vector<1xi32>
          %squeeze3A_174 = vector.extract %slice3A_173[0] : i32 from vector<1xi32>
          %sub3A_175 = arith.constant 16 : i32
          %sub3A_176 = arith.constant 1 : i32
          %sub3A_177 = arith.subi %sub3A_175, %sub3A_176 : i32
          %get3A_178 = arith.index_cast %sub3A_177 : i32 to index
          %get3A_179 = tpu.vector_load %arg13[%get3A_178] {strides = array<i32>} : memref<48xi32, #tpu.memory_space<vmem>>, vector<16xi32>,
          %slice3A_180 = vector.extract_strided_slice %get3A_179 {offsets = [0], sizes = [1], strides = [1]} : vector<16xi32> to vector<1xi32>
          %squeeze3A_181 = vector.extract %slice3A_180[0] : i32 from vector<1xi32>
          %broadcast_in_dim3A_182 = vector.broadcast %squeeze3A_174 : i32 to vector<16xi32>
          %select_n3A_183 = arith.select %lt3A_163, %get3A_165, %broadcast_in_dim3A_182 : vector<16xi1>, vector<16xi32>
          %broadcast_in_dim3A_184 = vector.broadcast %squeeze3A_181 : i32 to vector<16xi32>
          %select_n3A_185 = arith.select %lt3A_163, %get3A_167, %broadcast_in_dim3A_184 : vector<16xi1>, vector<16xi32>
          %broadcast_in_dim3A_186 = vector.broadcast %and3A_155 : i32 to vector<16xi32>
          tpu.vector_store_idx %arg15[%broadcast_in_dim3A_186, %iota3A], %select_n3A_183 : memref<2x16xi32, #tpu.memory_space<vmem>>[vector<16xi32>, vector<16xi32>], vector<16xi32>,
          %and3A_187 = arith.constant 131071 : i32
          %and3A_188 = vector.broadcast %and3A_187 : i32 to vector<16xi32>
          %and3A_189 = arith.andi %select_n3A_185, %and3A_188 : vector<16xi32>
          %and3A_190 = arith.constant 127 : i32
          %and3A_191 = vector.broadcast %and3A_190 : i32 to vector<16xi32>
          %and3A_192 = arith.andi %and3A_189, %and3A_191 : vector<16xi32>
          %shift_right_logical3A_193 = arith.constant 17 : i32
          %shift_right_logical3A_194 = vector.broadcast %shift_right_logical3A_193 : i32 to vector<16xi32>
          %shift_right_logical3A_195 = arith.shrui %select_n3A_185, %shift_right_logical3A_194 : vector<16xi32>
          %shift_left3A = arith.constant 6 : i32
          %shift_left3A_196 = vector.broadcast %shift_left3A : i32 to vector<16xi32>
          %shift_left3A_197 = arith.shli %shift_right_logical3A_195, %shift_left3A_196 : vector<16xi32>
          %broadcast_in_dim3A_198 = vector.broadcast %while3A_98 : i32 to vector<16xi32>
          %scan3A_199 = arith.constant 0 : i32
          %scan3A_200 = arith.constant 0 : i32
          %scan3A_201 = arith.constant 32 : i32
          %scan3A_202 = arith.addi %scan3A_200, %scan3A_201 : i32
          %scan3A_203 = arith.constant 1 : i32
          scf.for %scan3A_226 = %scan3A_200 to %scan3A_202 step %scan3A_203  : i32 {
            %mul3A_227 = arith.constant 2 : i32
            %mul3A_228 = arith.muli %scan3A_226, %mul3A_227 : i32
            %add3A_229 = arith.constant 0 : i32
            %add3A_230 = arith.addi %mul3A_228, %add3A_229 : i32
            %broadcast_in_dim3A_231 = vector.broadcast %add3A_230 : i32 to vector<16xi32>
            %add3A_232 = arith.addi %shift_left3A_197, %broadcast_in_dim3A_231 : vector<16xi32>
            %gather3A = tpu.vector_load_idx %arg10[%broadcast_in_dim3A_198, %add3A_232, %and3A_192] : memref<2x256x128xf32, #tpu.memory_space<vmem>>[vector<16xi32>, vector<16xi32>, vector<16xi32>], vector<16xf32>,
            tpu.vector_store_idx %arg14[%broadcast_in_dim3A_186, %iota3A, %broadcast_in_dim3A_231], %gather3A : memref<2x16x128xf32, #tpu.memory_space<vmem>>[vector<16xi32>, vector<16xi32>, vector<16xi32>], vector<16xf32>,
            %mul3A_233 = arith.constant 2 : i32
            %mul3A_234 = arith.muli %scan3A_226, %mul3A_233 : i32
            %add3A_235 = arith.constant 1 : i32
            %add3A_236 = arith.addi %mul3A_234, %add3A_235 : i32
            %broadcast_in_dim3A_237 = vector.broadcast %add3A_236 : i32 to vector<16xi32>
            %add3A_238 = arith.addi %shift_left3A_197, %broadcast_in_dim3A_237 : vector<16xi32>
            %gather3A_239 = tpu.vector_load_idx %arg10[%broadcast_in_dim3A_198, %add3A_238, %and3A_192] : memref<2x256x128xf32, #tpu.memory_space<vmem>>[vector<16xi32>, vector<16xi32>, vector<16xi32>], vector<16xf32>,
            tpu.vector_store_idx %arg14[%broadcast_in_dim3A_186, %iota3A, %broadcast_in_dim3A_237], %gather3A_239 : memref<2x16x128xf32, #tpu.memory_space<vmem>>[vector<16xi32>, vector<16xi32>, vector<16xi32>], vector<16xf32>,
          }
          %scan3A_204 = arith.constant 32 : i32
          %eq3A_205 = arith.constant 0 : i32
          %eq3A_206 = arith.cmpi eq, %and3A_155, %eq3A_205 : i32
          %convert_element_type3A_207 = arith.extui %eq3A_206 : i1 to i32
          %cond3A_208 = arith.constant 0 : i32
          %cond3A_209 = arith.cmpi ne, %convert_element_type3A_207, %cond3A_208 : i32
          scf.if %cond3A_209 {
            %dma_start3A_226 = arith.constant 0 : i32
            %dma_start3A_227 = arith.constant 0 : i32
            %dma_start3A_228 = arith.constant 0 : i32
            %dma_start3A_229 = arith.constant 0 : i32
            %dma_start3A_230 = tpu.memref_slice %arg14[%dma_start3A_226, %dma_start3A_228, %dma_start3A_229] : memref<2x16x128xf32, #tpu.memory_space<vmem>> -> memref<1x16x128xf32, #tpu.memory_space<vmem>>
            %dma_start3A_231 = tpu.memref_squeeze %dma_start3A_230 : memref<1x16x128xf32, #tpu.memory_space<vmem>> -> memref<16x128xf32, #tpu.memory_space<vmem>>
            %dma_start3A_232 = arith.constant 0 : i32
            %dma_start3A_233 = tpu.memref_slice %arg15[%dma_start3A_227, %dma_start3A_232] : memref<2x16xi32, #tpu.memory_space<vmem>> -> memref<1x16xi32, #tpu.memory_space<vmem>>
            %dma_start3A_234 = tpu.memref_squeeze %dma_start3A_233 : memref<1x16xi32, #tpu.memory_space<vmem>> -> memref<16xi32, #tpu.memory_space<vmem>>
            %dma_start3A_235 = arith.constant 0 : i32
            %dma_start3A_236 = arith.constant 0 : i32
            %dma_start3A_237 = tpu.memref_slice %arg5[%dma_start3A_235, %dma_start3A_236] : memref<16384x128xf32, #tpu.memory_space<hbm>> -> memref<16384x128xf32, #tpu.memory_space<hbm>>
            tpu.enqueue_indirect_dma source(%dma_start3A_231 : memref<16x128xf32, #tpu.memory_space<vmem>>) target(%dma_start3A_237 : memref<16384x128xf32, #tpu.memory_space<hbm>>) offsets(%dma_start3A_234 : memref<16xi32, #tpu.memory_space<vmem>>) semaphore(%arg17 : memref<!tpu.dma_semaphore, #tpu.memory_space<semaphore_mem>>)
          } else {
          }
          %eq3A_210 = arith.constant 1 : i32
          %eq3A_211 = arith.cmpi eq, %and3A_155, %eq3A_210 : i32
          %convert_element_type3A_212 = arith.extui %eq3A_211 : i1 to i32
          %cond3A_213 = arith.constant 0 : i32
          %cond3A_214 = arith.cmpi ne, %convert_element_type3A_212, %cond3A_213 : i32
          scf.if %cond3A_214 {
            %dma_start3A_226 = arith.constant 1 : i32
            %dma_start3A_227 = arith.constant 1 : i32
            %dma_start3A_228 = arith.constant 0 : i32
            %dma_start3A_229 = arith.constant 0 : i32
            %dma_start3A_230 = tpu.memref_slice %arg14[%dma_start3A_226, %dma_start3A_228, %dma_start3A_229] : memref<2x16x128xf32, #tpu.memory_space<vmem>> -> memref<1x16x128xf32, #tpu.memory_space<vmem>>
            %dma_start3A_231 = tpu.memref_squeeze %dma_start3A_230 : memref<1x16x128xf32, #tpu.memory_space<vmem>> -> memref<16x128xf32, #tpu.memory_space<vmem>>
            %dma_start3A_232 = arith.constant 0 : i32
            %dma_start3A_233 = tpu.memref_slice %arg15[%dma_start3A_227, %dma_start3A_232] : memref<2x16xi32, #tpu.memory_space<vmem>> -> memref<1x16xi32, #tpu.memory_space<vmem>>
            %dma_start3A_234 = tpu.memref_squeeze %dma_start3A_233 : memref<1x16xi32, #tpu.memory_space<vmem>> -> memref<16xi32, #tpu.memory_space<vmem>>
            %dma_start3A_235 = arith.constant 0 : i32
            %dma_start3A_236 = arith.constant 0 : i32
            %dma_start3A_237 = tpu.memref_slice %arg5[%dma_start3A_235, %dma_start3A_236] : memref<16384x128xf32, #tpu.memory_space<hbm>> -> memref<16384x128xf32, #tpu.memory_space<hbm>>
            tpu.enqueue_indirect_dma source(%dma_start3A_231 : memref<16x128xf32, #tpu.memory_space<vmem>>) target(%dma_start3A_237 : memref<16384x128xf32, #tpu.memory_space<hbm>>) offsets(%dma_start3A_234 : memref<16xi32, #tpu.memory_space<vmem>>) semaphore(%arg17 : memref<!tpu.dma_semaphore, #tpu.memory_space<semaphore_mem>>)
          } else {
          }
          %add3A_215 = arith.constant 1 : i32
          %add3A_216 = arith.addi %while3A_119, %add3A_215 : i32
          %get3A_217 = arith.constant 16 : index
          %get3A_218 = tpu.vector_load %arg12[%get3A_217] {strides = array<i32>} : memref<48xi32, #tpu.memory_space<vmem>>, vector<16xi32>,
          %get3A_219 = arith.constant 16 : index
          %get3A_220 = tpu.vector_load %arg13[%get3A_219] {strides = array<i32>} : memref<48xi32, #tpu.memory_space<vmem>>, vector<16xi32>,
          %swap3A = arith.constant 0 : index
          %swap3A_221 = tpu.vector_load %arg12[%swap3A] {strides = array<i32>} : memref<48xi32, #tpu.memory_space<vmem>>, vector<16xi32>,
          tpu.vector_store %arg12[%swap3A], %get3A_218 {strides = array<i32>} : memref<48xi32, #tpu.memory_space<vmem>>, vector<16xi32>,
          %swap3A_222 = arith.constant 0 : index
          %swap3A_223 = tpu.vector_load %arg13[%swap3A_222] {strides = array<i32>} : memref<48xi32, #tpu.memory_space<vmem>>, vector<16xi32>,
          tpu.vector_store %arg13[%swap3A_222], %get3A_220 {strides = array<i32>} : memref<48xi32, #tpu.memory_space<vmem>>, vector<16xi32>,
          %sub3A_224 = arith.constant 16 : i32
          %sub3A_225 = arith.subi %add3A_147, %sub3A_224 : i32
          scf.yield %sub3A_225, %add3A_216 : i32, i32
        } else {
          scf.yield %add3A_147, %while3A_119 : i32, i32
        }
        scf.yield %cond3A_153#0, %cond3A_153#1 : i32, i32
      }
      %while3A_109 = arith.constant 1 : i32
      %while3A_110:2 = scf.for %while3A_117 = %while3A_106 to %while3A_102 step %while3A_109 iter_args(%while3A_118 = %while3A_108#0, %while3A_119 = %while3A_108#1) -> (i32, i32)  : i32 {
        %mul3A_120 = arith.constant 16 : i32
        %mul3A_121 = arith.muli %while3A_117, %mul3A_120 : i32
        %broadcast_in_dim3A = vector.broadcast %mul3A_121 : i32 to vector<16xi32>
        %add3A_122 = arith.addi %broadcast_in_dim3A, %iota3A : vector<16xi32>
        %broadcast_in_dim3A_123 = vector.broadcast %scan3A_19 : i32 to vector<16xi32>
        %lt3A = arith.cmpi slt, %add3A_122, %broadcast_in_dim3A_123 : vector<16xi32>
        %mul3A_124 = arith.constant 16 : i32
        %mul3A_125 = arith.muli %while3A_117, %mul3A_124 : i32
        %get3A = arith.index_cast %mul3A_125 : i32 to index
        %get3A_126 = tpu.vector_load %arg9[%get3A] {strides = array<i32>} : memref<16400xi32, #tpu.memory_space<vmem>>, vector<16xi32>,
        %mul3A_127 = arith.constant 16 : i32
        %mul3A_128 = arith.muli %while3A_117, %mul3A_127 : i32
        %get3A_129 = arith.index_cast %mul3A_128 : i32 to index
        %get3A_130 = tpu.vector_load %arg8[%get3A_129] {strides = array<i32>} : memref<16400xi32, #tpu.memory_space<vmem>>, vector<16xi32>,
        %and3A_131 = arith.constant 131071 : i32
        %and3A_132 = vector.broadcast %and3A_131 : i32 to vector<16xi32>
        %and3A_133 = arith.andi %get3A_126, %and3A_132 : vector<16xi32>
        %shift_right_logical3A = arith.constant 7 : i32
        %shift_right_logical3A_134 = vector.broadcast %shift_right_logical3A : i32 to vector<16xi32>
        %shift_right_logical3A_135 = arith.shrui %and3A_133, %shift_right_logical3A_134 : vector<16xi32>
        %broadcast_in_dim3A_136 = vector.broadcast %while3A_97 : i32 to vector<16xi32>
        %eq3A_137 = arith.cmpi eq, %shift_right_logical3A_135, %broadcast_in_dim3A_136 : vector<16xi32>
        %and3A_138 = arith.andi %lt3A, %eq3A_137 : vector<16xi1>
        %convert_element_type3A_139 = arith.extui %and3A_138 : vector<16xi1> to vector<16xi32>
        %broadcast_in_dim3A_140 = arith.constant true
        %broadcast_in_dim3A_141 = vector.broadcast %broadcast_in_dim3A_140 : i1 to vector<16xi1>
        %masked_cumsum3A = tpu.scan <sum>, %convert_element_type3A_139 masked %broadcast_in_dim3A_141 : vector<16xi32>, vector<16xi1> -> vector<16xi32>
        %broadcast_in_dim3A_142 = vector.broadcast %while3A_118 : i32 to vector<16xi32>
        %add3A_143 = arith.addi %broadcast_in_dim3A_142, %masked_cumsum3A : vector<16xi32>
        %sub3A_144 = arith.constant 1 : i32
        %sub3A_145 = vector.broadcast %sub3A_144 : i32 to vector<16xi32>
        %sub3A_146 = arith.subi %add3A_143, %sub3A_145 : vector<16xi32>
        tpu.vector_store_idx %arg12[%sub3A_146], %get3A_130 masked %and3A_138 : memref<48xi32, #tpu.memory_space<vmem>>[vector<16xi32>], vector<16xi32>, vector<16xi1>
        tpu.vector_store_idx %arg13[%sub3A_146], %get3A_126 masked %and3A_138 : memref<48xi32, #tpu.memory_space<vmem>>[vector<16xi32>], vector<16xi32>, vector<16xi1>
        %slice3A = vector.extract_strided_slice %masked_cumsum3A {offsets = [15], sizes = [1], strides = [1]} : vector<16xi32> to vector<1xi32>
        %squeeze3A = vector.extract %slice3A[0] : i32 from vector<1xi32>
        %add3A_147 = arith.addi %while3A_118, %squeeze3A : i32
        %ge3A_148 = arith.constant 16 : i32
        %ge3A_149 = arith.cmpi sge, %add3A_147, %ge3A_148 : i32
        %convert_element_type3A_150 = arith.extui %ge3A_149 : i1 to i32
        %cond3A_151 = arith.constant 0 : i32
        %cond3A_152 = arith.cmpi ne, %convert_element_type3A_150, %cond3A_151 : i32
        %cond3A_153:2 = scf.if %cond3A_152 -> (i32, i32) {
          %and3A_154 = arith.constant 1 : i32
          %and3A_155 = arith.andi %while3A_119, %and3A_154 : i32
          %ge3A_156 = arith.constant 2 : i32
          %ge3A_157 = arith.cmpi sge, %while3A_119, %ge3A_156 : i32
          %convert_element_type3A_158 = arith.extui %ge3A_157 : i1 to i32
          %cond3A_159 = arith.constant 0 : i32
          %cond3A_160 = arith.cmpi ne, %convert_element_type3A_158, %cond3A_159 : i32
          scf.if %cond3A_160 {
            %dma_wait3A = arith.constant 0 : i32
            %dma_wait3A_226 = arith.constant 0 : i32
            %dma_wait3A_227 = arith.constant 0 : i32
            %dma_wait3A_228 = tpu.memref_slice %arg14[%dma_wait3A, %dma_wait3A_226, %dma_wait3A_227] : memref<2x16x128xf32, #tpu.memory_space<vmem>> -> memref<1x16x128xf32, #tpu.memory_space<vmem>>
            %dma_wait3A_229 = tpu.memref_squeeze %dma_wait3A_228 : memref<1x16x128xf32, #tpu.memory_space<vmem>> -> memref<16x128xf32, #tpu.memory_space<vmem>>
            %dma_wait3A_230 = arith.constant 0 : i32
            %dma_wait3A_231 = arith.constant 0 : i32
            %dma_wait3A_232 = tpu.memref_slice %arg5[%dma_wait3A_230, %dma_wait3A_231] : memref<16384x128xf32, #tpu.memory_space<hbm>> -> memref<16x128xf32, #tpu.memory_space<hbm>>
            %dma_wait3A_233 = arith.constant 0 : i32
            %dma_wait3A_234 = arith.constant 0 : i32
            %dma_wait3A_235 = tpu.memref_slice %arg14[%dma_wait3A, %dma_wait3A_233, %dma_wait3A_234] : memref<2x16x128xf32, #tpu.memory_space<vmem>> -> memref<1x16x128xf32, #tpu.memory_space<vmem>>
            %dma_wait3A_236 = tpu.memref_squeeze %dma_wait3A_235 : memref<1x16x128xf32, #tpu.memory_space<vmem>> -> memref<16x128xf32, #tpu.memory_space<vmem>>
            %dma_wait3A_237 = arith.constant 0 : i32
            %dma_wait3A_238 = arith.constant 0 : i32
            %dma_wait3A_239 = tpu.memref_slice %arg5[%dma_wait3A_237, %dma_wait3A_238] : memref<16384x128xf32, #tpu.memory_space<hbm>> -> memref<16x128xf32, #tpu.memory_space<hbm>>
            tpu.wait_dma2 semaphore(%arg17 : memref<!tpu.dma_semaphore, #tpu.memory_space<semaphore_mem>>) src(%dma_wait3A_239 : memref<16x128xf32, #tpu.memory_space<hbm>>) dst(%dma_wait3A_236 : memref<16x128xf32, #tpu.memory_space<vmem>>)
          } else {
          }
          %broadcast_in_dim3A_161 = arith.constant 16 : i32
          %broadcast_in_dim3A_162 = vector.broadcast %broadcast_in_dim3A_161 : i32 to vector<16xi32>
          %lt3A_163 = arith.cmpi slt, %iota3A, %broadcast_in_dim3A_162 : vector<16xi32>
          %get3A_164 = arith.constant 0 : index
          %get3A_165 = tpu.vector_load %arg12[%get3A_164] {strides = array<i32>} : memref<48xi32, #tpu.memory_space<vmem>>, vector<16xi32>,
          %get3A_166 = arith.constant 0 : index
          %get3A_167 = tpu.vector_load %arg13[%get3A_166] {strides = array<i32>} : memref<48xi32, #tpu.memory_space<vmem>>, vector<16xi32>,
          %sub3A_168 = arith.constant 16 : i32
          %sub3A_169 = arith.constant 1 : i32
          %sub3A_170 = arith.subi %sub3A_168, %sub3A_169 : i32
          %get3A_171 = arith.index_cast %sub3A_170 : i32 to index
          %get3A_172 = tpu.vector_load %arg12[%get3A_171] {strides = array<i32>} : memref<48xi32, #tpu.memory_space<vmem>>, vector<16xi32>,
          %slice3A_173 = vector.extract_strided_slice %get3A_172 {offsets = [0], sizes = [1], strides = [1]} : vector<16xi32> to vector<1xi32>
          %squeeze3A_174 = vector.extract %slice3A_173[0] : i32 from vector<1xi32>
          %sub3A_175 = arith.constant 16 : i32
          %sub3A_176 = arith.constant 1 : i32
          %sub3A_177 = arith.subi %sub3A_175, %sub3A_176 : i32
          %get3A_178 = arith.index_cast %sub3A_177 : i32 to index
          %get3A_179 = tpu.vector_load %arg13[%get3A_178] {strides = array<i32>} : memref<48xi32, #tpu.memory_space<vmem>>, vector<16xi32>,
          %slice3A_180 = vector.extract_strided_slice %get3A_179 {offsets = [0], sizes = [1], strides = [1]} : vector<16xi32> to vector<1xi32>
          %squeeze3A_181 = vector.extract %slice3A_180[0] : i32 from vector<1xi32>
          %broadcast_in_dim3A_182 = vector.broadcast %squeeze3A_174 : i32 to vector<16xi32>
          %select_n3A_183 = arith.select %lt3A_163, %get3A_165, %broadcast_in_dim3A_182 : vector<16xi1>, vector<16xi32>
          %broadcast_in_dim3A_184 = vector.broadcast %squeeze3A_181 : i32 to vector<16xi32>
          %select_n3A_185 = arith.select %lt3A_163, %get3A_167, %broadcast_in_dim3A_184 : vector<16xi1>, vector<16xi32>
          %broadcast_in_dim3A_186 = vector.broadcast %and3A_155 : i32 to vector<16xi32>
          tpu.vector_store_idx %arg15[%broadcast_in_dim3A_186, %iota3A], %select_n3A_183 : memref<2x16xi32, #tpu.memory_space<vmem>>[vector<16xi32>, vector<16xi32>], vector<16xi32>,
          %and3A_187 = arith.constant 131071 : i32
          %and3A_188 = vector.broadcast %and3A_187 : i32 to vector<16xi32>
          %and3A_189 = arith.andi %select_n3A_185, %and3A_188 : vector<16xi32>
          %and3A_190 = arith.constant 127 : i32
          %and3A_191 = vector.broadcast %and3A_190 : i32 to vector<16xi32>
          %and3A_192 = arith.andi %and3A_189, %and3A_191 : vector<16xi32>
          %shift_right_logical3A_193 = arith.constant 17 : i32
          %shift_right_logical3A_194 = vector.broadcast %shift_right_logical3A_193 : i32 to vector<16xi32>
          %shift_right_logical3A_195 = arith.shrui %select_n3A_185, %shift_right_logical3A_194 : vector<16xi32>
          %shift_left3A = arith.constant 6 : i32
          %shift_left3A_196 = vector.broadcast %shift_left3A : i32 to vector<16xi32>
          %shift_left3A_197 = arith.shli %shift_right_logical3A_195, %shift_left3A_196 : vector<16xi32>
          %broadcast_in_dim3A_198 = vector.broadcast %while3A_98 : i32 to vector<16xi32>
          %scan3A_199 = arith.constant 0 : i32
          %scan3A_200 = arith.constant 0 : i32
          %scan3A_201 = arith.constant 32 : i32
          %scan3A_202 = arith.addi %scan3A_200, %scan3A_201 : i32
          %scan3A_203 = arith.constant 1 : i32
          scf.for %scan3A_226 = %scan3A_200 to %scan3A_202 step %scan3A_203  : i32 {
            %mul3A_227 = arith.constant 2 : i32
            %mul3A_228 = arith.muli %scan3A_226, %mul3A_227 : i32
            %add3A_229 = arith.constant 0 : i32
            %add3A_230 = arith.addi %mul3A_228, %add3A_229 : i32
            %broadcast_in_dim3A_231 = vector.broadcast %add3A_230 : i32 to vector<16xi32>
            %add3A_232 = arith.addi %shift_left3A_197, %broadcast_in_dim3A_231 : vector<16xi32>
            %gather3A = tpu.vector_load_idx %arg10[%broadcast_in_dim3A_198, %add3A_232, %and3A_192] : memref<2x256x128xf32, #tpu.memory_space<vmem>>[vector<16xi32>, vector<16xi32>, vector<16xi32>], vector<16xf32>,
            tpu.vector_store_idx %arg14[%broadcast_in_dim3A_186, %iota3A, %broadcast_in_dim3A_231], %gather3A : memref<2x16x128xf32, #tpu.memory_space<vmem>>[vector<16xi32>, vector<16xi32>, vector<16xi32>], vector<16xf32>,
            %mul3A_233 = arith.constant 2 : i32
            %mul3A_234 = arith.muli %scan3A_226, %mul3A_233 : i32
            %add3A_235 = arith.constant 1 : i32
            %add3A_236 = arith.addi %mul3A_234, %add3A_235 : i32
            %broadcast_in_dim3A_237 = vector.broadcast %add3A_236 : i32 to vector<16xi32>
            %add3A_238 = arith.addi %shift_left3A_197, %broadcast_in_dim3A_237 : vector<16xi32>
            %gather3A_239 = tpu.vector_load_idx %arg10[%broadcast_in_dim3A_198, %add3A_238, %and3A_192] : memref<2x256x128xf32, #tpu.memory_space<vmem>>[vector<16xi32>, vector<16xi32>, vector<16xi32>], vector<16xf32>,
            tpu.vector_store_idx %arg14[%broadcast_in_dim3A_186, %iota3A, %broadcast_in_dim3A_237], %gather3A_239 : memref<2x16x128xf32, #tpu.memory_space<vmem>>[vector<16xi32>, vector<16xi32>, vector<16xi32>], vector<16xf32>,
          }
          %scan3A_204 = arith.constant 32 : i32
          %eq3A_205 = arith.constant 0 : i32
          %eq3A_206 = arith.cmpi eq, %and3A_155, %eq3A_205 : i32
          %convert_element_type3A_207 = arith.extui %eq3A_206 : i1 to i32
          %cond3A_208 = arith.constant 0 : i32
          %cond3A_209 = arith.cmpi ne, %convert_element_type3A_207, %cond3A_208 : i32
          scf.if %cond3A_209 {
            %dma_start3A_226 = arith.constant 0 : i32
            %dma_start3A_227 = arith.constant 0 : i32
            %dma_start3A_228 = arith.constant 0 : i32
            %dma_start3A_229 = arith.constant 0 : i32
            %dma_start3A_230 = tpu.memref_slice %arg14[%dma_start3A_226, %dma_start3A_228, %dma_start3A_229] : memref<2x16x128xf32, #tpu.memory_space<vmem>> -> memref<1x16x128xf32, #tpu.memory_space<vmem>>
            %dma_start3A_231 = tpu.memref_squeeze %dma_start3A_230 : memref<1x16x128xf32, #tpu.memory_space<vmem>> -> memref<16x128xf32, #tpu.memory_space<vmem>>
            %dma_start3A_232 = arith.constant 0 : i32
            %dma_start3A_233 = tpu.memref_slice %arg15[%dma_start3A_227, %dma_start3A_232] : memref<2x16xi32, #tpu.memory_space<vmem>> -> memref<1x16xi32, #tpu.memory_space<vmem>>
            %dma_start3A_234 = tpu.memref_squeeze %dma_start3A_233 : memref<1x16xi32, #tpu.memory_space<vmem>> -> memref<16xi32, #tpu.memory_space<vmem>>
            %dma_start3A_235 = arith.constant 0 : i32
            %dma_start3A_236 = arith.constant 0 : i32
            %dma_start3A_237 = tpu.memref_slice %arg5[%dma_start3A_235, %dma_start3A_236] : memref<16384x128xf32, #tpu.memory_space<hbm>> -> memref<16384x128xf32, #tpu.memory_space<hbm>>
            tpu.enqueue_indirect_dma source(%dma_start3A_231 : memref<16x128xf32, #tpu.memory_space<vmem>>) target(%dma_start3A_237 : memref<16384x128xf32, #tpu.memory_space<hbm>>) offsets(%dma_start3A_234 : memref<16xi32, #tpu.memory_space<vmem>>) semaphore(%arg17 : memref<!tpu.dma_semaphore, #tpu.memory_space<semaphore_mem>>)
          } else {
          }
          %eq3A_210 = arith.constant 1 : i32
          %eq3A_211 = arith.cmpi eq, %and3A_155, %eq3A_210 : i32
          %convert_element_type3A_212 = arith.extui %eq3A_211 : i1 to i32
          %cond3A_213 = arith.constant 0 : i32
          %cond3A_214 = arith.cmpi ne, %convert_element_type3A_212, %cond3A_213 : i32
          scf.if %cond3A_214 {
            %dma_start3A_226 = arith.constant 1 : i32
            %dma_start3A_227 = arith.constant 1 : i32
            %dma_start3A_228 = arith.constant 0 : i32
            %dma_start3A_229 = arith.constant 0 : i32
            %dma_start3A_230 = tpu.memref_slice %arg14[%dma_start3A_226, %dma_start3A_228, %dma_start3A_229] : memref<2x16x128xf32, #tpu.memory_space<vmem>> -> memref<1x16x128xf32, #tpu.memory_space<vmem>>
            %dma_start3A_231 = tpu.memref_squeeze %dma_start3A_230 : memref<1x16x128xf32, #tpu.memory_space<vmem>> -> memref<16x128xf32, #tpu.memory_space<vmem>>
            %dma_start3A_232 = arith.constant 0 : i32
            %dma_start3A_233 = tpu.memref_slice %arg15[%dma_start3A_227, %dma_start3A_232] : memref<2x16xi32, #tpu.memory_space<vmem>> -> memref<1x16xi32, #tpu.memory_space<vmem>>
            %dma_start3A_234 = tpu.memref_squeeze %dma_start3A_233 : memref<1x16xi32, #tpu.memory_space<vmem>> -> memref<16xi32, #tpu.memory_space<vmem>>
            %dma_start3A_235 = arith.constant 0 : i32
            %dma_start3A_236 = arith.constant 0 : i32
            %dma_start3A_237 = tpu.memref_slice %arg5[%dma_start3A_235, %dma_start3A_236] : memref<16384x128xf32, #tpu.memory_space<hbm>> -> memref<16384x128xf32, #tpu.memory_space<hbm>>
            tpu.enqueue_indirect_dma source(%dma_start3A_231 : memref<16x128xf32, #tpu.memory_space<vmem>>) target(%dma_start3A_237 : memref<16384x128xf32, #tpu.memory_space<hbm>>) offsets(%dma_start3A_234 : memref<16xi32, #tpu.memory_space<vmem>>) semaphore(%arg17 : memref<!tpu.dma_semaphore, #tpu.memory_space<semaphore_mem>>)
          } else {
          }
          %add3A_215 = arith.constant 1 : i32
          %add3A_216 = arith.addi %while3A_119, %add3A_215 : i32
          %get3A_217 = arith.constant 16 : index
          %get3A_218 = tpu.vector_load %arg12[%get3A_217] {strides = array<i32>} : memref<48xi32, #tpu.memory_space<vmem>>, vector<16xi32>,
          %get3A_219 = arith.constant 16 : index
          %get3A_220 = tpu.vector_load %arg13[%get3A_219] {strides = array<i32>} : memref<48xi32, #tpu.memory_space<vmem>>, vector<16xi32>,
          %swap3A = arith.constant 0 : index
          %swap3A_221 = tpu.vector_load %arg12[%swap3A] {strides = array<i32>} : memref<48xi32, #tpu.memory_space<vmem>>, vector<16xi32>,
          tpu.vector_store %arg12[%swap3A], %get3A_218 {strides = array<i32>} : memref<48xi32, #tpu.memory_space<vmem>>, vector<16xi32>,
          %swap3A_222 = arith.constant 0 : index
          %swap3A_223 = tpu.vector_load %arg13[%swap3A_222] {strides = array<i32>} : memref<48xi32, #tpu.memory_space<vmem>>, vector<16xi32>,
          tpu.vector_store %arg13[%swap3A_222], %get3A_220 {strides = array<i32>} : memref<48xi32, #tpu.memory_space<vmem>>, vector<16xi32>,
          %sub3A_224 = arith.constant 16 : i32
          %sub3A_225 = arith.subi %add3A_147, %sub3A_224 : i32
          scf.yield %sub3A_225, %add3A_216 : i32, i32
        } else {
          scf.yield %add3A_147, %while3A_119 : i32, i32
        }
        scf.yield %cond3A_153#0, %cond3A_153#1 : i32, i32
      }
      %gt3A = arith.constant 0 : i32
      %gt3A_111 = arith.cmpi sgt, %while3A_110#0, %gt3A : i32
      %convert_element_type3A_112 = arith.extui %gt3A_111 : i1 to i32
      %cond3A_113 = arith.constant 0 : i32
      %cond3A_114 = arith.constant 0 : i32
      %cond3A_115 = arith.cmpi ne, %convert_element_type3A_112, %cond3A_114 : i32
      %cond3A_116 = scf.if %cond3A_115 -> (i32) {
        %and3A_117 = arith.constant 1 : i32
        %and3A_118 = arith.andi %while3A_110#1, %and3A_117 : i32
        %ge3A_119 = arith.constant 2 : i32
        %ge3A_120 = arith.cmpi sge, %while3A_110#1, %ge3A_119 : i32
        %convert_element_type3A_121 = arith.extui %ge3A_120 : i1 to i32
        %cond3A_122 = arith.constant 0 : i32
        %cond3A_123 = arith.cmpi ne, %convert_element_type3A_121, %cond3A_122 : i32
        scf.if %cond3A_123 {
          %dma_wait3A = arith.constant 0 : i32
          %dma_wait3A_171 = arith.constant 0 : i32
          %dma_wait3A_172 = arith.constant 0 : i32
          %dma_wait3A_173 = tpu.memref_slice %arg14[%dma_wait3A, %dma_wait3A_171, %dma_wait3A_172] : memref<2x16x128xf32, #tpu.memory_space<vmem>> -> memref<1x16x128xf32, #tpu.memory_space<vmem>>
          %dma_wait3A_174 = tpu.memref_squeeze %dma_wait3A_173 : memref<1x16x128xf32, #tpu.memory_space<vmem>> -> memref<16x128xf32, #tpu.memory_space<vmem>>
          %dma_wait3A_175 = arith.constant 0 : i32
          %dma_wait3A_176 = arith.constant 0 : i32
          %dma_wait3A_177 = tpu.memref_slice %arg5[%dma_wait3A_175, %dma_wait3A_176] : memref<16384x128xf32, #tpu.memory_space<hbm>> -> memref<16x128xf32, #tpu.memory_space<hbm>>
          %dma_wait3A_178 = arith.constant 0 : i32
          %dma_wait3A_179 = arith.constant 0 : i32
          %dma_wait3A_180 = tpu.memref_slice %arg14[%dma_wait3A, %dma_wait3A_178, %dma_wait3A_179] : memref<2x16x128xf32, #tpu.memory_space<vmem>> -> memref<1x16x128xf32, #tpu.memory_space<vmem>>
          %dma_wait3A_181 = tpu.memref_squeeze %dma_wait3A_180 : memref<1x16x128xf32, #tpu.memory_space<vmem>> -> memref<16x128xf32, #tpu.memory_space<vmem>>
          %dma_wait3A_182 = arith.constant 0 : i32
          %dma_wait3A_183 = arith.constant 0 : i32
          %dma_wait3A_184 = tpu.memref_slice %arg5[%dma_wait3A_182, %dma_wait3A_183] : memref<16384x128xf32, #tpu.memory_space<hbm>> -> memref<16x128xf32, #tpu.memory_space<hbm>>
          tpu.wait_dma2 semaphore(%arg17 : memref<!tpu.dma_semaphore, #tpu.memory_space<semaphore_mem>>) src(%dma_wait3A_184 : memref<16x128xf32, #tpu.memory_space<hbm>>) dst(%dma_wait3A_181 : memref<16x128xf32, #tpu.memory_space<vmem>>)
        } else {
        }
        %broadcast_in_dim3A = vector.broadcast %while3A_110#0 : i32 to vector<16xi32>
        %lt3A = arith.cmpi slt, %iota3A, %broadcast_in_dim3A : vector<16xi32>
        %get3A = arith.constant 0 : index
        %get3A_124 = tpu.vector_load %arg12[%get3A] {strides = array<i32>} : memref<48xi32, #tpu.memory_space<vmem>>, vector<16xi32>,
        %get3A_125 = arith.constant 0 : index
        %get3A_126 = tpu.vector_load %arg13[%get3A_125] {strides = array<i32>} : memref<48xi32, #tpu.memory_space<vmem>>, vector<16xi32>,
        %sub3A_127 = arith.constant 1 : i32
        %sub3A_128 = arith.subi %while3A_110#0, %sub3A_127 : i32
        %get3A_129 = arith.index_cast %sub3A_128 : i32 to index
        %get3A_130 = tpu.vector_load %arg12[%get3A_129] {strides = array<i32>} : memref<48xi32, #tpu.memory_space<vmem>>, vector<16xi32>,
        %slice3A = vector.extract_strided_slice %get3A_130 {offsets = [0], sizes = [1], strides = [1]} : vector<16xi32> to vector<1xi32>
        %squeeze3A = vector.extract %slice3A[0] : i32 from vector<1xi32>
        %sub3A_131 = arith.constant 1 : i32
        %sub3A_132 = arith.subi %while3A_110#0, %sub3A_131 : i32
        %get3A_133 = arith.index_cast %sub3A_132 : i32 to index
        %get3A_134 = tpu.vector_load %arg13[%get3A_133] {strides = array<i32>} : memref<48xi32, #tpu.memory_space<vmem>>, vector<16xi32>,
        %slice3A_135 = vector.extract_strided_slice %get3A_134 {offsets = [0], sizes = [1], strides = [1]} : vector<16xi32> to vector<1xi32>
        %squeeze3A_136 = vector.extract %slice3A_135[0] : i32 from vector<1xi32>
        %broadcast_in_dim3A_137 = vector.broadcast %squeeze3A : i32 to vector<16xi32>
        %select_n3A_138 = arith.select %lt3A, %get3A_124, %broadcast_in_dim3A_137 : vector<16xi1>, vector<16xi32>
        %broadcast_in_dim3A_139 = vector.broadcast %squeeze3A_136 : i32 to vector<16xi32>
        %select_n3A_140 = arith.select %lt3A, %get3A_126, %broadcast_in_dim3A_139 : vector<16xi1>, vector<16xi32>
        %broadcast_in_dim3A_141 = vector.broadcast %and3A_118 : i32 to vector<16xi32>
        tpu.vector_store_idx %arg15[%broadcast_in_dim3A_141, %iota3A], %select_n3A_138 : memref<2x16xi32, #tpu.memory_space<vmem>>[vector<16xi32>, vector<16xi32>], vector<16xi32>,
        %and3A_142 = arith.constant 131071 : i32
        %and3A_143 = vector.broadcast %and3A_142 : i32 to vector<16xi32>
        %and3A_144 = arith.andi %select_n3A_140, %and3A_143 : vector<16xi32>
        %and3A_145 = arith.constant 127 : i32
        %and3A_146 = vector.broadcast %and3A_145 : i32 to vector<16xi32>
        %and3A_147 = arith.andi %and3A_144, %and3A_146 : vector<16xi32>
        %shift_right_logical3A = arith.constant 17 : i32
        %shift_right_logical3A_148 = vector.broadcast %shift_right_logical3A : i32 to vector<16xi32>
        %shift_right_logical3A_149 = arith.shrui %select_n3A_140, %shift_right_logical3A_148 : vector<16xi32>
        %shift_left3A = arith.constant 6 : i32
        %shift_left3A_150 = vector.broadcast %shift_left3A : i32 to vector<16xi32>
        %shift_left3A_151 = arith.shli %shift_right_logical3A_149, %shift_left3A_150 : vector<16xi32>
        %broadcast_in_dim3A_152 = vector.broadcast %cond3A_113 : i32 to vector<16xi32>
        %scan3A_153 = arith.constant 0 : i32
        %scan3A_154 = arith.constant 0 : i32
        %scan3A_155 = arith.constant 32 : i32
        %scan3A_156 = arith.addi %scan3A_154, %scan3A_155 : i32
        %scan3A_157 = arith.constant 1 : i32
        scf.for %scan3A_171 = %scan3A_154 to %scan3A_156 step %scan3A_157  : i32 {
          %mul3A_172 = arith.constant 2 : i32
          %mul3A_173 = arith.muli %scan3A_171, %mul3A_172 : i32
          %add3A_174 = arith.constant 0 : i32
          %add3A_175 = arith.addi %mul3A_173, %add3A_174 : i32
          %broadcast_in_dim3A_176 = vector.broadcast %add3A_175 : i32 to vector<16xi32>
          %add3A_177 = arith.addi %shift_left3A_151, %broadcast_in_dim3A_176 : vector<16xi32>
          %gather3A = tpu.vector_load_idx %arg10[%broadcast_in_dim3A_152, %add3A_177, %and3A_147] : memref<2x256x128xf32, #tpu.memory_space<vmem>>[vector<16xi32>, vector<16xi32>, vector<16xi32>], vector<16xf32>,
          tpu.vector_store_idx %arg14[%broadcast_in_dim3A_141, %iota3A, %broadcast_in_dim3A_176], %gather3A : memref<2x16x128xf32, #tpu.memory_space<vmem>>[vector<16xi32>, vector<16xi32>, vector<16xi32>], vector<16xf32>,
          %mul3A_178 = arith.constant 2 : i32
          %mul3A_179 = arith.muli %scan3A_171, %mul3A_178 : i32
          %add3A_180 = arith.constant 1 : i32
          %add3A_181 = arith.addi %mul3A_179, %add3A_180 : i32
          %broadcast_in_dim3A_182 = vector.broadcast %add3A_181 : i32 to vector<16xi32>
          %add3A_183 = arith.addi %shift_left3A_151, %broadcast_in_dim3A_182 : vector<16xi32>
          %gather3A_184 = tpu.vector_load_idx %arg10[%broadcast_in_dim3A_152, %add3A_183, %and3A_147] : memref<2x256x128xf32, #tpu.memory_space<vmem>>[vector<16xi32>, vector<16xi32>, vector<16xi32>], vector<16xf32>,
          tpu.vector_store_idx %arg14[%broadcast_in_dim3A_141, %iota3A, %broadcast_in_dim3A_182], %gather3A_184 : memref<2x16x128xf32, #tpu.memory_space<vmem>>[vector<16xi32>, vector<16xi32>, vector<16xi32>], vector<16xf32>,
        }
        %scan3A_158 = arith.constant 32 : i32
        %eq3A_159 = arith.constant 0 : i32
        %eq3A_160 = arith.cmpi eq, %and3A_118, %eq3A_159 : i32
        %convert_element_type3A_161 = arith.extui %eq3A_160 : i1 to i32
        %cond3A_162 = arith.constant 0 : i32
        %cond3A_163 = arith.cmpi ne, %convert_element_type3A_161, %cond3A_162 : i32
        scf.if %cond3A_163 {
          %dma_start3A_171 = arith.constant 0 : i32
          %dma_start3A_172 = arith.constant 0 : i32
          %dma_start3A_173 = arith.constant 0 : i32
          %dma_start3A_174 = arith.constant 0 : i32
          %dma_start3A_175 = tpu.memref_slice %arg14[%dma_start3A_171, %dma_start3A_173, %dma_start3A_174] : memref<2x16x128xf32, #tpu.memory_space<vmem>> -> memref<1x16x128xf32, #tpu.memory_space<vmem>>
          %dma_start3A_176 = tpu.memref_squeeze %dma_start3A_175 : memref<1x16x128xf32, #tpu.memory_space<vmem>> -> memref<16x128xf32, #tpu.memory_space<vmem>>
          %dma_start3A_177 = arith.constant 0 : i32
          %dma_start3A_178 = tpu.memref_slice %arg15[%dma_start3A_172, %dma_start3A_177] : memref<2x16xi32, #tpu.memory_space<vmem>> -> memref<1x16xi32, #tpu.memory_space<vmem>>
          %dma_start3A_179 = tpu.memref_squeeze %dma_start3A_178 : memref<1x16xi32, #tpu.memory_space<vmem>> -> memref<16xi32, #tpu.memory_space<vmem>>
          %dma_start3A_180 = arith.constant 0 : i32
          %dma_start3A_181 = arith.constant 0 : i32
          %dma_start3A_182 = tpu.memref_slice %arg5[%dma_start3A_180, %dma_start3A_181] : memref<16384x128xf32, #tpu.memory_space<hbm>> -> memref<16384x128xf32, #tpu.memory_space<hbm>>
          tpu.enqueue_indirect_dma source(%dma_start3A_176 : memref<16x128xf32, #tpu.memory_space<vmem>>) target(%dma_start3A_182 : memref<16384x128xf32, #tpu.memory_space<hbm>>) offsets(%dma_start3A_179 : memref<16xi32, #tpu.memory_space<vmem>>) semaphore(%arg17 : memref<!tpu.dma_semaphore, #tpu.memory_space<semaphore_mem>>)
        } else {
        }
        %eq3A_164 = arith.constant 1 : i32
        %eq3A_165 = arith.cmpi eq, %and3A_118, %eq3A_164 : i32
        %convert_element_type3A_166 = arith.extui %eq3A_165 : i1 to i32
        %cond3A_167 = arith.constant 0 : i32
        %cond3A_168 = arith.cmpi ne, %convert_element_type3A_166, %cond3A_167 : i32
        scf.if %cond3A_168 {
          %dma_start3A_171 = arith.constant 1 : i32
          %dma_start3A_172 = arith.constant 1 : i32
          %dma_start3A_173 = arith.constant 0 : i32
          %dma_start3A_174 = arith.constant 0 : i32
          %dma_start3A_175 = tpu.memref_slice %arg14[%dma_start3A_171, %dma_start3A_173, %dma_start3A_174] : memref<2x16x128xf32, #tpu.memory_space<vmem>> -> memref<1x16x128xf32, #tpu.memory_space<vmem>>
          %dma_start3A_176 = tpu.memref_squeeze %dma_start3A_175 : memref<1x16x128xf32, #tpu.memory_space<vmem>> -> memref<16x128xf32, #tpu.memory_space<vmem>>
          %dma_start3A_177 = arith.constant 0 : i32
          %dma_start3A_178 = tpu.memref_slice %arg15[%dma_start3A_172, %dma_start3A_177] : memref<2x16xi32, #tpu.memory_space<vmem>> -> memref<1x16xi32, #tpu.memory_space<vmem>>
          %dma_start3A_179 = tpu.memref_squeeze %dma_start3A_178 : memref<1x16xi32, #tpu.memory_space<vmem>> -> memref<16xi32, #tpu.memory_space<vmem>>
          %dma_start3A_180 = arith.constant 0 : i32
          %dma_start3A_181 = arith.constant 0 : i32
          %dma_start3A_182 = tpu.memref_slice %arg5[%dma_start3A_180, %dma_start3A_181] : memref<16384x128xf32, #tpu.memory_space<hbm>> -> memref<16384x128xf32, #tpu.memory_space<hbm>>
          tpu.enqueue_indirect_dma source(%dma_start3A_176 : memref<16x128xf32, #tpu.memory_space<vmem>>) target(%dma_start3A_182 : memref<16384x128xf32, #tpu.memory_space<hbm>>) offsets(%dma_start3A_179 : memref<16xi32, #tpu.memory_space<vmem>>) semaphore(%arg17 : memref<!tpu.dma_semaphore, #tpu.memory_space<semaphore_mem>>)
        } else {
        }
        %add3A_169 = arith.constant 1 : i32
        %add3A_170 = arith.addi %while3A_110#1, %add3A_169 : i32
        scf.yield %add3A_170 : i32
      } else {
        scf.yield %while3A_110#1 : i32
      }
      scf.yield %cond3A_116 : i32
    } else {
      scf.yield %while3A_78 : i32
    }
    %ge3A = arith.constant 1 : i32
    %ge3A_82 = arith.cmpi sge, %cond3A_81, %ge3A : i32
    %convert_element_type3A_83 = arith.extui %ge3A_82 : i1 to i32
    %cond3A_84 = arith.constant 0 : i32
    %cond3A_85 = arith.cmpi ne, %convert_element_type3A_83, %cond3A_84 : i32
    scf.if %cond3A_85 {
      %dma_wait3A = arith.constant 0 : i32
      %dma_wait3A_91 = arith.constant 0 : i32
      %dma_wait3A_92 = arith.constant 0 : i32
      %dma_wait3A_93 = tpu.memref_slice %arg14[%dma_wait3A, %dma_wait3A_91, %dma_wait3A_92] : memref<2x16x128xf32, #tpu.memory_space<vmem>> -> memref<1x16x128xf32, #tpu.memory_space<vmem>>
      %dma_wait3A_94 = tpu.memref_squeeze %dma_wait3A_93 : memref<1x16x128xf32, #tpu.memory_space<vmem>> -> memref<16x128xf32, #tpu.memory_space<vmem>>
      %dma_wait3A_95 = arith.constant 0 : i32
      %dma_wait3A_96 = arith.constant 0 : i32
      %dma_wait3A_97 = tpu.memref_slice %arg5[%dma_wait3A_95, %dma_wait3A_96] : memref<16384x128xf32, #tpu.memory_space<hbm>> -> memref<16x128xf32, #tpu.memory_space<hbm>>
      %dma_wait3A_98 = arith.constant 0 : i32
      %dma_wait3A_99 = arith.constant 0 : i32
      %dma_wait3A_100 = tpu.memref_slice %arg14[%dma_wait3A, %dma_wait3A_98, %dma_wait3A_99] : memref<2x16x128xf32, #tpu.memory_space<vmem>> -> memref<1x16x128xf32, #tpu.memory_space<vmem>>
      %dma_wait3A_101 = tpu.memref_squeeze %dma_wait3A_100 : memref<1x16x128xf32, #tpu.memory_space<vmem>> -> memref<16x128xf32, #tpu.memory_space<vmem>>
      %dma_wait3A_102 = arith.constant 0 : i32
      %dma_wait3A_103 = arith.constant 0 : i32
      %dma_wait3A_104 = tpu.memref_slice %arg5[%dma_wait3A_102, %dma_wait3A_103] : memref<16384x128xf32, #tpu.memory_space<hbm>> -> memref<16x128xf32, #tpu.memory_space<hbm>>
      tpu.wait_dma2 semaphore(%arg17 : memref<!tpu.dma_semaphore, #tpu.memory_space<semaphore_mem>>) src(%dma_wait3A_104 : memref<16x128xf32, #tpu.memory_space<hbm>>) dst(%dma_wait3A_101 : memref<16x128xf32, #tpu.memory_space<vmem>>)
    } else {
    }
    %ge3A_86 = arith.constant 2 : i32
    %ge3A_87 = arith.cmpi sge, %cond3A_81, %ge3A_86 : i32
    %convert_element_type3A_88 = arith.extui %ge3A_87 : i1 to i32
    %cond3A_89 = arith.constant 0 : i32
    %cond3A_90 = arith.cmpi ne, %convert_element_type3A_88, %cond3A_89 : i32
    scf.if %cond3A_90 {
      %dma_wait3A = arith.constant 0 : i32
      %dma_wait3A_91 = arith.constant 0 : i32
      %dma_wait3A_92 = arith.constant 0 : i32
      %dma_wait3A_93 = tpu.memref_slice %arg14[%dma_wait3A, %dma_wait3A_91, %dma_wait3A_92] : memref<2x16x128xf32, #tpu.memory_space<vmem>> -> memref<1x16x128xf32, #tpu.memory_space<vmem>>
      %dma_wait3A_94 = tpu.memref_squeeze %dma_wait3A_93 : memref<1x16x128xf32, #tpu.memory_space<vmem>> -> memref<16x128xf32, #tpu.memory_space<vmem>>
      %dma_wait3A_95 = arith.constant 0 : i32
      %dma_wait3A_96 = arith.constant 0 : i32
      %dma_wait3A_97 = tpu.memref_slice %arg5[%dma_wait3A_95, %dma_wait3A_96] : memref<16384x128xf32, #tpu.memory_space<hbm>> -> memref<16x128xf32, #tpu.memory_space<hbm>>
      %dma_wait3A_98 = arith.constant 0 : i32
      %dma_wait3A_99 = arith.constant 0 : i32
      %dma_wait3A_100 = tpu.memref_slice %arg14[%dma_wait3A, %dma_wait3A_98, %dma_wait3A_99] : memref<2x16x128xf32, #tpu.memory_space<vmem>> -> memref<1x16x128xf32, #tpu.memory_space<vmem>>
      %dma_wait3A_101 = tpu.memref_squeeze %dma_wait3A_100 : memref<1x16x128xf32, #tpu.memory_space<vmem>> -> memref<16x128xf32, #tpu.memory_space<vmem>>
      %dma_wait3A_102 = arith.constant 0 : i32
      %dma_wait3A_103 = arith.constant 0 : i32
      %dma_wait3A_104 = tpu.memref_slice %arg5[%dma_wait3A_102, %dma_wait3A_103] : memref<16384x128xf32, #tpu.memory_space<hbm>> -> memref<16x128xf32, #tpu.memory_space<hbm>>
      tpu.wait_dma2 semaphore(%arg17 : memref<!tpu.dma_semaphore, #tpu.memory_space<semaphore_mem>>) src(%dma_wait3A_104 : memref<16x128xf32, #tpu.memory_space<hbm>>) dst(%dma_wait3A_101 : memref<16x128xf32, #tpu.memory_space<vmem>>)
    } else {
    }
    return
  }
}

</mosaic_0001>

<sc_bundles>
// kernel: _embedding_gather.3.cloned.1.call-start
scs
__scs_entry_jumppad:
0x0: {  	(pc) =	sbr.rel $0x88, $3  }
0x1: {  	(tag) =	ssettag $0x0;
	lr =	simm.s32 $0x1  }
0x2: {  	[smem:$0x3F9E] =	sst lr;
	_ =	strace $0xD0000000  }
0x3: {  	_ = 	snop  }
0x4: {  	_ = 	snop  }
0x5: {  	_ = 	snop  }
0x6: {  	_ = 	snop  }
0x7: {  	_ = 	snop  }
__scs_overlays_trampoline_lowered:
0x8: {  	[smem:$0x3FAD] =	sst s0  }
0x9: {  	[smem:$0x3FAE] =	sst s1  }
0xa: {  	[smem:$0x3FAF] =	sst s2  }
0xb: {  	[smem:$0x3FB0] =	sst s3  }
0xc: {  	[smem:$0x3FB1] =	sst s4  }
0xd: {  	[smem:$0x3FB2] =	sst s5  }
0xe: {  	[smem:$0x3FB3] =	sst s6  }
0xf: {  	[smem:$0x3FB4] =	sst s7  }
0x10: {  	[smem:$0x3FB5] =	sst s8  }
0x11: {  	[smem:$0x3FB6] =	sst s9;
	s0 =	simm.s32 @!p0 $0x0  }
0x12: {  	s1 =	sld [smem:$0x3F9C];
	s0 =	simm.s32 @p0 $0x1  }
0x13: {  	[smem:$0x3FB7] =	sst s0;
	s0 =	simm.s32 @!p1 $0x0  }
0x14: {  	s2 =	sld [smem:$0x3F9B];
	s0 =	simm.s32 @p1 $0x1  }
0x15: {  	[smem:$0x3FB8] =	sst s0;
	s0 =	simm.s32 @!p2 $0x0  }
0x16: {  	s3 =	sld [smem:$0x3FDB];
	s0 =	simm.s32 @p2 $0x1  }
0x17: {  	s4 =	simm.s32 $0x1BF5;
	[smem:$0x3FBA] =	sst s0  }
0x18: {  	s0 =	sld [smem:$0x3F9D];
	_ =	swait.ge [sflag:s4], $0x0  }
0x19: {  	s7 =	sld [smem:$0x3F9E]  }
0x1a: {  	s8 =	sadd.s32 $0xFFFFE003, lr  }
0x1b: {  	s9 =	sadd.s32 $0xFFFFFEF7, lr;
	s5 =	simm.s32 $0xFFFFFFFF;
	p2 =	slt.u32 s8, $0xFFFFF086  }
0x1c: {  	p1 =	slt.u32 s9, $0xF7A;
	s5 =	simm.s32 @!p2 $0x0  }
0x1d: {  	s5 =	simm.s32 @p1 $0x1;
	p0 =	seq.s32 s7, s2  }
0x1e: {  	s7 =	smul.u32 @!p0 $0xF7A, s2;
	p2 =	seq.s32 @!p0 s5, $0x0  }
0x1f: {  	s9 =	smul.u32 $0xF7A, s1;
	s8 =	simm.s32 @!p0 $0x1BF5;
	p2 =	por !p2, p0  }
0x20: {  	[sflag:s8] =	ssyncset.s32 @!p0 $0xFFFFF086;
	s6 =	sadd.s32 @!p0 s3, s7;
	s7 =	simm.s32 @!p0 $0x108  }
0x21: {  	s3 =	sadd.s32 s3, s9;
	s6 =	sadd.s32 @!p0 $0x88, s6;
	s7 =	simm.s32 @p2 $0x1082  }
0x22: {  	[simem:s7], [sflag:s8] =	dma.local @!p0 [hbm:s6], $0xF7A  }
0x23: {  	s9 =	sor.u32 $0xD0000000, s2;
	s6 =	simm.s32 $0x108;
	_ =	swait.ge @!p0 [sflag:s8], $0x0  }
0x24: {  	s3 =	sadd.s32 $0x88, s3;
	s6 =	simm.s32 @!p1 $0x1082;
	[sflag:s4] =	ssyncset.s32 $0xFFFFF086  }
0x25: {  	[simem:s6], [sflag:s4] =	dma.local [hbm:s3], $0xF7A  }
0x26: {  	[smem:$0x3F9E] =	sst s1;
	(tag) =	ssettag s2;
	_ =	strace s9  }
0x27: {  	s1 =	sld [smem:$0x3FAE]  }
0x28: {  	s2 =	sld [smem:$0x3FAF]  }
0x29: {  	s4 =	sld [smem:$0x3FB1]  }
0x2a: {  	p0 =	seq.s32 s5, $0x0;
	s5 =	sld [smem:$0x3FB2]  }
0x2b: {  	s6 =	sld [smem:$0x3FB3]  }
0x2c: {  	s7 =	sld [smem:$0x3FB4]  }
0x2d: {  	s3 =	simm.s32 $0x108;
	s8 =	sld [smem:$0x3FB5]  }
0x2e: {  	s3 =	simm.s32 @!p0 $0x1082;
	s9 =	sld [smem:$0x3FB6]  }
0x2f: {  	lr =	sadd.s32 s0, s3;
	s0 =	sld [smem:$0x3FAD]  }
0x30: {  	s3 =	sld [smem:$0x3FB0]  }
0x31: {  	[smem:$0x3FB9] =	sst s10  }
0x32: {  	s10 =	sld [smem:$0x3FB7];
	_ =	sdelay $0x3  }
0x33: {  	p0 =	seq.s32 s10, $0x1;
	s10 =	sld [smem:$0x3FB9];
	_ =	sdelay $0x3  }
0x34: {  	[smem:$0x3FB9] =	sst s10  }
0x35: {  	s10 =	sld [smem:$0x3FB8];
	_ =	sdelay $0x3  }
0x36: {  	p1 =	seq.s32 s10, $0x1;
	s10 =	sld [smem:$0x3FB9];
	_ =	sdelay $0x3  }
0x37: {  	[smem:$0x3FB9] =	sst s10  }
0x38: {  	s10 =	sld [smem:$0x3FBA]  }
0x39: {  	_ = 	snop;
	(pc) =	sbr.ind lr, $3  }
0x3a: {  	_ = 	snop  }
0x3b: {  	_ = 	snop  }
0x3c: {  	p2 =	seq.s32 s10, $0x1;
	s10 =	sld [smem:$0x3FB9]  }
0x3d: {  	_ =	shalt  }
0x3e: {  	_ =	shalt  }
0x3f: {  	_ =	shalt  }
0x40: {  	_ =	shalt  }
0x41: {  	_ =	shalt  }
0x42: {  	_ =	shalt  }
0x43: {  	_ =	shalt  }
0x44: {  	_ =	shalt  }
0x45: {  	_ =	shalt  }
0x46: {  	_ =	shalt  }
0x47: {  	_ =	shalt  }
0x48: {  	_ =	shalt  }
0x49: {  	_ =	shalt  }
0x4a: {  	_ =	shalt  }
0x4b: {  	_ =	shalt  }
0x4c: {  	_ =	shalt  }
0x4d: {  	_ =	shalt  }
0x4e: {  	_ =	shalt  }
0x4f: {  	_ =	shalt  }
0x50: {  	_ =	shalt  }
0x51: {  	_ =	shalt  }
0x52: {  	_ =	shalt  }
0x53: {  	_ =	shalt  }
0x54: {  	_ =	shalt  }
0x55: {  	_ =	shalt  }
0x56: {  	_ =	shalt  }
0x57: {  	_ =	shalt  }
0x58: {  	_ =	shalt  }
0x59: {  	_ =	shalt  }
0x5a: {  	_ =	shalt  }
0x5b: {  	_ =	shalt  }
0x5c: {  	_ =	shalt  }
0x5d: {  	_ =	shalt  }
0x5e: {  	_ =	shalt  }
0x5f: {  	_ =	shalt  }
0x60: {  	_ =	shalt  }
0x61: {  	_ =	shalt  }
0x62: {  	_ =	shalt  }
0x63: {  	_ =	shalt  }
0x64: {  	_ =	shalt  }
0x65: {  	_ =	shalt  }
0x66: {  	_ =	shalt  }
0x67: {  	_ =	shalt  }
0x68: {  	_ =	shalt  }
0x69: {  	_ =	shalt  }
0x6a: {  	_ =	shalt  }
0x6b: {  	_ =	shalt  }
0x6c: {  	_ =	shalt  }
0x6d: {  	_ =	shalt  }
0x6e: {  	_ =	shalt  }
0x6f: {  	_ =	shalt  }
0x70: {  	_ =	shalt  }
0x71: {  	_ =	shalt  }
0x72: {  	_ =	shalt  }
0x73: {  	_ =	shalt  }
0x74: {  	_ =	shalt  }
0x75: {  	_ =	shalt  }
0x76: {  	_ =	shalt  }
0x77: {  	_ =	shalt  }
0x78: {  	_ =	shalt  }
0x79: {  	_ =	shalt  }
0x7a: {  	_ =	shalt  }
0x7b: {  	_ =	shalt  }
0x7c: {  	_ =	shalt  }
0x7d: {  	_ =	shalt  }
0x7e: {  	_ =	shalt  }
0x7f: {  	_ =	shalt  }
0x80: {  	_ =	shalt  }
0x81: {  	_ =	shalt  }
0x82: {  	_ =	shalt  }
0x83: {  	_ =	shalt  }
0x84: {  	_ =	shalt  }
0x85: {  	_ =	shalt  }
0x86: {  	_ =	shalt  }
0x87: {  	_ =	shalt  }
.Lfunc_end0:
.L_simem_size_0:
called_computation_lowered:
.L_overlay_start_0:
0x88: {  	s2 =	sld [smem:$0x3FD9]  }
0x89: {  	s3 =	sld [smem:$0x3FFE];
	_ =	sdelay $0x1  }
0x8a: {  	s1 =	srdreg.scid  }
0x8b: {  	s0 =	sand.u32 $0x1, s1  }
0x8c: {  	s17 =	sshll.u32 s0, $0xA;
	s2 =	sadd.s32 s3, s2  }
0x8d: {  	s2 =	sadd.s32 s2, s17  }
0x8e: {  	[smem:$0x3FC5] =	sst s2  }
0x8f: {  	_ = 	snop  }
0x90: {  	s2 =	sld [smem:$0x3FC9]  }
0x91: {  	s18 =	sld [smem:$0x3FC8]  }
0x92: {  	s4 =	sld [smem:$0x3FD0];
	(tm) =	ssettm $0x1  }
0x93: {  	s5 =	sld [smem:$0x3FFB];
	_ =	sdelay $0x3  }
0x94: {  	_ =	strace s5  }
0x95: {  	s5 =	sld [smem:$0x3FFC];
	_ =	sdelay $0x3  }
0x96: {  	_ =	strace s5  }
0x97: {  	s5 =	sld [smem:$0x3FFD];
	_ =	sdelay $0x3  }
0x98: {  	_ =	strace s5  }
0x99: {  	_ =	strace $0x8FFFFFFF  }
0x9a: {  	s19 =	sld [smem:$0x3FDB];
	_ =	sdelay $0x1  }
0x9b: {  	s6 =	simm.s32 $_scs_section_size  }
0x9c: {  	s7 =	simm.s32 $_size__tile_overlayer_lowered;
	s8 =	simm.s32 $_tile_overlayer_lowered  }
0x9d: {  	s22 =	simm.s32 $0x1BFF;
	s21 =	sshll.u32 s8, $0x1;
	s5 =	sadd.s32 s6, s19  }
0x9e: {  	s9 =	simm.s32 $0x0;
	s20 =	sshll.u32 s7, $0x1;
	s7 =	sadd.s32 s21, s5  }
0x9f: {  	[timem:s9], [sflag:s22] =	dma.local [hbm:s7], s20  }
0xa0: {  	_ =	swait.ge [sflag:s22], s20  }
0xa1: {  	s6 =	ssub.s32 $0x0, s20;
	[sflag:s22] =	ssyncset.done $0x0  }
0xa2: {  	[sflag:s22] =	ssyncadd.s32 s6;
	_ =	sdelay $0x1  }
0xa3: {  	s23 =	simm.s32 $0x1B8B  }
0xa4: {  	_ =	swait.ge [sflag:s23], $0x1  }
0xa5: {  	[sflag:s23] =	ssyncset.done $0x0  }
0xa6: {  	s25 =	simm.s32 $0x1B8E;
	s24 =	sld [smem:$0x3FFE];
	[sflag:s23] =	ssyncadd.s32 $0xFFFFFFFF  }
0xa7: {  	s26 =	simm.s32 $execute0_lowered;
	[smem:$0x3FD2] =	sst s25  }
0xa8: {  	s7 =	sshll.u32 s26, $0x1;
	_ =	strace $0x80000046;
	[dreg:$0x1] =	wrdreg $0xFFFFFFFF  }
0xa9: {  	s28 =	simm.s32 $_size_execute0_lowered;
	s5 =	sadd.s32 s5, s7;
	[dreg:$0x0] =	wrdreg $0x0  }
0xaa: {  	s7 =	sshll.u32 s28, $0x1;
	[dreg:$0x2] =	wrdreg s5  }
0xab: {  	[dreg:$0x3] =	wrdreg s7  }
0xac: {  	[dreg:$0x4] =	wrdreg $0xC0  }
0xad: {  	_ =	task [dreg:s9], $0x5FFFF  }
0xae: {  	[dreg:$0x1] =	wrdreg $0xFFFFFFFF  }
0xaf: {  	[dreg:$0x0] =	wrdreg $0x60  }
0xb0: {  	[dreg:$0x2] =	wrdreg s2  }
0xb1: {  	[dreg:$0x3] =	wrdreg s18  }
0xb2: {  	[dreg:$0x4] =	wrdreg s24  }
0xb3: {  	[dreg:$0x5] =	wrdreg s4  }
0xb4: {  	[dreg:$0x6] =	wrdreg $0x9  }
0xb5: {  	_ =	task.clear_ibuf [dreg:s9], $0x7FFFF;
	_ =	strace $0x90000046  }
0xb6: {  	s29 =	simm.s32 $0x9;
	_ =	strace $0x80000048  }
0xb7: {  	_ =	swait.ge [sflag:s29], $0x1  }
0xb8: {  	[sflag:s29] =	ssyncadd.s32 $0xFFFFFFFF  }
0xb9: {  	_ =	strace $0x90000048  }
0xba: {  	_ =	sfence  }
0xbb: {  	s30 =	sld [smem:$0x0];
	_ =	sdelay $0x2  }
0xbc: {  	s31 =	sshll.u32 s1, $0xD;
	s1 =	sshrl.u32 s1, $0x2  }
0xbd: {  	s3 =	sand.u32 $0x4000, s31;
	s1 =	sadd.s32 s1, s30  }
0xbe: {  	s0 =	sor.u32 s3, s0;
	s1 =	sshll.u32 s1, $0x11  }
0xbf: {  	s0 =	sor.u32 s1, s0  }
0xc0: {  	s0 =	sadd.s32 $0x8F2B, s0  }
0xc1: {  	[sflag:s0] =	ssyncadd.remote.s32 $0x1  }
0xc2: {  	_ =	sfence.sel $0xFFFF  }
0xc3: {  	[dreg:$0x0] =	wrdreg $0xFFFFFFFF;
	(pc) =	sbr.abs _section_cstart, $3  }
0xc4: {  	[dreg:$0x1] =	wrdreg $0xFFFFFFFF  }
0xc5: {  	_ =	task.clear_ibuf [dreg:s9], $0x2FFFF;
	_ =	strace $0x9FFFFFFF  }
0xc6: {  	(tm) =	ssettm $0x7FFFFFFF  }
0xc7: {  	_ =	shalt  }
tec
execute0_lowered:
.L_overlay_start_1:
0x0: {  	(tag) =	ssettag $0x1  }
0x1: {  	s1 =	rddreg [dreg:$0x0]  }
0x2: {  	s2 =	rddreg [dreg:$0x1]  }
0x3: {  	s0 =	rddreg [dreg:$0x2]  }
0x4: {  	s3 =	rddreg [dreg:$0x3];
	s5 =	simm.s32 $0x0;
	s4 =	srdreg.scid  }
0x5: {  	s6 =	stileid.u32;
	s16 =	simm.s32 $0x400;
	s17 =	simm.s32 $0xC3800  }
0x6: {  	s18 =	simm.s32 $0xA100;
	s19 =	simm.s32 $0x3;
	s20 =	simm.s32 $0x1000  }
0x7: {  	s21 =	simm.s32 $0x2000;
	s22 =	simm.s32 $0x6080;
	s28 =	simm.s32 $0x1C200  }
0x8: {  	s29 =	simm.s32 $0x1A100;
	[smem:$0x7FF] =	sst s5;
	s4 =	sand.u32 $0x1, s4  }
0x9: {  	s7 =	sshll.u32 s6, $0x1;
	s6 =	sadd.s32 $0x400, s0;
	s26 =	sadd.s32 $0x18A80, s0  }
0xa: {  	s30 =	sadd.s32 $0xDC280, s0;
	_ =	strace $0x80000047;
	[dreg:$0x6] =	wrdreg s26  }
0xb: {  	s31 =	sadd.s32 $0x19FA80, s0;
	s0 =	sadd.s32 $0x263280, s0;
	[dreg:$0x7] =	wrdreg s30  }
0xc: {  	s8 =	ssub.s32 $0x2, s4;
	s7 =	sor.u32 s4, s7;
	[dreg:$0x8] =	wrdreg s31  }
0xd: {  	[dreg:$0x9] =	wrdreg s0;
	s26 =	simm.s32 $0x1D200;
	s9 =	sshrl.u32 s8, $0x1  }
.Ltmp0:
0xe: {  	s24 =	sshll.u32 s7, $0x7;
	s25 =	ssub.s32 $0x32C, s7;
	(pc) =	sbr.rel .LBB2_1-.Ltmp0, $4  }
0xf: {  	p0 =	slt.u32 s7, $0xD;
	s10 =	sshll.u32 s7, $0xA;
	s23 =	ssub.s32 s8, s9  }
0x10: {  	s8 =	sadd.s32 s6, s24;
	s9 =	sshrl.u32 s25, $0x5;
	s24 =	simm.s32 $0x1C100  }
0x11: {  	v0 =	vlaneseq.u32;
	s25 =	simm.s32 $0x1C180;
	[dreg:$0x5] =	wrdreg s8;
	s9 =	simm.s32 @p0 $0x19  }
0x12: {  	v2 =	vimm.s32 $0x0;
	v3 =	vmul.u32 $0x80, v0;
	v1 =	vmov s7;
	s11 =	smax.u32 s23, $0x1;
	s23 =	simm.s32 $0x1;
	p0 =	sne.s32 s7, $0xD  }
.LBB2_37:
0x13: {  	p1 =	slt.s32 s30, $0x1  }
0x14: {  	s0 =	simm.s32 @!p1 $0x2  }
0x15: {  	_ =	swait.ge @!p1 [sflag:s0], $0x800  }
0x16: {  	s5 =	sadd.s32 $0x1, s5;
	p2 =	seq.s32 @!p1 s30, $0x1;
	[sflag:s0] =	ssyncset.done @!p1 $0x0  }
0x17: {  	p2 =	por p2, p1;
	[sflag:s0] =	ssyncadd.s32 @!p1 $0xFFFFF800;
	p1 =	sne.s32 s5, s11  }
.Ltmp1:
0x18: {  	_ = 	snop;
	(pc) =	sbr.rel @!p1 .LBB2_38-.Ltmp1, $4  }
0x19: {  	s0 =	simm.s32 @!p2 $0x2  }
0x1a: {  	_ =	swait.ge @!p2 [sflag:s0], $0x800  }
0x1b: {  	[sflag:s0] =	ssyncset.done @!p2 $0x0  }
0x1c: {  	[sflag:s0] =	ssyncadd.s32 @!p2 $0xFFFFF800  }
.LBB2_1:
0x1d: {  	s0 =	rddreg [dreg:$0x5]  }
0x1e: {  	[tilespmem:s18], [sflag:$0x1] =	stream.strided.gather [hbm4b:s0+s16], $0x8000, s17, s16, $0x38;
	[tilespmem:$0x1D300] =	vst v63  }
0x1f: {  	s4 =	simm.s32 $0x0;
	s12 =	simm.s32 $0x0;
	s0 =	simm.s32 $0x0  }
.LBB2_2:
0x20: {  	s8 =	sshll.u32 s12, $0x9  }
0x21: {  	s14 =	simm.s32 $0x0;
	s13 =	sadd.s32 s1, s8  }
0x22: {  	[tilespmem:s14], [sflag:$0x3] =	stream.linear.gather [hbm4b:s13+s14], $0x1000, $0x38;
	[tilespmem:$0x1D300] =	vst v63  }
0x23: {  	_ =	swait.ge [sflag:s19], $0x1000  }
0x24: {  	[sflag:s19] =	ssyncset.done $0x0  }
0x25: {  	s8 =	sadd.s32 s2, s8;
	[sflag:s19] =	ssyncadd.s32 $0xFFFFF000  }
0x26: {  	[tilespmem:s20], [sflag:$0x3] =	stream.linear.gather [hbm4b:s8+s14], $0x1000, $0x38;
	[tilespmem:$0x1D300] =	vst v63  }
0x27: {  	_ =	swait.ge [sflag:s19], $0x1000  }
0x28: {  	[sflag:s19] =	ssyncset.done $0x0  }
0x29: {  	s31 =	simm.s32 $0x0;
	[sflag:s19] =	ssyncadd.s32 $0xFFFFF000  }
0x2a: {  	v4 =	vld [tilespmem:s31+$0x0];
	_ =	sdelay $0x4  }
0x2b: {  	v5 =	vshrl.u32 v4, $0x7  }
0x2c: {  	v5 =	vand.u32 $0x1F, v5  }
0x2d: {  	vm0 =	veq.s32 v5, v1  }
0x2e: {  	v5 =	vsel vm0, $0x1, v2  }
0x2f: {  	(xrf0) =	vadd.scan.msk.s32 $0xffff, v5;
	_ =	sdelay $0x2  }
0x30: {  	v5 =	vmov s4  }
0x31: {  	v5 =	vadd.s32 $0xFFFFFFFF, v5  }
0x32: {  	v5 =	vbroadcast v5, $0x0  }
0x33: {  	v6 =	vld [tilespmem:s31+$0x1000];
	v7, _, _ =	vpop (xrf0)  }
0x34: {  	v5 =	vadd.s32 v7, v5;
	(v2sf) =	vpush v7, $0xF;
	_ =	sdelay $0x3  }
0x35: {  	v6 =	vshll.u32 v6, $0x11;
	v7 =	vor.u32 s0, v0  }
0x36: {  	v4 =	vor.u32 v4, v6;
	[tilespmem:v5+s21+$0x0] =	vst.idx.msk vm0, v7  }
0x37: {  	s30 =	simm.s32 $0x10;
	[tilespmem:v5+s22+$0x0] =	vst.idx.msk vm0, v4  }
0x38: {  	v4 =	vld [tilespmem:s30+$0x0];
	_ =	sdelay $0x4  }
0x39: {  	v5 =	vshrl.u32 v4, $0x7  }
0x3a: {  	v5 =	vand.u32 $0x1F, v5  }
0x3b: {  	vm0 =	veq.s32 v5, v1  }
0x3c: {  	s13 =	smov.u32 s0;
	s8 =	simm.s32 $0x80;
	v5 =	vsel vm0, $0x1, v2;
	s14 =	spop (v2sf)  }
.LBB2_3:
0x3d: {  	s4 =	sadd.s32 s4, s14  }
0x3e: {  	(xrf0) =	vadd.scan.msk.s32 $0xffff, v5;
	s13 =	sadd.s32 $0x10, s13;
	s14 =	smov.u32 s8;
	s15 =	sadd.s32 $0x40, s8  }
0x3f: {  	p1 =	sne.s32 s8, $0x3FC0;
	v5 =	vmov s4  }
0x40: {  	v5 =	vadd.s32 $0xFFFFFFFF, v5;
	_ =	sdelay $0x2  }
0x41: {  	v5 =	vbroadcast v5, $0x0  }
0x42: {  	v6 =	vld [tilespmem:s30+$0x1000];
	v7, _, _ =	vpop (xrf0)  }
0x43: {  	v5 =	vadd.s32 v7, v5;
	(v2sf) =	vpush v7, $0xF;
	_ =	sdelay $0x3  }
0x44: {  	v7 =	vor.u32 s13, v0;
	v6 =	vshll.u32 v6, $0x11  }
0x45: {  	v4 =	vor.u32 v4, v6;
	[tilespmem:v5+s21+$0x0] =	vst.idx.msk vm0, v7  }
0x46: {  	s30 =	sshra.s32 s14, $0x2;
	[tilespmem:v5+s22+$0x0] =	vst.idx.msk vm0, v4  }
0x47: {  	v4 =	vld [tilespmem:s30+$0x0];
	_ =	sdelay $0x3  }
.Ltmp2:
0x48: {  	(pc) =	sbr.rel @p1 .LBB2_3-.Ltmp2, $4  }
0x49: {  	v5 =	vshrl.u32 v4, $0x7  }
0x4a: {  	v5 =	vand.u32 $0x1F, v5  }
0x4b: {  	vm0 =	veq.s32 v5, v1  }
0x4c: {  	s8 =	smov.u32 s15;
	v5 =	vsel vm0, $0x1, v2;
	s14 =	spop (v2sf)  }
0x4d: {  	(xrf0) =	vadd.scan.msk.s32 $0xffff, v5;
	_ =	sdelay $0x5  }
0x4e: {  	v5, _, _ =	vpop (xrf0)  }
0x4f: {  	(v2sf) =	vpush v5, $0xF;
	_ =	sdelay $0x4  }
0x50: {  	s4 =	sadd.s32 s4, s14  }
0x51: {  	v6 =	vmov s4  }
0x52: {  	v6 =	vadd.s32 $0xFFFFFFFF, v6  }
0x53: {  	v6 =	vbroadcast v6, $0x0  }
0x54: {  	v7 =	vld [tilespmem:s30+$0x1000]  }
0x55: {  	s12 =	sadd.s32 $0x1, s12;
	v5 =	vadd.s32 v5, v6  }
0x56: {  	p1 =	sne.s32 s12, $0x4  }
.Ltmp3:
0x57: {  	_ = 	snop;
	(pc) =	sbr.rel @p1 .LBB2_2-.Ltmp3, $4  }
0x58: {  	s8 =	sadd.s32 $0x10, s13  }
0x59: {  	v63 =	vor.u32 s8, v0;
	v7 =	vshll.u32 v7, $0x11  }
0x5a: {  	v4 =	vor.u32 v4, v7;
	[tilespmem:v5+s21+$0x0] =	vst.idx.msk vm0, v63;
	s31 =	spop (v2sf)  }
0x5b: {  	s0 =	sadd.s32 $0x1000, s0;
	[tilespmem:v5+s22+$0x0] =	vst.idx.msk vm0, v4;
	s4 =	sadd.s32 s4, s31  }
0x5c: {  	s0 =	sadd.s32 $0xF, s4  }
0x5d: {  	s8 =	sand.u32 $0xF, s0  }
0x5e: {  	s15 =	sshra.s32 s0, $0x1F;
	p2 =	slt.s32 s0, $0x1;
	p1 =	sne.s32 s8, $0x0  }
.Ltmp4:
0x5f: {  	s8 =	sshrl.u32 s15, $0x1C;
	p1 =	por !p2, !p1;
	(pc) =	sbr.rel .LBB2_6-.Ltmp4, $4  }
0x60: {  	s0 =	sadd.s32 s8, s0;
	s8 =	simm.s32 $0x1;
	p1 =	por !p1, !p1  }
0x61: {  	s0 =	sshra.s32 s0, $0x4;
	s8 =	simm.s32 @!p1 $0x0  }
0x62: {  	s31 =	ssub.s32 s0, s8  }
0x63: {  	v4 =	vmov s4;
	s30 =	simm.s32 $0x0;
	s0 =	simm.s32 $0x0;
	p1 =	slt.s32 s31, $0x1  }
.LBB2_17:
0x64: {  	p2 =	sne.s32 s0, s9  }
.Ltmp5:
0x65: {  	_ = 	snop;
	(pc) =	sbr.rel @!p2 .LBB2_18-.Ltmp5, $1  }
0x66: {  	_ =	sdelay $0x3  }
.LBB2_6:
0x67: {  	s4 =	smov.u32 s0;
	s0 =	sadd.s32 $0x1, s0  }
0x68: {  	s8 =	sand.u32 $0x1, s4;
	p2 =	sge.u32 s0, s9  }
0x69: {  	p3 =	sne.s32 @!p2 s8, $0x0  }
0x6a: {  	_ =	swait.ge [sflag:s23], $0x8000;
	p3 =	por p3, p2  }
0x6b: {  	[sflag:s23] =	ssyncset.done $0x0;
	s12 =	sshll.u32 @!p3 s0, $0xF  }
0x6c: {  	[sflag:s23] =	ssyncadd.s32 $0xFFFF8000;
	p6 =	seq.s32 s8, $0x1;
	s12 =	sor.u32 @!p3 s10, s12  }
0x6d: {  	p2 =	por !p6, p2;
	s13 =	simm.s32 @!p3 $0x400;
	s12 =	sshrl.u32 @!p3 s12, $0x3  }
0x6e: {  	s14 =	simm.s32 @!p3 $0xC3800;
	s15 =	simm.s32 @!p3 $0x12100;
	s12 =	sadd.s32 @!p3 s6, s12  }
0x6f: {  	[tilespmem:s15], [sflag:$0x1] =	stream.strided.gather @!p3 [hbm4b:s12+s13], $0x8000, s14, s13, $0x38;
	[tilespmem:$0x1D300] =	vst v63  }
.Ltmp6:
0x70: {  	s12 =	sshll.u32 @!p2 s0, $0xF;
	(pc) =	sbr.rel @p1 .LBB2_17-.Ltmp6, $4  }
0x71: {  	s12 =	sor.u32 @!p2 s10, s12  }
0x72: {  	s13 =	simm.s32 @!p2 $0x400;
	s12 =	sshrl.u32 @!p2 s12, $0x3  }
0x73: {  	s14 =	simm.s32 @!p2 $0xC3800;
	s15 =	simm.s32 @!p2 $0xA100;
	s12 =	sadd.s32 @!p2 s6, s12  }
0x74: {  	[tilespmem:s15], [sflag:$0x1] =	stream.strided.gather @!p2 [hbm4b:s12+s13], $0x8000, s14, s13, $0x38;
	[tilespmem:$0x1D300] =	vst v63  }
.Ltmp7:
0x75: {  	(pc) =	sbr.rel .LBB2_8-.Ltmp7, $4  }
0x76: {  	_ = 	snop  }
0x77: {  	s4 =	sshll.u32 s4, $0x5  }
0x78: {  	s8 =	sshll.u32 s8, $0xF;
	s4 =	sor.u32 s7, s4  }
0x79: {  	s12 =	simm.s32 $0x0;
	v5 =	vmov s8;
	v6 =	vmov s4;
	s4 =	simm.s32 $0x0  }
.LBB2_11:
0x7a: {  	v11 =	vshll.u32 v11, $0x7;
	v12 =	vor.u32 s15, v9  }
0x7b: {  	v11 =	vadd.s32 v8, v11;
	_ =	sdelay $0x2  }
0x7c: {  	s8 =	sadd.s32 $0x1, s14  }
0x7d: {  	v7 =	vadd.s32 s8, v7;
	[tilespmem:v12+s28+$0x0] =	vst.idx.msk $0xffff, v10  }
0x7e: {  	v63 =	vor.u32 s14, v9;
	v7 =	vshll.u32 v7, $0x7;
	v10 =	vld.idx.msk [tilespmem:v11+s18+$0x0], $0xffff  }
0x7f: {  	v7 =	vadd.s32 v8, v7;
	_ =	sdelay $0x3  }
0x80: {  	[tilespmem:v63+s28+$0x0] =	vst.idx.msk $0xffff, v10  }
0x81: {  	v8 =	vor.u32 s8, v9;
	v7 =	vld.idx.msk [tilespmem:v7+s18+$0x0], $0xffff;
	_ =	sdelay $0x3  }
0x82: {  	p2 =	seq.s32 s13, $0x1  }
0x83: {  	s13 =	simm.s32 @p2 $0x1D280;
	s14 =	simm.s32 @p2 $0x1CA00;
	s8 =	simm.s32 @p2 $0x10;
	[tilespmem:v8+s28+$0x0] =	vst.idx.msk $0xffff, v7  }
0x84: {  	[hbm4b:s3+s8] =	stream.indirect.scatter @p2 [tilespmem:s14], [sflag:$0x2], $0x80, s13, s8, $0xb8;
	[tilespmem:$0x1D300] =	vst v63  }
0x85: {  	s8 =	simm.s32 @!p2 $0x10;
	s13 =	simm.s32 @!p2 $0x1D200;
	s14 =	simm.s32 @!p2 $0x1C200  }
0x86: {  	[hbm4b:s3+s8] =	stream.indirect.scatter @!p2 [tilespmem:s14], [sflag:$0x2], $0x80, s13, s8, $0xb8;
	[tilespmem:$0x1D300] =	vst v63  }
0x87: {  	v7 =	vld [tilespmem:$0x1C110]  }
0x88: {  	v8 =	vld [tilespmem:$0x1C190];
	_ =	sdelay $0x3  }
0x89: {  	[tilespmem:$0x1C100] =	vst v7  }
0x8a: {  	s30 =	sadd.s32 $0x1, s30;
	s4 =	sadd.s32 $0xFFFFFFF0, s4;
	[tilespmem:$0x1C180] =	vst v8  }
.LBB2_12:
0x8b: {  	s12 =	sadd.s32 $0x1, s12  }
0x8c: {  	p2 =	sne.s32 s12, s31  }
.Ltmp8:
0x8d: {  	_ = 	snop;
	(pc) =	sbr.rel @!p2 .LBB2_13-.Ltmp8, $1  }
0x8e: {  	_ =	sdelay $0x3  }
.LBB2_8:
0x8f: {  	s8 =	sshll.u32 s12, $0x4  }
0x90: {  	v7 =	vld [tilespmem:s8+$0x6080];
	_ =	sdelay $0x4  }
0x91: {  	v8 =	vshrl.u32 v7, $0x7  }
0x92: {  	v9 =	vor.u32 s8, v0;
	v8 =	vand.u32 $0x3FF, v8  }
0x93: {  	vm0 =	vlt.s32 v9, v4;
	vm1 =	veq.s32 v8, v6  }
0x94: {  	vm0 =	vmand vm0, vm1  }
0x95: {  	v8 =	vsel vm0, $0x1, v2  }
0x96: {  	(xrf0) =	vadd.scan.msk.s32 $0xffff, v8;
	_ =	sdelay $0x5  }
0x97: {  	v8, _, _ =	vpop (xrf0)  }
0x98: {  	(v2sf) =	vpush v8, $0xF;
	_ =	sdelay $0xb  }
0x99: {  	v63 =	vmov s4  }
0x9a: {  	v9 =	vadd.s32 $0xFFFFFFFF, v63  }
0x9b: {  	v9 =	vbroadcast v9, $0x0  }
0x9c: {  	s15 =	spop (v2sf)  }
0x9d: {  	v10 =	vld [tilespmem:s8+$0x2000];
	v8 =	vadd.s32 v8, v9;
	s4 =	sadd.s32 s4, s15  }
0x9e: {  	p2 =	slt.s32 s4, $0x10  }
.Ltmp9:
0x9f: {  	_ = 	snop;
	(pc) =	sbr.rel @p2 .LBB2_12-.Ltmp9, $3  }
0xa0: {  	_ =	sdelay $0x1  }
0xa1: {  	[tilespmem:v8+s24+$0x0] =	vst.idx.msk vm0, v10  }
0xa2: {  	[tilespmem:v8+s25+$0x0] =	vst.idx.msk vm0, v7  }
0xa3: {  	p2 =	slt.s32 s30, $0x2  }
0xa4: {  	s8 =	simm.s32 @!p2 $0x2  }
0xa5: {  	_ =	swait.ge @!p2 [sflag:s8], $0x800  }
0xa6: {  	[sflag:s8] =	ssyncset.done @!p2 $0x0  }
0xa7: {  	[sflag:s8] =	ssyncadd.s32 @!p2 $0xFFFFF800  }
0xa8: {  	v8 =	vld [tilespmem:$0x1C180];
	_ =	sdelay $0x4  }
0xa9: {  	s13 =	sand.u32 $0x1, s30;
	v7 =	vshrl.u32 v8, $0xB  }
0xaa: {  	s14 =	simm.s32 $0x0;
	v9 =	vmov s13;
	v7 =	vand.u32 $0x1FFFC0, v7  }
0xab: {  	v10 =	vshll.u32 v9, $0x7;
	v8 =	vand.u32 $0x7F, v8;
	v11 =	vadd.s32 s14, v7  }
0xac: {  	v10 =	vor.u32 v0, v10;
	v12 =	vld [tilespmem:$0x1C100];
	v8 =	vor.u32 v8, v5;
	v11 =	vshll.u32 v11, $0x7  }
0xad: {  	v11 =	vadd.s32 v8, v11;
	_ =	sdelay $0x2  }
0xae: {  	s15 =	simm.s32 $0x1;
	v9 =	vshll.u32 v9, $0xB  }
0xaf: {  	v9 =	vor.u32 v3, v9;
	[tilespmem:v10+s26+$0x0] =	vst.idx.msk $0xffff, v12;
	v10 =	vadd.s32 s15, v7  }
0xb0: {  	v63 =	vor.u32 s14, v9;
	v10 =	vshll.u32 v10, $0x7;
	v11 =	vld.idx.msk [tilespmem:v11+s18+$0x0], $0xffff  }
0xb1: {  	v10 =	vadd.s32 v8, v10;
	_ =	sdelay $0x3  }
0xb2: {  	s14 =	simm.s32 $0x2;
	[tilespmem:v63+s28+$0x0] =	vst.idx.msk $0xffff, v11  }
0xb3: {  	s8 =	simm.s32 $0x4;
	v11 =	vadd.s32 s14, v7;
	v10 =	vld.idx.msk [tilespmem:v10+s18+$0x0], $0xffff  }
.LBB2_10:
0xb4: {  	p2 =	sne.s32 s8, $0x3E;
	v11 =	vshll.u32 v11, $0x7;
	v12 =	vor.u32 s15, v9  }
0xb5: {  	v11 =	vadd.s32 v8, v11;
	_ =	sdelay $0x3  }
0xb6: {  	s15 =	sadd.s32 $0x1, s14;
	[tilespmem:v12+s28+$0x0] =	vst.idx.msk $0xffff, v10  }
0xb7: {  	v10 =	vld.idx.msk [tilespmem:v11+s18+$0x0], $0xffff;
	v11 =	vadd.s32 s15, v7  }
0xb8: {  	v12 =	vor.u32 s14, v9;
	s14 =	smov.u32 s8;
	v11 =	vshll.u32 v11, $0x7  }
0xb9: {  	v13 =	vadd.s32 v8, v11  }
.Ltmp10:
0xba: {  	(pc) =	sbr.rel @p2 .LBB2_10-.Ltmp10, $3  }
0xbb: {  	_ =	sdelay $0x1  }
0xbc: {  	[tilespmem:v12+s28+$0x0] =	vst.idx.msk $0xffff, v10  }
0xbd: {  	s8 =	sadd.s32 $0x2, s8;
	v11 =	vadd.s32 s14, v7;
	v10 =	vld.idx.msk [tilespmem:v13+s18+$0x0], $0xffff  }
.Ltmp11:
0xbe: {  	_ = 	snop;
	(pc) =	sbr.rel .LBB2_11-.Ltmp11, $1  }
0xbf: {  	_ =	sdelay $0x3  }
.LBB2_13:
0xc0: {  	p2 =	slt.s32 s4, $0x1  }
.Ltmp12:
0xc1: {  	_ = 	snop;
	(pc) =	sbr.rel @p2 .LBB2_17-.Ltmp12, $1  }
0xc2: {  	_ =	sdelay $0x3  }
0xc3: {  	p2 =	slt.s32 s30, $0x2  }
0xc4: {  	s8 =	simm.s32 @!p2 $0x2  }
0xc5: {  	_ =	swait.ge @!p2 [sflag:s8], $0x800  }
0xc6: {  	[sflag:s8] =	ssyncset.done @!p2 $0x0  }
0xc7: {  	[sflag:s8] =	ssyncadd.s32 @!p2 $0xFFFFF800  }
0xc8: {  	v6 =	vld [tilespmem:$0x1C180]  }
0xc9: {  	v7 =	vld.msk [tilespmem:s4+$0x1C17F ss:$0x0], $0xffff;
	_ =	sdelay $0x2  }
0xca: {  	v8 =	vmov s4  }
0xcb: {  	vm0 =	vgt.s32 v8, v0  }
0xcc: {  	v7 =	vsel vm0, v6, v7  }
0xcd: {  	s12 =	sand.u32 $0x1, s30;
	v6 =	vshrl.u32 v7, $0xB  }
0xce: {  	s15 =	simm.s32 $0x0;
	v9 =	vmov s12;
	v8 =	vld [tilespmem:$0x1C100];
	v6 =	vand.u32 $0x1FFFC0, v6  }
0xcf: {  	v11 =	vshll.u32 v9, $0x7;
	v10 =	vld.msk [tilespmem:s4+$0x1C0FF ss:$0x0], $0xffff;
	v7 =	vand.u32 $0x7F, v7;
	v12 =	vadd.s32 s15, v6  }
0xd0: {  	v5 =	vor.u32 v7, v5;
	v7 =	vor.u32 v0, v11;
	v11 =	vshll.u32 v12, $0x7  }
0xd1: {  	v11 =	vadd.s32 v5, v11;
	_ =	sdelay $0x2  }
0xd2: {  	s13 =	simm.s32 $0x1;
	v9 =	vshll.u32 v9, $0xB;
	v8 =	vsel vm0, v8, v10  }
0xd3: {  	[tilespmem:v7+s26+$0x0] =	vst.idx.msk $0xffff, v8;
	v7 =	vor.u32 v3, v9;
	v8 =	vadd.s32 s13, v6  }
0xd4: {  	v10 =	vor.u32 s15, v7;
	v8 =	vshll.u32 v8, $0x7;
	v9 =	vld.idx.msk [tilespmem:v11+s18+$0x0], $0xffff  }
0xd5: {  	v8 =	vadd.s32 v5, v8;
	_ =	sdelay $0x3  }
0xd6: {  	s4 =	simm.s32 $0x2;
	[tilespmem:v10+s28+$0x0] =	vst.idx.msk $0xffff, v9  }
0xd7: {  	s8 =	simm.s32 $0x4;
	v9 =	vadd.s32 s4, v6;
	v8 =	vld.idx.msk [tilespmem:v8+s18+$0x0], $0xffff  }
.LBB2_15:
0xd8: {  	p2 =	sne.s32 s8, $0x3E;
	v9 =	vshll.u32 v9, $0x7;
	v10 =	vor.u32 s13, v7  }
0xd9: {  	v9 =	vadd.s32 v5, v9;
	_ =	sdelay $0x3  }
0xda: {  	s13 =	sadd.s32 $0x1, s4;
	[tilespmem:v10+s28+$0x0] =	vst.idx.msk $0xffff, v8  }
0xdb: {  	v8 =	vld.idx.msk [tilespmem:v9+s18+$0x0], $0xffff;
	v9 =	vadd.s32 s13, v6  }
0xdc: {  	v10 =	vor.u32 s4, v7;
	s4 =	smov.u32 s8;
	v9 =	vshll.u32 v9, $0x7  }
0xdd: {  	v11 =	vadd.s32 v5, v9  }
.Ltmp13:
0xde: {  	(pc) =	sbr.rel @p2 .LBB2_15-.Ltmp13, $3  }
0xdf: {  	_ =	sdelay $0x1  }
0xe0: {  	[tilespmem:v10+s28+$0x0] =	vst.idx.msk $0xffff, v8  }
0xe1: {  	s8 =	sadd.s32 $0x2, s8;
	v9 =	vadd.s32 s4, v6;
	v8 =	vld.idx.msk [tilespmem:v11+s18+$0x0], $0xffff  }
0xe2: {  	v9 =	vshll.u32 v9, $0x7;
	v10 =	vor.u32 s13, v7  }
0xe3: {  	v9 =	vadd.s32 v5, v9;
	_ =	sdelay $0x2  }
0xe4: {  	s8 =	sadd.s32 $0x1, s4  }
0xe5: {  	v6 =	vadd.s32 s8, v6;
	[tilespmem:v10+s28+$0x0] =	vst.idx.msk $0xffff, v8  }
0xe6: {  	v63 =	vor.u32 s4, v7;
	v6 =	vshll.u32 v6, $0x7;
	v8 =	vld.idx.msk [tilespmem:v9+s18+$0x0], $0xffff  }
0xe7: {  	v5 =	vadd.s32 v5, v6;
	_ =	sdelay $0x3  }
0xe8: {  	[tilespmem:v63+s28+$0x0] =	vst.idx.msk $0xffff, v8  }
0xe9: {  	v6 =	vor.u32 s8, v7;
	v5 =	vld.idx.msk [tilespmem:v5+s18+$0x0], $0xffff;
	_ =	sdelay $0x3  }
.Ltmp14:
0xea: {  	p2 =	seq.s32 s12, $0x1;
	s30 =	sadd.s32 $0x1, s30;
	(pc) =	sbr.rel .LBB2_17-.Ltmp14, $4  }
0xeb: {  	s4 =	simm.s32 @p2 $0x10;
	s12 =	simm.s32 @p2 $0x1CA00;
	s8 =	simm.s32 @p2 $0x1D280;
	[tilespmem:v6+s28+$0x0] =	vst.idx.msk $0xffff, v5  }
0xec: {  	[hbm4b:s3+s4] =	stream.indirect.scatter @p2 [tilespmem:s12], [sflag:$0x2], $0x80, s8, s4, $0xb8;
	[tilespmem:$0x1D300] =	vst v63  }
0xed: {  	s4 =	simm.s32 @!p2 $0x10;
	s8 =	simm.s32 @!p2 $0x1D200;
	s12 =	simm.s32 @!p2 $0x1C200  }
0xee: {  	[hbm4b:s3+s4] =	stream.indirect.scatter @!p2 [tilespmem:s12], [sflag:$0x2], $0x80, s8, s4, $0xb8;
	[tilespmem:$0x1D300] =	vst v63  }
.LBB2_18:
.Ltmp15:
0xef: {  	(pc) =	sbr.rel @p0 .LBB2_37-.Ltmp15, $1  }
0xf0: {  	_ =	sdelay $0x3  }
0xf1: {  	s0 =	rddreg [dreg:$0x6]  }
0xf2: {  	[tilespmem:s29], [sflag:$0x3] =	stream.strided.gather [hbm4b:s0+s16], $0x2000, s17, s16, $0x38;
	[tilespmem:$0x1D300] =	vst v63  }
0xf3: {  	_ =	swait.ge [sflag:s19], $0x2000  }
0xf4: {  	[sflag:s19] =	ssyncset.done $0x0  }
0xf5: {  	s0 =	simm.s32 $0x0;
	[sflag:s19] =	ssyncadd.s32 $0xFFFFE000  }
0xf6: {  	v5 =	vld [tilespmem:s0+$0x1A110]  }
0xf7: {  	s4 =	simm.s32 $0x200;
	v6 =	vld [tilespmem:s0+$0x1A100]  }
.LBB2_20:
0xf8: {  	p2 =	sne.s32 s4, $0x7E00  }
.Ltmp16:
0xf9: {  	_ = 	snop;
	(pc) =	sbr.rel @p2 .LBB2_20-.Ltmp16, $4  }
0xfa: {  	_ = 	snop  }
0xfb: {  	s8 =	sshra.s32 s4, $0x2;
	s4 =	sadd.s32 $0x200, s4;
	[tilespmem:s0+$0xA110] =	vst v5  }
0xfc: {  	v5 =	vld [tilespmem:s8+$0x1A110];
	[tilespmem:s0+$0xA100] =	vst v6;
	s0 =	smov.u32 s8  }
0xfd: {  	v6 =	vld [tilespmem:s0+$0x1A100]  }
0xfe: {  	_ =	sdelay $0x2  }
0xff: {  	[tilespmem:s0+$0xA110] =	vst v5  }
0x100: {  	s15 =	rddreg [dreg:$0x7];
	[tilespmem:s0+$0xA100] =	vst v6  }
0x101: {  	[tilespmem:s29], [sflag:$0x3] =	stream.strided.gather [hbm4b:s15+s16], $0x2000, s17, s16, $0x38;
	[tilespmem:$0x1D300] =	vst v63  }
0x102: {  	_ =	swait.ge [sflag:s19], $0x2000  }
0x103: {  	[sflag:s19] =	ssyncset.done $0x0  }
0x104: {  	s0 =	simm.s32 $0x0;
	[sflag:s19] =	ssyncadd.s32 $0xFFFFE000  }
0x105: {  	v5 =	vld [tilespmem:s0+$0x1A110]  }
0x106: {  	s4 =	simm.s32 $0x200;
	v6 =	vld [tilespmem:s0+$0x1A100]  }
.LBB2_22:
0x107: {  	p2 =	sne.s32 s4, $0x7E00  }
.Ltmp17:
0x108: {  	_ = 	snop;
	(pc) =	sbr.rel @p2 .LBB2_22-.Ltmp17, $4  }
0x109: {  	_ = 	snop  }
0x10a: {  	s8 =	sshra.s32 s4, $0x2;
	s4 =	sadd.s32 $0x200, s4;
	[tilespmem:s0+$0xC110] =	vst v5  }
0x10b: {  	v5 =	vld [tilespmem:s8+$0x1A110];
	[tilespmem:s0+$0xC100] =	vst v6;
	s0 =	smov.u32 s8  }
0x10c: {  	v6 =	vld [tilespmem:s0+$0x1A100]  }
0x10d: {  	_ =	sdelay $0x2  }
0x10e: {  	[tilespmem:s0+$0xC110] =	vst v5  }
0x10f: {  	s15 =	rddreg [dreg:$0x8];
	[tilespmem:s0+$0xC100] =	vst v6  }
0x110: {  	[tilespmem:s29], [sflag:$0x3] =	stream.strided.gather [hbm4b:s15+s16], $0x2000, s17, s16, $0x38;
	[tilespmem:$0x1D300] =	vst v63  }
0x111: {  	_ =	swait.ge [sflag:s19], $0x2000  }
0x112: {  	[sflag:s19] =	ssyncset.done $0x0  }
0x113: {  	s0 =	simm.s32 $0x0;
	[sflag:s19] =	ssyncadd.s32 $0xFFFFE000  }
0x114: {  	v5 =	vld [tilespmem:s0+$0x1A110]  }
0x115: {  	s4 =	simm.s32 $0x200;
	v6 =	vld [tilespmem:s0+$0x1A100]  }
.LBB2_24:
0x116: {  	p2 =	sne.s32 s4, $0x7E00  }
.Ltmp18:
0x117: {  	_ = 	snop;
	(pc) =	sbr.rel @p2 .LBB2_24-.Ltmp18, $4  }
0x118: {  	_ = 	snop  }
0x119: {  	s8 =	sshra.s32 s4, $0x2;
	s4 =	sadd.s32 $0x200, s4;
	[tilespmem:s0+$0xE110] =	vst v5  }
0x11a: {  	v5 =	vld [tilespmem:s8+$0x1A110];
	[tilespmem:s0+$0xE100] =	vst v6;
	s0 =	smov.u32 s8  }
0x11b: {  	v6 =	vld [tilespmem:s0+$0x1A100]  }
0x11c: {  	_ =	sdelay $0x2  }
0x11d: {  	[tilespmem:s0+$0xE110] =	vst v5  }
0x11e: {  	s15 =	rddreg [dreg:$0x9];
	[tilespmem:s0+$0xE100] =	vst v6  }
0x11f: {  	[tilespmem:s29], [sflag:$0x3] =	stream.strided.gather [hbm4b:s15+s16], $0x2000, s17, s16, $0x38;
	[tilespmem:$0x1D300] =	vst v63  }
0x120: {  	_ =	swait.ge [sflag:s19], $0x2000  }
0x121: {  	[sflag:s19] =	ssyncset.done $0x0  }
0x122: {  	s0 =	simm.s32 $0x0;
	[sflag:s19] =	ssyncadd.s32 $0xFFFFE000  }
0x123: {  	v5 =	vld [tilespmem:s0+$0x1A110]  }
0x124: {  	s4 =	simm.s32 $0x200;
	v6 =	vld [tilespmem:s0+$0x1A100]  }
.LBB2_26:
0x125: {  	p2 =	sne.s32 s4, $0x7E00  }
.Ltmp19:
0x126: {  	_ = 	snop;
	(pc) =	sbr.rel @p2 .LBB2_26-.Ltmp19, $4  }
0x127: {  	_ = 	snop  }
0x128: {  	s8 =	sshra.s32 s4, $0x2;
	s4 =	sadd.s32 $0x200, s4;
	[tilespmem:s0+$0x10110] =	vst v5  }
0x129: {  	v5 =	vld [tilespmem:s8+$0x1A110];
	[tilespmem:s0+$0x10100] =	vst v6;
	s0 =	smov.u32 s8  }
0x12a: {  	v6 =	vld [tilespmem:s0+$0x1A100]  }
.Ltmp20:
0x12b: {  	_ = 	snop;
	(pc) =	sbr.rel @!p1 .LBB2_28-.Ltmp20, $4  }
.Ltmp21:
0x12c: {  	_ = 	snop;
	(pc) =	sbr.rel @p1 .LBB2_37-.Ltmp21, $4  }
0x12d: {  	_ = 	snop  }
0x12e: {  	[tilespmem:s0+$0x10110] =	vst v5  }
0x12f: {  	s4 =	simm.s32 $0x0;
	[tilespmem:s0+$0x10100] =	vst v6;
	s0 =	simm.s32 $0x0  }
0x130: {  	_ = 	snop  }
.LBB2_32:
0x131: {  	s4 =	sadd.s32 $0x1, s4  }
0x132: {  	p1 =	sne.s32 s4, s31  }
.Ltmp22:
0x133: {  	_ = 	snop;
	(pc) =	sbr.rel @!p1 .LBB2_33-.Ltmp22, $1  }
0x134: {  	_ =	sdelay $0x3  }
.LBB2_28:
0x135: {  	s8 =	sshll.u32 s4, $0x4  }
0x136: {  	v5 =	vld [tilespmem:s8+$0x6080];
	_ =	sdelay $0x4  }
0x137: {  	v6 =	vor.u32 s8, v0;
	v7 =	vand.u32 $0x1FF80, v5  }
0x138: {  	vm0 =	vlt.s32 v6, v4;
	vm1 =	veq.s32 v7, $0x18680  }
0x139: {  	vm0 =	vmand vm0, vm1  }
0x13a: {  	v6 =	vsel vm0, $0x1, v2  }
0x13b: {  	(xrf0) =	vadd.scan.msk.s32 $0xffff, v6;
	_ =	sdelay $0x5  }
0x13c: {  	v6, _, _ =	vpop (xrf0)  }
0x13d: {  	(v2sf) =	vpush v6, $0xF;
	_ =	sdelay $0xb  }
0x13e: {  	v7 =	vmov s0  }
0x13f: {  	v7 =	vadd.s32 $0xFFFFFFFF, v7  }
0x140: {  	v7 =	vbroadcast v7, $0x0  }
0x141: {  	s15 =	spop (v2sf)  }
0x142: {  	v8 =	vld [tilespmem:s8+$0x2000];
	v6 =	vadd.s32 v6, v7;
	s0 =	sadd.s32 s0, s15  }
0x143: {  	p1 =	slt.s32 s0, $0x10  }
.Ltmp23:
0x144: {  	_ = 	snop;
	(pc) =	sbr.rel @p1 .LBB2_32-.Ltmp23, $3  }
0x145: {  	_ =	sdelay $0x1  }
0x146: {  	[tilespmem:v6+s24+$0x0] =	vst.idx.msk vm0, v8  }
0x147: {  	[tilespmem:v6+s25+$0x0] =	vst.idx.msk vm0, v5  }
0x148: {  	p1 =	slt.s32 s30, $0x2  }
0x149: {  	s8 =	simm.s32 @!p1 $0x2  }
0x14a: {  	_ =	swait.ge @!p1 [sflag:s8], $0x800  }
0x14b: {  	[sflag:s8] =	ssyncset.done @!p1 $0x0  }
0x14c: {  	[sflag:s8] =	ssyncadd.s32 @!p1 $0xFFFFF800  }
0x14d: {  	v6 =	vld [tilespmem:$0x1C180];
	_ =	sdelay $0x4  }
0x14e: {  	s12 =	sand.u32 $0x1, s30;
	v5 =	vshrl.u32 v6, $0xB  }
0x14f: {  	s15 =	simm.s32 $0x0;
	v7 =	vmov s12;
	v5 =	vand.u32 $0x1FFFC0, v5  }
0x150: {  	v8 =	vshll.u32 v7, $0x7;
	v9 =	vadd.s32 s15, v5  }
0x151: {  	v8 =	vor.u32 v0, v8;
	v10 =	vld [tilespmem:$0x1C100];
	v6 =	vand.u32 $0x7F, v6;
	v9 =	vshll.u32 v9, $0x7  }
0x152: {  	v9 =	vor.u32 v6, v9;
	_ =	sdelay $0x2  }
0x153: {  	s14 =	simm.s32 $0x1;
	v7 =	vshll.u32 v7, $0xB  }
0x154: {  	v7 =	vor.u32 v3, v7;
	[tilespmem:v8+s26+$0x0] =	vst.idx.msk $0xffff, v10;
	v8 =	vadd.s32 s14, v5  }
0x155: {  	v10 =	vor.u32 s15, v7;
	v8 =	vshll.u32 v8, $0x7;
	v9 =	vld.idx.msk [tilespmem:v9+s18+$0x0], $0xffff  }
0x156: {  	v8 =	vor.u32 v6, v8;
	_ =	sdelay $0x3  }
0x157: {  	s13 =	simm.s32 $0x2;
	[tilespmem:v10+s28+$0x0] =	vst.idx.msk $0xffff, v9  }
0x158: {  	s8 =	simm.s32 $0x4;
	v9 =	vadd.s32 s13, v5;
	v8 =	vld.idx.msk [tilespmem:v8+s18+$0x0], $0xffff  }
.LBB2_30:
0x159: {  	p1 =	sne.s32 s8, $0x3E;
	v9 =	vshll.u32 v9, $0x7;
	v10 =	vor.u32 s14, v7  }
0x15a: {  	v9 =	vor.u32 v6, v9;
	_ =	sdelay $0x3  }
0x15b: {  	s14 =	sadd.s32 $0x1, s13;
	[tilespmem:v10+s28+$0x0] =	vst.idx.msk $0xffff, v8  }
0x15c: {  	v8 =	vld.idx.msk [tilespmem:v9+s18+$0x0], $0xffff;
	v9 =	vadd.s32 s14, v5  }
0x15d: {  	v10 =	vor.u32 s13, v7;
	s13 =	smov.u32 s8;
	v9 =	vshll.u32 v9, $0x7  }
0x15e: {  	v11 =	vor.u32 v6, v9  }
.Ltmp24:
0x15f: {  	(pc) =	sbr.rel @p1 .LBB2_30-.Ltmp24, $3  }
0x160: {  	_ =	sdelay $0x1  }
0x161: {  	[tilespmem:v10+s28+$0x0] =	vst.idx.msk $0xffff, v8  }
0x162: {  	s8 =	sadd.s32 $0x2, s8;
	v9 =	vadd.s32 s13, v5;
	v8 =	vld.idx.msk [tilespmem:v11+s18+$0x0], $0xffff  }
0x163: {  	v9 =	vshll.u32 v9, $0x7;
	v10 =	vor.u32 s14, v7  }
0x164: {  	v9 =	vor.u32 v6, v9;
	_ =	sdelay $0x2  }
0x165: {  	s8 =	sadd.s32 $0x1, s13  }
0x166: {  	v5 =	vadd.s32 s8, v5;
	[tilespmem:v10+s28+$0x0] =	vst.idx.msk $0xffff, v8  }
0x167: {  	v63 =	vor.u32 s13, v7;
	v5 =	vshll.u32 v5, $0x7;
	v8 =	vld.idx.msk [tilespmem:v9+s18+$0x0], $0xffff  }
0x168: {  	v5 =	vor.u32 v6, v5;
	_ =	sdelay $0x3  }
0x169: {  	[tilespmem:v63+s28+$0x0] =	vst.idx.msk $0xffff, v8  }
0x16a: {  	v6 =	vor.u32 s8, v7;
	v5 =	vld.idx.msk [tilespmem:v5+s18+$0x0], $0xffff;
	_ =	sdelay $0x3  }
0x16b: {  	p1 =	seq.s32 s12, $0x1  }
0x16c: {  	s12 =	simm.s32 @p1 $0x1D280;
	s13 =	simm.s32 @p1 $0x1CA00;
	s8 =	simm.s32 @p1 $0x10;
	[tilespmem:v6+s28+$0x0] =	vst.idx.msk $0xffff, v5  }
0x16d: {  	[hbm4b:s3+s8] =	stream.indirect.scatter @p1 [tilespmem:s13], [sflag:$0x2], $0x80, s12, s8, $0xb8;
	[tilespmem:$0x1D300] =	vst v63  }
0x16e: {  	s8 =	simm.s32 @!p1 $0x10;
	s12 =	simm.s32 @!p1 $0x1D200;
	s13 =	simm.s32 @!p1 $0x1C200  }
0x16f: {  	[hbm4b:s3+s8] =	stream.indirect.scatter @!p1 [tilespmem:s13], [sflag:$0x2], $0x80, s12, s8, $0xb8;
	[tilespmem:$0x1D300] =	vst v63  }
0x170: {  	v5 =	vld [tilespmem:$0x1C110]  }
0x171: {  	v6 =	vld [tilespmem:$0x1C190]  }
.Ltmp25:
0x172: {  	_ = 	snop;
	(pc) =	sbr.rel .LBB2_32-.Ltmp25, $3  }
0x173: {  	_ =	sdelay $0x1  }
0x174: {  	[tilespmem:$0x1C100] =	vst v5  }
0x175: {  	s30 =	sadd.s32 $0x1, s30;
	s0 =	sadd.s32 $0xFFFFFFF0, s0;
	[tilespmem:$0x1C180] =	vst v6  }
.LBB2_33:
0x176: {  	p1 =	slt.s32 s0, $0x1  }
.Ltmp26:
0x177: {  	_ = 	snop;
	(pc) =	sbr.rel @p1 .LBB2_37-.Ltmp26, $1  }
0x178: {  	_ =	sdelay $0x3  }
0x179: {  	p1 =	slt.s32 s30, $0x2  }
0x17a: {  	s4 =	simm.s32 @!p1 $0x2  }
0x17b: {  	_ =	swait.ge @!p1 [sflag:s4], $0x800  }
0x17c: {  	[sflag:s4] =	ssyncset.done @!p1 $0x0  }
0x17d: {  	[sflag:s4] =	ssyncadd.s32 @!p1 $0xFFFFF800  }
0x17e: {  	v4 =	vld [tilespmem:$0x1C180]  }
0x17f: {  	v5 =	vld.msk [tilespmem:s0+$0x1C17F ss:$0x0], $0xffff;
	_ =	sdelay $0x2  }
0x180: {  	v6 =	vmov s0  }
0x181: {  	vm0 =	vgt.s32 v6, v0  }
0x182: {  	v5 =	vsel vm0, v4, v5  }
0x183: {  	s4 =	sand.u32 $0x1, s30;
	v4 =	vshrl.u32 v5, $0xB  }
0x184: {  	s8 =	simm.s32 $0x0;
	v6 =	vld [tilespmem:$0x1C100];
	v7 =	vmov s4;
	v4 =	vand.u32 $0x1FFFC0, v4  }
0x185: {  	v8 =	vld.msk [tilespmem:s0+$0x1C0FF ss:$0x0], $0xffff;
	v9 =	vshll.u32 v7, $0x7;
	v10 =	vadd.s32 s8, v4  }
0x186: {  	v9 =	vor.u32 v0, v9;
	v5 =	vand.u32 $0x7F, v5;
	v10 =	vshll.u32 v10, $0x7  }
0x187: {  	v10 =	vor.u32 v5, v10;
	_ =	sdelay $0x2  }
0x188: {  	s12 =	simm.s32 $0x1;
	v7 =	vshll.u32 v7, $0xB;
	v6 =	vsel vm0, v6, v8  }
0x189: {  	[tilespmem:v9+s26+$0x0] =	vst.idx.msk $0xffff, v6;
	v6 =	vor.u32 v3, v7;
	v7 =	vadd.s32 s12, v4  }
0x18a: {  	v9 =	vor.u32 s8, v6;
	v7 =	vshll.u32 v7, $0x7;
	v8 =	vld.idx.msk [tilespmem:v10+s18+$0x0], $0xffff  }
0x18b: {  	v7 =	vor.u32 v5, v7;
	_ =	sdelay $0x3  }
0x18c: {  	s0 =	simm.s32 $0x2;
	[tilespmem:v9+s28+$0x0] =	vst.idx.msk $0xffff, v8  }
0x18d: {  	s8 =	simm.s32 $0x4;
	v8 =	vadd.s32 s0, v4;
	v7 =	vld.idx.msk [tilespmem:v7+s18+$0x0], $0xffff  }
.LBB2_35:
0x18e: {  	p1 =	sne.s32 s8, $0x3E;
	v8 =	vshll.u32 v8, $0x7;
	v9 =	vor.u32 s12, v6  }
0x18f: {  	v8 =	vor.u32 v5, v8;
	_ =	sdelay $0x3  }
0x190: {  	s12 =	sadd.s32 $0x1, s0;
	[tilespmem:v9+s28+$0x0] =	vst.idx.msk $0xffff, v7  }
0x191: {  	v7 =	vld.idx.msk [tilespmem:v8+s18+$0x0], $0xffff;
	v8 =	vadd.s32 s12, v4  }
0x192: {  	v9 =	vor.u32 s0, v6;
	s0 =	smov.u32 s8;
	v8 =	vshll.u32 v8, $0x7  }
0x193: {  	v10 =	vor.u32 v5, v8  }
.Ltmp27:
0x194: {  	(pc) =	sbr.rel @p1 .LBB2_35-.Ltmp27, $3  }
0x195: {  	_ =	sdelay $0x1  }
0x196: {  	[tilespmem:v9+s28+$0x0] =	vst.idx.msk $0xffff, v7  }
0x197: {  	s8 =	sadd.s32 $0x2, s8;
	v8 =	vadd.s32 s0, v4;
	v7 =	vld.idx.msk [tilespmem:v10+s18+$0x0], $0xffff  }
0x198: {  	v8 =	vshll.u32 v8, $0x7;
	v9 =	vor.u32 s12, v6  }
0x199: {  	v8 =	vor.u32 v5, v8;
	_ =	sdelay $0x2  }
0x19a: {  	s8 =	sadd.s32 $0x1, s0  }
0x19b: {  	v4 =	vadd.s32 s8, v4;
	[tilespmem:v9+s28+$0x0] =	vst.idx.msk $0xffff, v7  }
0x19c: {  	v63 =	vor.u32 s0, v6;
	v4 =	vshll.u32 v4, $0x7;
	v7 =	vld.idx.msk [tilespmem:v8+s18+$0x0], $0xffff  }
0x19d: {  	v4 =	vor.u32 v5, v4;
	_ =	sdelay $0x3  }
0x19e: {  	[tilespmem:v63+s28+$0x0] =	vst.idx.msk $0xffff, v7  }
0x19f: {  	v5 =	vor.u32 s8, v6;
	v4 =	vld.idx.msk [tilespmem:v4+s18+$0x0], $0xffff;
	_ =	sdelay $0x3  }
.Ltmp28:
0x1a0: {  	p1 =	seq.s32 s4, $0x1;
	s30 =	sadd.s32 $0x1, s30;
	(pc) =	sbr.rel .LBB2_37-.Ltmp28, $4  }
0x1a1: {  	s0 =	simm.s32 @p1 $0x10;
	s4 =	simm.s32 @p1 $0x1D280;
	s8 =	simm.s32 @p1 $0x1CA00;
	[tilespmem:v5+s28+$0x0] =	vst.idx.msk $0xffff, v4  }
0x1a2: {  	[hbm4b:s3+s0] =	stream.indirect.scatter @p1 [tilespmem:s8], [sflag:$0x2], $0x80, s4, s0, $0xb8;
	[tilespmem:$0x1D300] =	vst v63  }
0x1a3: {  	s0 =	simm.s32 @!p1 $0x10;
	s4 =	simm.s32 @!p1 $0x1D200;
	s8 =	simm.s32 @!p1 $0x1C200  }
0x1a4: {  	[hbm4b:s3+s0] =	stream.indirect.scatter @!p1 [tilespmem:s8], [sflag:$0x2], $0x80, s4, s0, $0xb8;
	[tilespmem:$0x1D300] =	vst v63  }
.LBB2_38:
0x1a5: {  	_ =	sfence.sel $0x180000  }
0x1a6: {  	[bflag:$0x0] =	sbarrier.arrive $0xFFFF  }
0x1a7: {  	_ =	strace $0x90000047  }
0x1a8: {  	s0 =	stileid.u32;
	[bflag:$0x2] =	sbarrier.arrive $0xFFFF  }
0x1a9: {  	p0 =	sne.s32 s0, $0x0;
	s0 =	rddreg [dreg:$0x4]  }
0x1aa: {  	s0 =	sadd.s32 @!p0 $0x100000, s0  }
0x1ab: {  	[sflag:s0] =	ssyncadd.tile.s32 @!p0 $0x1;
	_ =	shalt  }
.Lfunc_end2:
_tile_overlayer_lowered:
.L_overlay_start_2:
0x1ac: {  	(tag) =	ssettag $0x2  }
0x1ad: {  	s0 =	rddreg [dreg:$0x0];
	s2 =	stileid.u32  }
0x1ae: {  	s1 =	rddreg [dreg:$0x1];
	p0 =	sne.s32 s2, $0x0  }
0x1af: {  	s3 =	rddreg [dreg:$0x2];
	[bflag:$0x3] =	sbarrier.arrive $0xFFFF;
	s2 =	simm.s32 @!p0 $0x1C03  }
0x1b0: {  	[timem:s3], [sflag:s2] =	dma.local @!p0 [hbm:s0], s1  }
0x1b1: {  	s0 =	simm.s32 @!p0 $0x3  }
0x1b2: {  	_ =	swait.ge @!p0 [sflag:s0], s1  }
0x1b3: {  	s1 =	ssub.s32 @!p0 $0x0, s1;
	[sflag:s0] =	ssyncset.done @!p0 $0x0  }
0x1b4: {  	[sflag:s0] =	ssyncadd.s32 @!p0 s1  }
0x1b5: {  	[bflag:$0x3] =	sbarrier.arrive $0xFFFF  }
0x1b6: {  	_ =	shalt  }

</sc_bundles>
